<compile_context>
chip_gen: v7x
topology: tpu7x:2x2x1
jax: 0.10.2.dev20260603
libtpu: 0.0.44.dev20260713+nightly
codegen_flags: <defaults>
</compile_context>

<pallas_src>
import functools

import numpy as np
import jax
import jax.numpy as jnp
from jax import lax
from jax.experimental import pallas as pl
from jax.experimental.pallas import tpu as pltpu
from jax.experimental.pallas import tpu_sc as plsc

H = 2048
N2 = 2 * H
MAX_HEIGHT = np.float32(1.2e-06)
PHI_SCALE = np.float32((2.0 * np.pi / 5.5e-07) * (1.5 - 1.0))

NC = 2
NS = 16
L = 16
NW = NC * NS


def _isqrt_exact(n):
    nf = n.astype(jnp.float32)
    gi = jnp.int32(0x5F3759DF) - lax.shift_right_arithmetic(
        lax.bitcast_convert_type(nf, jnp.int32), 1)
    g = lax.bitcast_convert_type(gi, jnp.float32)
    hn = nf * jnp.float32(0.5)
    g = g * (jnp.float32(1.5) - hn * g * g)
    g = g * (jnp.float32(1.5) - hn * g * g)
    r = (nf * g).astype(jnp.int32)
    rp = r + 1
    r = jnp.where(rp * rp <= n, rp, r)
    r = jnp.where(r * r > n, r - 1, r)
    return r


def _sc_radial_map(hms_flat):
    mesh = plsc.VectorSubcoreMesh(core_axis_name="c", subcore_axis_name="s")
    rows_per_w = H // NW

    @functools.partial(
        pl.kernel,
        out_type=jax.ShapeDtypeStruct((N2, N2), jnp.float32),
        mesh=mesh,
        compiler_params=pltpu.CompilerParams(needs_layout_passes=False),
        scratch_types=[
            pltpu.VMEM((H,), jnp.float32),
            pltpu.VMEM((N2,), jnp.float32),
            pltpu.VMEM((H + L,), jnp.int32),
            pltpu.VMEM((H + L,), jnp.int32),
            pltpu.VMEM((H + L,), jnp.float32),
            pltpu.VMEM((4 * N2,), jnp.float32),
            pltpu.SemaphoreType.DMA,
        ],
    )
    def sc_kernel(hms_hbm, out_hbm, hms_v, table_v, dsq_v, rcur_v, rhalf_v,
                  rowbuf_v, sem):
        cid = lax.axis_index("c")
        sid = lax.axis_index("s")
        wid = sid * NC + cid

        pltpu.sync_copy(hms_hbm, hms_v)
        iota = lax.iota(jnp.int32, L)

        @plsc.parallel_loop(0, H + L, L, unroll=4)
        def dsq_init(base):
            d = base + iota
            dsq_v[pl.ds(base, L)] = d * d

        @plsc.parallel_loop(0, H, L, unroll=4)
        def table_init(base):
            x = hms_v[pl.ds(base, L)]
            table_v[pl.ds(base, L)] = lax.rem(x * x, MAX_HEIGHT)
            table_v[pl.ds(H + base, L)] = jnp.zeros((L,), jnp.float32)

        def mirror_left(bbase):
            @plsc.parallel_loop(0, H, L, unroll=8)
            def left_body(jbase):
                v = rhalf_v[pl.ds(H - jbase - (L - 1), L)]
                rowbuf_v[pl.ds(bbase + jbase, L)] = lax.rev(v, (0,))

        def fill_row_boot(row, bbase):
            x = row - H
            xsq = x * x

            @plsc.parallel_loop(0, H, L, unroll=8)
            def right_body(dbase):
                n = xsq + dsq_v[pl.ds(dbase, L)]
                r = _isqrt_exact(n)
                rcur_v[pl.ds(dbase, L)] = r
                vals = plsc.load_gather(table_v, [r])
                rowbuf_v[pl.ds(bbase + H + dbase, L)] = vals
                rhalf_v[pl.ds(dbase, L)] = vals

            n_t = xsq + dsq_v[pl.ds(H, L)]
            r_t = _isqrt_exact(n_t)
            rcur_v[pl.ds(H, L)] = r_t
            rhalf_v[pl.ds(H, L)] = plsc.load_gather(table_v, [r_t])

            mirror_left(bbase)

        def fill_row_incr(row, bbase):
            x = row - H
            xsq = x * x

            @plsc.parallel_loop(0, H, L, unroll=8)
            def right_body(dbase):
                n = xsq + dsq_v[pl.ds(dbase, L)]
                r = rcur_v[pl.ds(dbase, L)]
                r = jnp.where(r * r > n, r - 1, r)
                rcur_v[pl.ds(dbase, L)] = r
                vals = plsc.load_gather(table_v, [r])
                rowbuf_v[pl.ds(bbase + H + dbase, L)] = vals
                rhalf_v[pl.ds(dbase, L)] = vals

            n_t = xsq + dsq_v[pl.ds(H, L)]
            r_t = rcur_v[pl.ds(H, L)]
            r_t = jnp.where(r_t * r_t > n_t, r_t - 1, r_t)
            rcur_v[pl.ds(H, L)] = r_t
            rhalf_v[pl.ds(H, L)] = plsc.load_gather(table_v, [r_t])

            mirror_left(bbase)

        row0 = wid * rows_per_w

        def row_quad(qq, _):
            for b in range(4):
                rr = qq * 4 + b
                row = row0 + rr
                bbase = b * N2

                @pl.when(qq >= 1)
                def _wait_prev():
                    pltpu.make_async_copy(
                        rowbuf_v.at[pl.ds(bbase, N2)],
                        out_hbm.at[row], sem).wait()

                    @pl.when(row - 4 >= 1)
                    def _wait_mirror():
                        pltpu.make_async_copy(
                            rowbuf_v.at[pl.ds(bbase, N2)],
                            out_hbm.at[row], sem).wait()

                if b == 0:
                    @pl.when(qq == 0)
                    def _boot():
                        fill_row_boot(row, bbase)

                    @pl.when(qq > 0)
                    def _incr():
                        fill_row_incr(row, bbase)
                else:
                    fill_row_incr(row, bbase)
                pltpu.async_copy(
                    rowbuf_v.at[pl.ds(bbase, N2)],
                    out_hbm.at[row], sem)

                @pl.when(row >= 1)
                def _mirror():
                    pltpu.async_copy(
                        rowbuf_v.at[pl.ds(bbase, N2)],
                        out_hbm.at[N2 - row], sem)
            return 0

        lax.fori_loop(0, rows_per_w // 4, row_quad, 0)

        for _ in range(2):
            for b in range(4):
                pltpu.make_async_copy(
                    rowbuf_v.at[pl.ds(b * N2, N2)],
                    out_hbm.at[0], sem).wait()

        @pl.when(wid == NW - 1)
        def _center():
            fill_row_boot(H, 0)
            pltpu.async_copy(
                rowbuf_v.at[pl.ds(0, N2)], out_hbm.at[H], sem)
            pltpu.make_async_copy(
                rowbuf_v.at[pl.ds(0, N2)], out_hbm.at[H], sem).wait()

    return sc_kernel(hms_flat)


def _tc_body(x_ref, h_ref, hm_ref, re_ref, im_ref):
    h = h_ref[...]
    hm = lax.rem(h * h, MAX_HEIGHT)
    hm_ref[...] = hm
    phi = hm * PHI_SCALE
    c = jnp.cos(phi)
    s = jnp.sin(phi)
    x = x_ref[...]
    re_ref[...] = x * c
    im_ref[...] = x * s


def _tc_small(x3, h2):
    return pl.pallas_call(
        _tc_body,
        out_shape=[
            jax.ShapeDtypeStruct((16, 128), jnp.float32),
            jax.ShapeDtypeStruct((4, 16, 128), jnp.float32),
            jax.ShapeDtypeStruct((4, 16, 128), jnp.float32),
        ],
    )(x3, h2)


def kernel(input_field, height_map_sqrt):
    x3 = input_field.reshape(4, 16, 128)
    h2 = height_map_sqrt.reshape(16, 128)
    hm2, re3, im3 = _tc_small(x3, h2)
    hma = _sc_radial_map(height_map_sqrt.reshape(H))
    out = lax.complex(re3.reshape(4, H, 1, 1), im3.reshape(4, H, 1, 1))
    height_map = hm2.reshape(1, H, 1, 1)
    return out, height_map, hma.reshape(1, N2, N2, 1)

# --- scband reference (transcript-rebuilt; emitter-appended) ---
"""Pipeline reference for scband-doe-1-d-array-ablation-88862873354789 (READ-ONLY COPY).

The authoritative reference and input builder live on the scoring server;
editing this copy changes nothing except your own understanding.
"""

import jax, jax.numpy as jnp
import numpy as np

HEIGHT = 2048
MAX_HEIGHT = 1.2e-06
WAVE_LENGTH = 5.5e-07
REFR_IDX = 1.5

def _radius_index(height):
    x, y = np.mgrid[-height:height, -height:height]
    R = np.sqrt(x ** 2 + y ** 2).astype(np.int32)
    return R.reshape(-1)

_R_IDX = _radius_index(HEIGHT)

def setup_inputs(seed: int = 0):
    key = jax.random.key(seed)
    k1, k2 = jax.random.split(key)
    input_field = jax.random.normal(k1, (4, HEIGHT, 1, 1), dtype=jnp.float32)
    # learned parameter (height_map_sqrt variable), init value 1e-4 as in the original module
    height_map_sqrt = jnp.ones((1, HEIGHT, 1, 1), dtype=jnp.float32) * 1e-4
    return {"input_field": input_field, "height_map_sqrt": height_map_sqrt}

def _forward(input_field, height_map_sqrt):
    height = HEIGHT
    # square-parameterized height map, wrapped by max_height (isfall=False, quantization=False path)
    height_map_temp = jnp.square(height_map_sqrt)
    height_map = jnp.mod(height_map_temp, jnp.float32(MAX_HEIGHT))
    # psf1D_to_2D_half: pad 1D profile with zeros then radial gather into 2D
    psf = height_map.astype(jnp.float32)
    psf_temp = jnp.concatenate([psf, jnp.zeros((1, height, 1, 1), jnp.float32)], axis=1)
    psf2D = jnp.take(psf_temp, _R_IDX, axis=1)
    height_map_all = psf2D.reshape(1, 2 * height, 2 * height, 1)
    # height_tolerance is None -> no random perturbation
    height_map1 = height_map
    delta_N = REFR_IDX - 1.0
    wave_no = 2.0 * np.pi / WAVE_LENGTH
    phi = wave_no * delta_N * jnp.tile(height_map1, (4, 1, 1, 1))
    # compl_exp_tf via Euler's formula, complex64
    phase_shifts = jnp.cos(phi).astype(jnp.complex64) + 1j * jnp.sin(phi).astype(jnp.complex64)
    out = phase_shifts * input_field.astype(jnp.complex64)
    return out, height_map, height_map_all

def reference(input_field, height_map_sqrt):
    return _forward(input_field, height_map_sqrt)

if __name__ == "__main__":
    import jax
    _d = setup_inputs()
    print(jax.jit(kernel)(*tuple(_d.values())))

</pallas_src>

<mosaic_0001>
#map = affine_map<(d0, d1) -> (0)>
#map1 = affine_map<(d0, d1) -> (0, 0)>
module attributes {stable_mosaic.version = 14 : i64} {
  func.func @sc_kernel(%arg0: i32, %arg1: i32, %arg2: memref<2048xf32, #tpu.memory_space<hbm>>, %arg3: memref<4096x4096xf32, #tpu.memory_space<hbm>>, %arg4: memref<2048xf32, #tpu.memory_space<vmem>>, %arg5: memref<4096xf32, #tpu.memory_space<vmem>>, %arg6: memref<2064xi32, #tpu.memory_space<vmem>>, %arg7: memref<2064xi32, #tpu.memory_space<vmem>>, %arg8: memref<2064xf32, #tpu.memory_space<vmem>>, %arg9: memref<16384xf32, #tpu.memory_space<vmem>>, %arg10: memref<!tpu.dma_semaphore, #tpu.memory_space<semaphore_mem>>) attributes {dimension_semantics = [#tpu.dimension_semantics<core_parallel>, #tpu.dimension_semantics<subcore_parallel>], iteration_bounds = array<i64: 2, 16>, scalar_prefetch = 0 : i64, scratch_operands = 7 : i64, tpu.core_type = #tpu.core_type<sc_vector_subcore>, window_params = [{transform_indices = #map}, {transform_indices = #map1}]} {
    %mul3A = arith.constant 2 : i32
    %mul3A_0 = arith.muli %arg1, %mul3A : i32
    %add3A = arith.addi %mul3A_0, %arg0 : i32
    "tpu.region"() ({
      %run_scoped3A = tpu.sem_alloc : memref<!tpu.dma_semaphore, #tpu.memory_space<semaphore_mem>>
      tpu.enqueue_dma source(%arg2 : memref<2048xf32, #tpu.memory_space<hbm>>) target(%arg4 : memref<2048xf32, #tpu.memory_space<vmem>>) target_semaphore(%run_scoped3A : memref<!tpu.dma_semaphore, #tpu.memory_space<semaphore_mem>>)
      tpu.wait_dma2 semaphore(%run_scoped3A : memref<!tpu.dma_semaphore, #tpu.memory_space<semaphore_mem>>) src(%arg2 : memref<2048xf32, #tpu.memory_space<hbm>>) dst(%arg4 : memref<2048xf32, #tpu.memory_space<vmem>>)
      tpu.yield
    }) : () -> ()
    %iota3A = tpu.iota {dimensions = array<i32: 0>} : vector<16xi32>
    %parallel_loop3A = arith.constant 0 : i32
    %parallel_loop3A_1 = arith.constant 2064 : i32
    %parallel_loop3A_2 = arith.constant 16 : i32
    scf.for %parallel_loop3A_103 = %parallel_loop3A to %parallel_loop3A_1 step %parallel_loop3A_2  : i32 {
      %parallel_loop3A_104 = vector.broadcast %parallel_loop3A_103 : i32 to vector<16xi32>
      %parallel_loop3A_105 = arith.addi %parallel_loop3A_104, %iota3A : vector<16xi32>
      %parallel_loop3A_106 = arith.muli %parallel_loop3A_105, %parallel_loop3A_105 : vector<16xi32>
      %parallel_loop3A_107 = arith.index_cast %parallel_loop3A_103 : i32 to index
      %parallel_loop3A_108 = tpu.vector_load %arg6[%parallel_loop3A_107] {strides = array<i32>} : memref<2064xi32, #tpu.memory_space<vmem>>, vector<16xi32>,
      tpu.vector_store %arg6[%parallel_loop3A_107], %parallel_loop3A_106 {strides = array<i32>} : memref<2064xi32, #tpu.memory_space<vmem>>, vector<16xi32>,
    } {sc.loop_unroll_factor = 4 : i64, sc.parallel_access}
    %parallel_loop3A_3 = arith.constant 0 : i32
    %parallel_loop3A_4 = arith.constant 2048 : i32
    %parallel_loop3A_5 = arith.constant 16 : i32
    scf.for %parallel_loop3A_103 = %parallel_loop3A_3 to %parallel_loop3A_4 step %parallel_loop3A_5  : i32 {
      %parallel_loop3A_104 = arith.index_cast %parallel_loop3A_103 : i32 to index
      %parallel_loop3A_105 = tpu.vector_load %arg4[%parallel_loop3A_104] {strides = array<i32>} : memref<2048xf32, #tpu.memory_space<vmem>>, vector<16xf32>,
      %parallel_loop3A_106 = arith.mulf %parallel_loop3A_105, %parallel_loop3A_105 : vector<16xf32>
      %parallel_loop3A_107 = arith.constant 1.200000e-06 : f32
      %parallel_loop3A_108 = vector.broadcast %parallel_loop3A_107 : f32 to vector<16xf32>
      %parallel_loop3A_109 = arith.remf %parallel_loop3A_106, %parallel_loop3A_108 : vector<16xf32>
      %parallel_loop3A_110 = arith.index_cast %parallel_loop3A_103 : i32 to index
      %parallel_loop3A_111 = tpu.vector_load %arg5[%parallel_loop3A_110] {strides = array<i32>} : memref<4096xf32, #tpu.memory_space<vmem>>, vector<16xf32>,
      tpu.vector_store %arg5[%parallel_loop3A_110], %parallel_loop3A_109 {strides = array<i32>} : memref<4096xf32, #tpu.memory_space<vmem>>, vector<16xf32>,
      %parallel_loop3A_112 = arith.constant 0.000000e+00 : f32
      %parallel_loop3A_113 = vector.broadcast %parallel_loop3A_112 : f32 to vector<16xf32>
      %parallel_loop3A_114 = arith.constant 2048 : i32
      %parallel_loop3A_115 = arith.addi %parallel_loop3A_114, %parallel_loop3A_103 : i32
      %parallel_loop3A_116 = arith.index_cast %parallel_loop3A_115 : i32 to index
      %parallel_loop3A_117 = tpu.vector_load %arg5[%parallel_loop3A_116] {strides = array<i32>} : memref<4096xf32, #tpu.memory_space<vmem>>, vector<16xf32>,
      tpu.vector_store %arg5[%parallel_loop3A_116], %parallel_loop3A_113 {strides = array<i32>} : memref<4096xf32, #tpu.memory_space<vmem>>, vector<16xf32>,
    } {sc.loop_unroll_factor = 4 : i64, sc.parallel_access}
    %mul3A_6 = arith.constant 64 : i32
    %mul3A_7 = arith.muli %add3A, %mul3A_6 : i32
    %scan3A = arith.constant 0 : i32
    %scan3A_8 = arith.constant 0 : i32
    %scan3A_9 = arith.constant 16 : i32
    %scan3A_10 = arith.addi %scan3A_8, %scan3A_9 : i32
    %scan3A_11 = arith.constant 1 : i32
    %scan3A_12 = scf.for %scan3A_103 = %scan3A_8 to %scan3A_10 step %scan3A_11 iter_args(%scan3A_104 = %scan3A) -> (i32)  : i32 {
      %mul3A_105 = arith.constant 4 : i32
      %mul3A_106 = arith.muli %scan3A_103, %mul3A_105 : i32
      %add3A_107 = arith.constant 0 : i32
      %add3A_108 = arith.addi %mul3A_106, %add3A_107 : i32
      %add3A_109 = arith.addi %mul3A_7, %add3A_108 : i32
      %ge3A = arith.constant 1 : i32
      %ge3A_110 = arith.cmpi sge, %scan3A_103, %ge3A : i32
      %convert_element_type3A_111 = arith.extui %ge3A_110 : i1 to i32
      %cond3A_112 = arith.constant 0 : i32
      %cond3A_113 = arith.cmpi ne, %convert_element_type3A_111, %cond3A_112 : i32
      scf.if %cond3A_113 {
        %dma_wait3A_286 = arith.constant 0 : i32
        %dma_wait3A_287 = tpu.memref_slice %arg9[%dma_wait3A_286] : memref<16384xf32, #tpu.memory_space<vmem>> -> memref<4096xf32, #tpu.memory_space<vmem>>
        %dma_wait3A_288 = arith.constant 0 : i32
        %dma_wait3A_289 = tpu.memref_slice %arg3[%add3A_109, %dma_wait3A_288] : memref<4096x4096xf32, #tpu.memory_space<hbm>> -> memref<1x4096xf32, #tpu.memory_space<hbm>>
        %dma_wait3A_290 = tpu.memref_squeeze %dma_wait3A_289 : memref<1x4096xf32, #tpu.memory_space<hbm>> -> memref<4096xf32, #tpu.memory_space<hbm>>
        %dma_wait3A_291 = arith.constant 0 : i32
        %dma_wait3A_292 = tpu.memref_slice %arg3[%add3A_109, %dma_wait3A_291] : memref<4096x4096xf32, #tpu.memory_space<hbm>> -> memref<1x4096xf32, #tpu.memory_space<hbm>>
        %dma_wait3A_293 = tpu.memref_squeeze %dma_wait3A_292 : memref<1x4096xf32, #tpu.memory_space<hbm>> -> memref<4096xf32, #tpu.memory_space<hbm>>
        %dma_wait3A_294 = arith.constant 0 : i32
        %dma_wait3A_295 = tpu.memref_slice %arg9[%dma_wait3A_294] : memref<16384xf32, #tpu.memory_space<vmem>> -> memref<4096xf32, #tpu.memory_space<vmem>>
        tpu.wait_dma2 semaphore(%arg10 : memref<!tpu.dma_semaphore, #tpu.memory_space<semaphore_mem>>) src(%dma_wait3A_295 : memref<4096xf32, #tpu.memory_space<vmem>>) dst(%dma_wait3A_293 : memref<4096xf32, #tpu.memory_space<hbm>>)
        %sub3A_296 = arith.constant 4 : i32
        %sub3A_297 = arith.subi %add3A_109, %sub3A_296 : i32
        %ge3A_298 = arith.constant 1 : i32
        %ge3A_299 = arith.cmpi sge, %sub3A_297, %ge3A_298 : i32
        %convert_element_type3A_300 = arith.extui %ge3A_299 : i1 to i32
        %cond3A_301 = arith.constant 0 : i32
        %cond3A_302 = arith.cmpi ne, %convert_element_type3A_300, %cond3A_301 : i32
        scf.if %cond3A_302 {
          %dma_wait3A_303 = arith.constant 0 : i32
          %dma_wait3A_304 = tpu.memref_slice %arg9[%dma_wait3A_303] : memref<16384xf32, #tpu.memory_space<vmem>> -> memref<4096xf32, #tpu.memory_space<vmem>>
          %dma_wait3A_305 = arith.constant 0 : i32
          %dma_wait3A_306 = tpu.memref_slice %arg3[%add3A_109, %dma_wait3A_305] : memref<4096x4096xf32, #tpu.memory_space<hbm>> -> memref<1x4096xf32, #tpu.memory_space<hbm>>
          %dma_wait3A_307 = tpu.memref_squeeze %dma_wait3A_306 : memref<1x4096xf32, #tpu.memory_space<hbm>> -> memref<4096xf32, #tpu.memory_space<hbm>>
          %dma_wait3A_308 = arith.constant 0 : i32
          %dma_wait3A_309 = tpu.memref_slice %arg3[%add3A_109, %dma_wait3A_308] : memref<4096x4096xf32, #tpu.memory_space<hbm>> -> memref<1x4096xf32, #tpu.memory_space<hbm>>
          %dma_wait3A_310 = tpu.memref_squeeze %dma_wait3A_309 : memref<1x4096xf32, #tpu.memory_space<hbm>> -> memref<4096xf32, #tpu.memory_space<hbm>>
          %dma_wait3A_311 = arith.constant 0 : i32
          %dma_wait3A_312 = tpu.memref_slice %arg9[%dma_wait3A_311] : memref<16384xf32, #tpu.memory_space<vmem>> -> memref<4096xf32, #tpu.memory_space<vmem>>
          tpu.wait_dma2 semaphore(%arg10 : memref<!tpu.dma_semaphore, #tpu.memory_space<semaphore_mem>>) src(%dma_wait3A_312 : memref<4096xf32, #tpu.memory_space<vmem>>) dst(%dma_wait3A_310 : memref<4096xf32, #tpu.memory_space<hbm>>)
        } else {
        }
      } else {
      }
      %eq3A_114 = arith.constant 0 : i32
      %eq3A_115 = arith.cmpi eq, %scan3A_103, %eq3A_114 : i32
      %convert_element_type3A_116 = arith.extui %eq3A_115 : i1 to i32
      %cond3A_117 = arith.constant 0 : i32
      %cond3A_118 = arith.cmpi ne, %convert_element_type3A_116, %cond3A_117 : i32
      scf.if %cond3A_118 {
        %sub3A_286 = arith.constant 2048 : i32
        %sub3A_287 = arith.subi %add3A_109, %sub3A_286 : i32
        %mul3A_288 = arith.muli %sub3A_287, %sub3A_287 : i32
        %parallel_loop3A_289 = arith.constant 0 : i32
        %parallel_loop3A_290 = arith.constant 2048 : i32
        %parallel_loop3A_291 = arith.constant 16 : i32
        scf.for %parallel_loop3A_339 = %parallel_loop3A_289 to %parallel_loop3A_290 step %parallel_loop3A_291  : i32 {
          %parallel_loop3A_340 = arith.index_cast %parallel_loop3A_339 : i32 to index
          %parallel_loop3A_341 = tpu.vector_load %arg6[%parallel_loop3A_340] {strides = array<i32>} : memref<2064xi32, #tpu.memory_space<vmem>>, vector<16xi32>,
          %parallel_loop3A_342 = vector.broadcast %mul3A_288 : i32 to vector<16xi32>
          %parallel_loop3A_343 = arith.addi %parallel_loop3A_342, %parallel_loop3A_341 : vector<16xi32>
          %parallel_loop3A_344 = arith.sitofp %parallel_loop3A_343 : vector<16xi32> to vector<16xf32>
          %parallel_loop3A_345 = tpu.bitcast %parallel_loop3A_344 : vector<16xf32> -> vector<16xi32>
          %parallel_loop3A_346 = arith.constant 1 : i32
          %parallel_loop3A_347 = vector.broadcast %parallel_loop3A_346 : i32 to vector<16xi32>
          %parallel_loop3A_348 = arith.shrsi %parallel_loop3A_345, %parallel_loop3A_347 : vector<16xi32>
          %parallel_loop3A_349 = arith.constant 1597463007 : i32
          %parallel_loop3A_350 = vector.broadcast %parallel_loop3A_349 : i32 to vector<16xi32>
          %parallel_loop3A_351 = arith.subi %parallel_loop3A_350, %parallel_loop3A_348 : vector<16xi32>
          %parallel_loop3A_352 = tpu.bitcast %parallel_loop3A_351 : vector<16xi32> -> vector<16xf32>
          %parallel_loop3A_353 = arith.constant 5.000000e-01 : f32
          %parallel_loop3A_354 = vector.broadcast %parallel_loop3A_353 : f32 to vector<16xf32>
          %parallel_loop3A_355 = arith.mulf %parallel_loop3A_344, %parallel_loop3A_354 : vector<16xf32>
          %parallel_loop3A_356 = arith.mulf %parallel_loop3A_355, %parallel_loop3A_352 : vector<16xf32>
          %parallel_loop3A_357 = arith.mulf %parallel_loop3A_356, %parallel_loop3A_352 : vector<16xf32>
          %parallel_loop3A_358 = arith.constant 1.500000e+00 : f32
          %parallel_loop3A_359 = vector.broadcast %parallel_loop3A_358 : f32 to vector<16xf32>
          %parallel_loop3A_360 = arith.subf %parallel_loop3A_359, %parallel_loop3A_357 : vector<16xf32>
          %parallel_loop3A_361 = arith.mulf %parallel_loop3A_352, %parallel_loop3A_360 : vector<16xf32>
          %parallel_loop3A_362 = arith.mulf %parallel_loop3A_355, %parallel_loop3A_361 : vector<16xf32>
          %parallel_loop3A_363 = arith.mulf %parallel_loop3A_362, %parallel_loop3A_361 : vector<16xf32>
          %parallel_loop3A_364 = arith.constant 1.500000e+00 : f32
          %parallel_loop3A_365 = vector.broadcast %parallel_loop3A_364 : f32 to vector<16xf32>
          %parallel_loop3A_366 = arith.subf %parallel_loop3A_365, %parallel_loop3A_363 : vector<16xf32>
          %parallel_loop3A_367 = arith.mulf %parallel_loop3A_361, %parallel_loop3A_366 : vector<16xf32>
          %parallel_loop3A_368 = arith.mulf %parallel_loop3A_344, %parallel_loop3A_367 : vector<16xf32>
          %parallel_loop3A_369 = arith.fptosi %parallel_loop3A_368 : vector<16xf32> to vector<16xi32>
          %parallel_loop3A_370 = arith.constant 1 : i32
          %parallel_loop3A_371 = vector.broadcast %parallel_loop3A_370 : i32 to vector<16xi32>
          %parallel_loop3A_372 = arith.addi %parallel_loop3A_369, %parallel_loop3A_371 : vector<16xi32>
          %parallel_loop3A_373 = arith.muli %parallel_loop3A_372, %parallel_loop3A_372 : vector<16xi32>
          %parallel_loop3A_374 = arith.cmpi sle, %parallel_loop3A_373, %parallel_loop3A_343 : vector<16xi32>
          %parallel_loop3A_375 = arith.select %parallel_loop3A_374, %parallel_loop3A_372, %parallel_loop3A_369 : vector<16xi1>, vector<16xi32>
          %parallel_loop3A_376 = arith.muli %parallel_loop3A_375, %parallel_loop3A_375 : vector<16xi32>
          %parallel_loop3A_377 = arith.cmpi sgt, %parallel_loop3A_376, %parallel_loop3A_343 : vector<16xi32>
          %parallel_loop3A_378 = arith.constant 1 : i32
          %parallel_loop3A_379 = vector.broadcast %parallel_loop3A_378 : i32 to vector<16xi32>
          %parallel_loop3A_380 = arith.subi %parallel_loop3A_375, %parallel_loop3A_379 : vector<16xi32>
          %parallel_loop3A_381 = arith.select %parallel_loop3A_377, %parallel_loop3A_380, %parallel_loop3A_375 : vector<16xi1>, vector<16xi32>
          %parallel_loop3A_382 = arith.index_cast %parallel_loop3A_339 : i32 to index
          %parallel_loop3A_383 = tpu.vector_load %arg7[%parallel_loop3A_382] {strides = array<i32>} : memref<2064xi32, #tpu.memory_space<vmem>>, vector<16xi32>,
          tpu.vector_store %arg7[%parallel_loop3A_382], %parallel_loop3A_381 {strides = array<i32>} : memref<2064xi32, #tpu.memory_space<vmem>>, vector<16xi32>,
          %parallel_loop3A_384 = tpu.vector_load_idx %arg5[%parallel_loop3A_381] : memref<4096xf32, #tpu.memory_space<vmem>>[vector<16xi32>], vector<16xf32>,
          %parallel_loop3A_385 = arith.constant 2048 : i32
          %parallel_loop3A_386 = arith.addi %parallel_loop3A_385, %parallel_loop3A_339 : i32
          %parallel_loop3A_387 = arith.index_cast %parallel_loop3A_386 : i32 to index
          %parallel_loop3A_388 = tpu.vector_load %arg9[%parallel_loop3A_387] {strides = array<i32>} : memref<16384xf32, #tpu.memory_space<vmem>>, vector<16xf32>,
          tpu.vector_store %arg9[%parallel_loop3A_387], %parallel_loop3A_384 {strides = array<i32>} : memref<16384xf32, #tpu.memory_space<vmem>>, vector<16xf32>,
          %parallel_loop3A_389 = arith.index_cast %parallel_loop3A_339 : i32 to index
          %parallel_loop3A_390 = tpu.vector_load %arg8[%parallel_loop3A_389] {strides = array<i32>} : memref<2064xf32, #tpu.memory_space<vmem>>, vector<16xf32>,
          tpu.vector_store %arg8[%parallel_loop3A_389], %parallel_loop3A_384 {strides = array<i32>} : memref<2064xf32, #tpu.memory_space<vmem>>, vector<16xf32>,
        } {sc.loop_unroll_factor = 8 : i64, sc.parallel_access}
        %get3A_292 = arith.constant 2048 : index
        %get3A_293 = tpu.vector_load %arg6[%get3A_292] {strides = array<i32>} : memref<2064xi32, #tpu.memory_space<vmem>>, vector<16xi32>,
        %add3A_294 = vector.broadcast %mul3A_288 : i32 to vector<16xi32>
        %add3A_295 = arith.addi %add3A_294, %get3A_293 : vector<16xi32>
        %convert_element_type3A_296 = arith.sitofp %add3A_295 : vector<16xi32> to vector<16xf32>
        %bitcast_convert_type3A = tpu.bitcast %convert_element_type3A_296 : vector<16xf32> -> vector<16xi32>
        %shift_right_arithmetic3A = arith.constant 1 : i32
        %shift_right_arithmetic3A_297 = vector.broadcast %shift_right_arithmetic3A : i32 to vector<16xi32>
        %shift_right_arithmetic3A_298 = arith.shrsi %bitcast_convert_type3A, %shift_right_arithmetic3A_297 : vector<16xi32>
        %sub3A_299 = arith.constant 1597463007 : i32
        %sub3A_300 = vector.broadcast %sub3A_299 : i32 to vector<16xi32>
        %sub3A_301 = arith.subi %sub3A_300, %shift_right_arithmetic3A_298 : vector<16xi32>
        %bitcast_convert_type3A_302 = tpu.bitcast %sub3A_301 : vector<16xi32> -> vector<16xf32>
        %mul3A_303 = arith.constant 5.000000e-01 : f32
        %mul3A_304 = vector.broadcast %mul3A_303 : f32 to vector<16xf32>
        %mul3A_305 = arith.mulf %convert_element_type3A_296, %mul3A_304 : vector<16xf32>
        %mul3A_306 = arith.mulf %mul3A_305, %bitcast_convert_type3A_302 : vector<16xf32>
        %mul3A_307 = arith.mulf %mul3A_306, %bitcast_convert_type3A_302 : vector<16xf32>
        %sub3A_308 = arith.constant 1.500000e+00 : f32
        %sub3A_309 = vector.broadcast %sub3A_308 : f32 to vector<16xf32>
        %sub3A_310 = arith.subf %sub3A_309, %mul3A_307 : vector<16xf32>
        %mul3A_311 = arith.mulf %bitcast_convert_type3A_302, %sub3A_310 : vector<16xf32>
        %mul3A_312 = arith.mulf %mul3A_305, %mul3A_311 : vector<16xf32>
        %mul3A_313 = arith.mulf %mul3A_312, %mul3A_311 : vector<16xf32>
        %sub3A_314 = arith.constant 1.500000e+00 : f32
        %sub3A_315 = vector.broadcast %sub3A_314 : f32 to vector<16xf32>
        %sub3A_316 = arith.subf %sub3A_315, %mul3A_313 : vector<16xf32>
        %mul3A_317 = arith.mulf %mul3A_311, %sub3A_316 : vector<16xf32>
        %mul3A_318 = arith.mulf %convert_element_type3A_296, %mul3A_317 : vector<16xf32>
        %convert_element_type3A_319 = arith.fptosi %mul3A_318 : vector<16xf32> to vector<16xi32>
        %add3A_320 = arith.constant 1 : i32
        %add3A_321 = vector.broadcast %add3A_320 : i32 to vector<16xi32>
        %add3A_322 = arith.addi %convert_element_type3A_319, %add3A_321 : vector<16xi32>
        %mul3A_323 = arith.muli %add3A_322, %add3A_322 : vector<16xi32>
        %le3A = arith.cmpi sle, %mul3A_323, %add3A_295 : vector<16xi32>
        %select_n3A_324 = arith.select %le3A, %add3A_322, %convert_element_type3A_319 : vector<16xi1>, vector<16xi32>
        %mul3A_325 = arith.muli %select_n3A_324, %select_n3A_324 : vector<16xi32>
        %gt3A_326 = arith.cmpi sgt, %mul3A_325, %add3A_295 : vector<16xi32>
        %sub3A_327 = arith.constant 1 : i32
        %sub3A_328 = vector.broadcast %sub3A_327 : i32 to vector<16xi32>
        %sub3A_329 = arith.subi %select_n3A_324, %sub3A_328 : vector<16xi32>
        %select_n3A_330 = arith.select %gt3A_326, %sub3A_329, %select_n3A_324 : vector<16xi1>, vector<16xi32>
        %swap3A_331 = arith.constant 2048 : index
        %swap3A_332 = tpu.vector_load %arg7[%swap3A_331] {strides = array<i32>} : memref<2064xi32, #tpu.memory_space<vmem>>, vector<16xi32>,
        tpu.vector_store %arg7[%swap3A_331], %select_n3A_330 {strides = array<i32>} : memref<2064xi32, #tpu.memory_space<vmem>>, vector<16xi32>,
        %gather3A_333 = tpu.vector_load_idx %arg5[%select_n3A_330] : memref<4096xf32, #tpu.memory_space<vmem>>[vector<16xi32>], vector<16xf32>,
        %swap3A_334 = arith.constant 2048 : index
        %swap3A_335 = tpu.vector_load %arg8[%swap3A_334] {strides = array<i32>} : memref<2064xf32, #tpu.memory_space<vmem>>, vector<16xf32>,
        tpu.vector_store %arg8[%swap3A_334], %gather3A_333 {strides = array<i32>} : memref<2064xf32, #tpu.memory_space<vmem>>, vector<16xf32>,
        %parallel_loop3A_336 = arith.constant 0 : i32
        %parallel_loop3A_337 = arith.constant 2048 : i32
        %parallel_loop3A_338 = arith.constant 16 : i32
        scf.for %parallel_loop3A_339 = %parallel_loop3A_336 to %parallel_loop3A_337 step %parallel_loop3A_338  : i32 {
          %parallel_loop3A_340 = arith.constant 2048 : i32
          %parallel_loop3A_341 = arith.subi %parallel_loop3A_340, %parallel_loop3A_339 : i32
          %parallel_loop3A_342 = arith.constant 15 : i32
          %parallel_loop3A_343 = arith.subi %parallel_loop3A_341, %parallel_loop3A_342 : i32
          %parallel_loop3A_344 = arith.index_cast %parallel_loop3A_343 : i32 to index
          %parallel_loop3A_345 = tpu.vector_load %arg8[%parallel_loop3A_344] {strides = array<i32>} : memref<2064xf32, #tpu.memory_space<vmem>>, vector<16xf32>,
          %parallel_loop3A_346 = arith.constant 15 : i32
          %parallel_loop3A_347 = vector.broadcast %parallel_loop3A_346 : i32 to vector<16xi32>
          %parallel_loop3A_348 = tpu.iota {dimensions = array<i32: 0>} : vector<16xi32>
          %parallel_loop3A_349 = arith.subi %parallel_loop3A_347, %parallel_loop3A_348 : vector<16xi32>
          %parallel_loop3A_350 = tpu.dynamic_gather %parallel_loop3A_345[%parallel_loop3A_349] in [0] : vector<16xf32>, vector<16xi32> -> vector<16xf32>
          %parallel_loop3A_351 = arith.constant 0 : i32
          %parallel_loop3A_352 = arith.addi %parallel_loop3A_351, %parallel_loop3A_339 : i32
          %parallel_loop3A_353 = arith.index_cast %parallel_loop3A_352 : i32 to index
          %parallel_loop3A_354 = tpu.vector_load %arg9[%parallel_loop3A_353] {strides = array<i32>} : memref<16384xf32, #tpu.memory_space<vmem>>, vector<16xf32>,
          tpu.vector_store %arg9[%parallel_loop3A_353], %parallel_loop3A_350 {strides = array<i32>} : memref<16384xf32, #tpu.memory_space<vmem>>, vector<16xf32>,
        } {sc.loop_unroll_factor = 8 : i64, sc.parallel_access}
      } else {
      }
      %gt3A = arith.constant 0 : i32
      %gt3A_119 = arith.cmpi sgt, %scan3A_103, %gt3A : i32
      %convert_element_type3A_120 = arith.extui %gt3A_119 : i1 to i32
      %cond3A_121 = arith.constant 0 : i32
      %cond3A_122 = arith.cmpi ne, %convert_element_type3A_120, %cond3A_121 : i32
      scf.if %cond3A_122 {
        %sub3A_286 = arith.constant 2048 : i32
        %sub3A_287 = arith.subi %add3A_109, %sub3A_286 : i32
        %mul3A_288 = arith.muli %sub3A_287, %sub3A_287 : i32
        %parallel_loop3A_289 = arith.constant 0 : i32
        %parallel_loop3A_290 = arith.constant 2048 : i32
        %parallel_loop3A_291 = arith.constant 16 : i32
        scf.for %parallel_loop3A_312 = %parallel_loop3A_289 to %parallel_loop3A_290 step %parallel_loop3A_291  : i32 {
          %parallel_loop3A_313 = arith.index_cast %parallel_loop3A_312 : i32 to index
          %parallel_loop3A_314 = tpu.vector_load %arg6[%parallel_loop3A_313] {strides = array<i32>} : memref<2064xi32, #tpu.memory_space<vmem>>, vector<16xi32>,
          %parallel_loop3A_315 = vector.broadcast %mul3A_288 : i32 to vector<16xi32>
          %parallel_loop3A_316 = arith.addi %parallel_loop3A_315, %parallel_loop3A_314 : vector<16xi32>
          %parallel_loop3A_317 = arith.index_cast %parallel_loop3A_312 : i32 to index
          %parallel_loop3A_318 = tpu.vector_load %arg7[%parallel_loop3A_317] {strides = array<i32>} : memref<2064xi32, #tpu.memory_space<vmem>>, vector<16xi32>,
          %parallel_loop3A_319 = arith.muli %parallel_loop3A_318, %parallel_loop3A_318 : vector<16xi32>
          %parallel_loop3A_320 = arith.cmpi sgt, %parallel_loop3A_319, %parallel_loop3A_316 : vector<16xi32>
          %parallel_loop3A_321 = arith.constant 1 : i32
          %parallel_loop3A_322 = vector.broadcast %parallel_loop3A_321 : i32 to vector<16xi32>
          %parallel_loop3A_323 = arith.subi %parallel_loop3A_318, %parallel_loop3A_322 : vector<16xi32>
          %parallel_loop3A_324 = arith.select %parallel_loop3A_320, %parallel_loop3A_323, %parallel_loop3A_318 : vector<16xi1>, vector<16xi32>
          %parallel_loop3A_325 = arith.index_cast %parallel_loop3A_312 : i32 to index
          %parallel_loop3A_326 = tpu.vector_load %arg7[%parallel_loop3A_325] {strides = array<i32>} : memref<2064xi32, #tpu.memory_space<vmem>>, vector<16xi32>,
          tpu.vector_store %arg7[%parallel_loop3A_325], %parallel_loop3A_324 {strides = array<i32>} : memref<2064xi32, #tpu.memory_space<vmem>>, vector<16xi32>,
          %parallel_loop3A_327 = tpu.vector_load_idx %arg5[%parallel_loop3A_324] : memref<4096xf32, #tpu.memory_space<vmem>>[vector<16xi32>], vector<16xf32>,
          %parallel_loop3A_328 = arith.constant 2048 : i32
          %parallel_loop3A_329 = arith.addi %parallel_loop3A_328, %parallel_loop3A_312 : i32
          %parallel_loop3A_330 = arith.index_cast %parallel_loop3A_329 : i32 to index
          %parallel_loop3A_331 = tpu.vector_load %arg9[%parallel_loop3A_330] {strides = array<i32>} : memref<16384xf32, #tpu.memory_space<vmem>>, vector<16xf32>,
          tpu.vector_store %arg9[%parallel_loop3A_330], %parallel_loop3A_327 {strides = array<i32>} : memref<16384xf32, #tpu.memory_space<vmem>>, vector<16xf32>,
          %parallel_loop3A_332 = arith.index_cast %parallel_loop3A_312 : i32 to index
          %parallel_loop3A_333 = tpu.vector_load %arg8[%parallel_loop3A_332] {strides = array<i32>} : memref<2064xf32, #tpu.memory_space<vmem>>, vector<16xf32>,
          tpu.vector_store %arg8[%parallel_loop3A_332], %parallel_loop3A_327 {strides = array<i32>} : memref<2064xf32, #tpu.memory_space<vmem>>, vector<16xf32>,
        } {sc.loop_unroll_factor = 8 : i64, sc.parallel_access}
        %get3A_292 = arith.constant 2048 : index
        %get3A_293 = tpu.vector_load %arg6[%get3A_292] {strides = array<i32>} : memref<2064xi32, #tpu.memory_space<vmem>>, vector<16xi32>,
        %add3A_294 = vector.broadcast %mul3A_288 : i32 to vector<16xi32>
        %add3A_295 = arith.addi %add3A_294, %get3A_293 : vector<16xi32>
        %get3A_296 = arith.constant 2048 : index
        %get3A_297 = tpu.vector_load %arg7[%get3A_296] {strides = array<i32>} : memref<2064xi32, #tpu.memory_space<vmem>>, vector<16xi32>,
        %mul3A_298 = arith.muli %get3A_297, %get3A_297 : vector<16xi32>
        %gt3A_299 = arith.cmpi sgt, %mul3A_298, %add3A_295 : vector<16xi32>
        %sub3A_300 = arith.constant 1 : i32
        %sub3A_301 = vector.broadcast %sub3A_300 : i32 to vector<16xi32>
        %sub3A_302 = arith.subi %get3A_297, %sub3A_301 : vector<16xi32>
        %select_n3A_303 = arith.select %gt3A_299, %sub3A_302, %get3A_297 : vector<16xi1>, vector<16xi32>
        %swap3A_304 = arith.constant 2048 : index
        %swap3A_305 = tpu.vector_load %arg7[%swap3A_304] {strides = array<i32>} : memref<2064xi32, #tpu.memory_space<vmem>>, vector<16xi32>,
        tpu.vector_store %arg7[%swap3A_304], %select_n3A_303 {strides = array<i32>} : memref<2064xi32, #tpu.memory_space<vmem>>, vector<16xi32>,
        %gather3A_306 = tpu.vector_load_idx %arg5[%select_n3A_303] : memref<4096xf32, #tpu.memory_space<vmem>>[vector<16xi32>], vector<16xf32>,
        %swap3A_307 = arith.constant 2048 : index
        %swap3A_308 = tpu.vector_load %arg8[%swap3A_307] {strides = array<i32>} : memref<2064xf32, #tpu.memory_space<vmem>>, vector<16xf32>,
        tpu.vector_store %arg8[%swap3A_307], %gather3A_306 {strides = array<i32>} : memref<2064xf32, #tpu.memory_space<vmem>>, vector<16xf32>,
        %parallel_loop3A_309 = arith.constant 0 : i32
        %parallel_loop3A_310 = arith.constant 2048 : i32
        %parallel_loop3A_311 = arith.constant 16 : i32
        scf.for %parallel_loop3A_312 = %parallel_loop3A_309 to %parallel_loop3A_310 step %parallel_loop3A_311  : i32 {
          %parallel_loop3A_313 = arith.constant 2048 : i32
          %parallel_loop3A_314 = arith.subi %parallel_loop3A_313, %parallel_loop3A_312 : i32
          %parallel_loop3A_315 = arith.constant 15 : i32
          %parallel_loop3A_316 = arith.subi %parallel_loop3A_314, %parallel_loop3A_315 : i32
          %parallel_loop3A_317 = arith.index_cast %parallel_loop3A_316 : i32 to index
          %parallel_loop3A_318 = tpu.vector_load %arg8[%parallel_loop3A_317] {strides = array<i32>} : memref<2064xf32, #tpu.memory_space<vmem>>, vector<16xf32>,
          %parallel_loop3A_319 = arith.constant 15 : i32
          %parallel_loop3A_320 = vector.broadcast %parallel_loop3A_319 : i32 to vector<16xi32>
          %parallel_loop3A_321 = tpu.iota {dimensions = array<i32: 0>} : vector<16xi32>
          %parallel_loop3A_322 = arith.subi %parallel_loop3A_320, %parallel_loop3A_321 : vector<16xi32>
          %parallel_loop3A_323 = tpu.dynamic_gather %parallel_loop3A_318[%parallel_loop3A_322] in [0] : vector<16xf32>, vector<16xi32> -> vector<16xf32>
          %parallel_loop3A_324 = arith.constant 0 : i32
          %parallel_loop3A_325 = arith.addi %parallel_loop3A_324, %parallel_loop3A_312 : i32
          %parallel_loop3A_326 = arith.index_cast %parallel_loop3A_325 : i32 to index
          %parallel_loop3A_327 = tpu.vector_load %arg9[%parallel_loop3A_326] {strides = array<i32>} : memref<16384xf32, #tpu.memory_space<vmem>>, vector<16xf32>,
          tpu.vector_store %arg9[%parallel_loop3A_326], %parallel_loop3A_323 {strides = array<i32>} : memref<16384xf32, #tpu.memory_space<vmem>>, vector<16xf32>,
        } {sc.loop_unroll_factor = 8 : i64, sc.parallel_access}
      } else {
      }
      %dma_start3A = arith.constant 0 : i32
      %dma_start3A_123 = tpu.memref_slice %arg9[%dma_start3A] : memref<16384xf32, #tpu.memory_space<vmem>> -> memref<4096xf32, #tpu.memory_space<vmem>>
      %dma_start3A_124 = arith.constant 0 : i32
      %dma_start3A_125 = tpu.memref_slice %arg3[%add3A_109, %dma_start3A_124] : memref<4096x4096xf32, #tpu.memory_space<hbm>> -> memref<1x4096xf32, #tpu.memory_space<hbm>>
      %dma_start3A_126 = tpu.memref_squeeze %dma_start3A_125 : memref<1x4096xf32, #tpu.memory_space<hbm>> -> memref<4096xf32, #tpu.memory_space<hbm>>
      %dma_start3A_127 = arith.constant 0 : i32
      %dma_start3A_128 = tpu.memref_slice %arg3[%add3A_109, %dma_start3A_127] : memref<4096x4096xf32, #tpu.memory_space<hbm>> -> memref<1x4096xf32, #tpu.memory_space<hbm>>
      %dma_start3A_129 = tpu.memref_squeeze %dma_start3A_128 : memref<1x4096xf32, #tpu.memory_space<hbm>> -> memref<4096xf32, #tpu.memory_space<hbm>>
      %dma_start3A_130 = arith.constant 0 : i32
      %dma_start3A_131 = tpu.memref_slice %arg9[%dma_start3A_130] : memref<16384xf32, #tpu.memory_space<vmem>> -> memref<4096xf32, #tpu.memory_space<vmem>>
      tpu.enqueue_dma source(%dma_start3A_131 : memref<4096xf32, #tpu.memory_space<vmem>>) target(%dma_start3A_129 : memref<4096xf32, #tpu.memory_space<hbm>>) target_semaphore(%arg10 : memref<!tpu.dma_semaphore, #tpu.memory_space<semaphore_mem>>)
      %ge3A_132 = arith.constant 1 : i32
      %ge3A_133 = arith.cmpi sge, %add3A_109, %ge3A_132 : i32
      %convert_element_type3A_134 = arith.extui %ge3A_133 : i1 to i32
      %cond3A_135 = arith.constant 0 : i32
      %cond3A_136 = arith.cmpi ne, %convert_element_type3A_134, %cond3A_135 : i32
      scf.if %cond3A_136 {
        %sub3A_286 = arith.constant 4096 : i32
        %sub3A_287 = arith.subi %sub3A_286, %add3A_109 : i32
        %dma_start3A_288 = arith.constant 0 : i32
        %dma_start3A_289 = tpu.memref_slice %arg9[%dma_start3A_288] : memref<16384xf32, #tpu.memory_space<vmem>> -> memref<4096xf32, #tpu.memory_space<vmem>>
        %dma_start3A_290 = arith.constant 0 : i32
        %dma_start3A_291 = tpu.memref_slice %arg3[%sub3A_287, %dma_start3A_290] : memref<4096x4096xf32, #tpu.memory_space<hbm>> -> memref<1x4096xf32, #tpu.memory_space<hbm>>
        %dma_start3A_292 = tpu.memref_squeeze %dma_start3A_291 : memref<1x4096xf32, #tpu.memory_space<hbm>> -> memref<4096xf32, #tpu.memory_space<hbm>>
        %dma_start3A_293 = arith.constant 0 : i32
        %dma_start3A_294 = tpu.memref_slice %arg3[%sub3A_287, %dma_start3A_293] : memref<4096x4096xf32, #tpu.memory_space<hbm>> -> memref<1x4096xf32, #tpu.memory_space<hbm>>
        %dma_start3A_295 = tpu.memref_squeeze %dma_start3A_294 : memref<1x4096xf32, #tpu.memory_space<hbm>> -> memref<4096xf32, #tpu.memory_space<hbm>>
        %dma_start3A_296 = arith.constant 0 : i32
        %dma_start3A_297 = tpu.memref_slice %arg9[%dma_start3A_296] : memref<16384xf32, #tpu.memory_space<vmem>> -> memref<4096xf32, #tpu.memory_space<vmem>>
        tpu.enqueue_dma source(%dma_start3A_297 : memref<4096xf32, #tpu.memory_space<vmem>>) target(%dma_start3A_295 : memref<4096xf32, #tpu.memory_space<hbm>>) target_semaphore(%arg10 : memref<!tpu.dma_semaphore, #tpu.memory_space<semaphore_mem>>)
      } else {
      }
      %mul3A_137 = arith.constant 4 : i32
      %mul3A_138 = arith.muli %scan3A_103, %mul3A_137 : i32
      %add3A_139 = arith.constant 1 : i32
      %add3A_140 = arith.addi %mul3A_138, %add3A_139 : i32
      %add3A_141 = arith.addi %mul3A_7, %add3A_140 : i32
      %ge3A_142 = arith.constant 1 : i32
      %ge3A_143 = arith.cmpi sge, %scan3A_103, %ge3A_142 : i32
      %convert_element_type3A_144 = arith.extui %ge3A_143 : i1 to i32
      %cond3A_145 = arith.constant 0 : i32
      %cond3A_146 = arith.cmpi ne, %convert_element_type3A_144, %cond3A_145 : i32
      scf.if %cond3A_146 {
        %dma_wait3A_286 = arith.constant 4096 : i32
        %dma_wait3A_287 = tpu.memref_slice %arg9[%dma_wait3A_286] : memref<16384xf32, #tpu.memory_space<vmem>> -> memref<4096xf32, #tpu.memory_space<vmem>>
        %dma_wait3A_288 = arith.constant 0 : i32
        %dma_wait3A_289 = tpu.memref_slice %arg3[%add3A_141, %dma_wait3A_288] : memref<4096x4096xf32, #tpu.memory_space<hbm>> -> memref<1x4096xf32, #tpu.memory_space<hbm>>
        %dma_wait3A_290 = tpu.memref_squeeze %dma_wait3A_289 : memref<1x4096xf32, #tpu.memory_space<hbm>> -> memref<4096xf32, #tpu.memory_space<hbm>>
        %dma_wait3A_291 = arith.constant 0 : i32
        %dma_wait3A_292 = tpu.memref_slice %arg3[%add3A_141, %dma_wait3A_291] : memref<4096x4096xf32, #tpu.memory_space<hbm>> -> memref<1x4096xf32, #tpu.memory_space<hbm>>
        %dma_wait3A_293 = tpu.memref_squeeze %dma_wait3A_292 : memref<1x4096xf32, #tpu.memory_space<hbm>> -> memref<4096xf32, #tpu.memory_space<hbm>>
        %dma_wait3A_294 = arith.constant 4096 : i32
        %dma_wait3A_295 = tpu.memref_slice %arg9[%dma_wait3A_294] : memref<16384xf32, #tpu.memory_space<vmem>> -> memref<4096xf32, #tpu.memory_space<vmem>>
        tpu.wait_dma2 semaphore(%arg10 : memref<!tpu.dma_semaphore, #tpu.memory_space<semaphore_mem>>) src(%dma_wait3A_295 : memref<4096xf32, #tpu.memory_space<vmem>>) dst(%dma_wait3A_293 : memref<4096xf32, #tpu.memory_space<hbm>>)
        %sub3A_296 = arith.constant 4 : i32
        %sub3A_297 = arith.subi %add3A_141, %sub3A_296 : i32
        %ge3A_298 = arith.constant 1 : i32
        %ge3A_299 = arith.cmpi sge, %sub3A_297, %ge3A_298 : i32
        %convert_element_type3A_300 = arith.extui %ge3A_299 : i1 to i32
        %cond3A_301 = arith.constant 0 : i32
        %cond3A_302 = arith.cmpi ne, %convert_element_type3A_300, %cond3A_301 : i32
        scf.if %cond3A_302 {
          %dma_wait3A_303 = arith.constant 4096 : i32
          %dma_wait3A_304 = tpu.memref_slice %arg9[%dma_wait3A_303] : memref<16384xf32, #tpu.memory_space<vmem>> -> memref<4096xf32, #tpu.memory_space<vmem>>
          %dma_wait3A_305 = arith.constant 0 : i32
          %dma_wait3A_306 = tpu.memref_slice %arg3[%add3A_141, %dma_wait3A_305] : memref<4096x4096xf32, #tpu.memory_space<hbm>> -> memref<1x4096xf32, #tpu.memory_space<hbm>>
          %dma_wait3A_307 = tpu.memref_squeeze %dma_wait3A_306 : memref<1x4096xf32, #tpu.memory_space<hbm>> -> memref<4096xf32, #tpu.memory_space<hbm>>
          %dma_wait3A_308 = arith.constant 0 : i32
          %dma_wait3A_309 = tpu.memref_slice %arg3[%add3A_141, %dma_wait3A_308] : memref<4096x4096xf32, #tpu.memory_space<hbm>> -> memref<1x4096xf32, #tpu.memory_space<hbm>>
          %dma_wait3A_310 = tpu.memref_squeeze %dma_wait3A_309 : memref<1x4096xf32, #tpu.memory_space<hbm>> -> memref<4096xf32, #tpu.memory_space<hbm>>
          %dma_wait3A_311 = arith.constant 4096 : i32
          %dma_wait3A_312 = tpu.memref_slice %arg9[%dma_wait3A_311] : memref<16384xf32, #tpu.memory_space<vmem>> -> memref<4096xf32, #tpu.memory_space<vmem>>
          tpu.wait_dma2 semaphore(%arg10 : memref<!tpu.dma_semaphore, #tpu.memory_space<semaphore_mem>>) src(%dma_wait3A_312 : memref<4096xf32, #tpu.memory_space<vmem>>) dst(%dma_wait3A_310 : memref<4096xf32, #tpu.memory_space<hbm>>)
        } else {
        }
      } else {
      }
      %sub3A = arith.constant 2048 : i32
      %sub3A_147 = arith.subi %add3A_141, %sub3A : i32
      %mul3A_148 = arith.muli %sub3A_147, %sub3A_147 : i32
      %parallel_loop3A_149 = arith.constant 0 : i32
      %parallel_loop3A_150 = arith.constant 2048 : i32
      %parallel_loop3A_151 = arith.constant 16 : i32
      scf.for %parallel_loop3A_286 = %parallel_loop3A_149 to %parallel_loop3A_150 step %parallel_loop3A_151  : i32 {
        %parallel_loop3A_287 = arith.index_cast %parallel_loop3A_286 : i32 to index
        %parallel_loop3A_288 = tpu.vector_load %arg6[%parallel_loop3A_287] {strides = array<i32>} : memref<2064xi32, #tpu.memory_space<vmem>>, vector<16xi32>,
        %parallel_loop3A_289 = vector.broadcast %mul3A_148 : i32 to vector<16xi32>
        %parallel_loop3A_290 = arith.addi %parallel_loop3A_289, %parallel_loop3A_288 : vector<16xi32>
        %parallel_loop3A_291 = arith.index_cast %parallel_loop3A_286 : i32 to index
        %parallel_loop3A_292 = tpu.vector_load %arg7[%parallel_loop3A_291] {strides = array<i32>} : memref<2064xi32, #tpu.memory_space<vmem>>, vector<16xi32>,
        %parallel_loop3A_293 = arith.muli %parallel_loop3A_292, %parallel_loop3A_292 : vector<16xi32>
        %parallel_loop3A_294 = arith.cmpi sgt, %parallel_loop3A_293, %parallel_loop3A_290 : vector<16xi32>
        %parallel_loop3A_295 = arith.constant 1 : i32
        %parallel_loop3A_296 = vector.broadcast %parallel_loop3A_295 : i32 to vector<16xi32>
        %parallel_loop3A_297 = arith.subi %parallel_loop3A_292, %parallel_loop3A_296 : vector<16xi32>
        %parallel_loop3A_298 = arith.select %parallel_loop3A_294, %parallel_loop3A_297, %parallel_loop3A_292 : vector<16xi1>, vector<16xi32>
        %parallel_loop3A_299 = arith.index_cast %parallel_loop3A_286 : i32 to index
        %parallel_loop3A_300 = tpu.vector_load %arg7[%parallel_loop3A_299] {strides = array<i32>} : memref<2064xi32, #tpu.memory_space<vmem>>, vector<16xi32>,
        tpu.vector_store %arg7[%parallel_loop3A_299], %parallel_loop3A_298 {strides = array<i32>} : memref<2064xi32, #tpu.memory_space<vmem>>, vector<16xi32>,
        %parallel_loop3A_301 = tpu.vector_load_idx %arg5[%parallel_loop3A_298] : memref<4096xf32, #tpu.memory_space<vmem>>[vector<16xi32>], vector<16xf32>,
        %parallel_loop3A_302 = arith.constant 6144 : i32
        %parallel_loop3A_303 = arith.addi %parallel_loop3A_302, %parallel_loop3A_286 : i32
        %parallel_loop3A_304 = arith.index_cast %parallel_loop3A_303 : i32 to index
        %parallel_loop3A_305 = tpu.vector_load %arg9[%parallel_loop3A_304] {strides = array<i32>} : memref<16384xf32, #tpu.memory_space<vmem>>, vector<16xf32>,
        tpu.vector_store %arg9[%parallel_loop3A_304], %parallel_loop3A_301 {strides = array<i32>} : memref<16384xf32, #tpu.memory_space<vmem>>, vector<16xf32>,
        %parallel_loop3A_306 = arith.index_cast %parallel_loop3A_286 : i32 to index
        %parallel_loop3A_307 = tpu.vector_load %arg8[%parallel_loop3A_306] {strides = array<i32>} : memref<2064xf32, #tpu.memory_space<vmem>>, vector<16xf32>,
        tpu.vector_store %arg8[%parallel_loop3A_306], %parallel_loop3A_301 {strides = array<i32>} : memref<2064xf32, #tpu.memory_space<vmem>>, vector<16xf32>,
      } {sc.loop_unroll_factor = 8 : i64, sc.parallel_access}
      %get3A = arith.constant 2048 : index
      %get3A_152 = tpu.vector_load %arg6[%get3A] {strides = array<i32>} : memref<2064xi32, #tpu.memory_space<vmem>>, vector<16xi32>,
      %add3A_153 = vector.broadcast %mul3A_148 : i32 to vector<16xi32>
      %add3A_154 = arith.addi %add3A_153, %get3A_152 : vector<16xi32>
      %get3A_155 = arith.constant 2048 : index
      %get3A_156 = tpu.vector_load %arg7[%get3A_155] {strides = array<i32>} : memref<2064xi32, #tpu.memory_space<vmem>>, vector<16xi32>,
      %mul3A_157 = arith.muli %get3A_156, %get3A_156 : vector<16xi32>
      %gt3A_158 = arith.cmpi sgt, %mul3A_157, %add3A_154 : vector<16xi32>
      %sub3A_159 = arith.constant 1 : i32
      %sub3A_160 = vector.broadcast %sub3A_159 : i32 to vector<16xi32>
      %sub3A_161 = arith.subi %get3A_156, %sub3A_160 : vector<16xi32>
      %select_n3A = arith.select %gt3A_158, %sub3A_161, %get3A_156 : vector<16xi1>, vector<16xi32>
      %swap3A = arith.constant 2048 : index
      %swap3A_162 = tpu.vector_load %arg7[%swap3A] {strides = array<i32>} : memref<2064xi32, #tpu.memory_space<vmem>>, vector<16xi32>,
      tpu.vector_store %arg7[%swap3A], %select_n3A {strides = array<i32>} : memref<2064xi32, #tpu.memory_space<vmem>>, vector<16xi32>,
      %gather3A = tpu.vector_load_idx %arg5[%select_n3A] : memref<4096xf32, #tpu.memory_space<vmem>>[vector<16xi32>], vector<16xf32>,
      %swap3A_163 = arith.constant 2048 : index
      %swap3A_164 = tpu.vector_load %arg8[%swap3A_163] {strides = array<i32>} : memref<2064xf32, #tpu.memory_space<vmem>>, vector<16xf32>,
      tpu.vector_store %arg8[%swap3A_163], %gather3A {strides = array<i32>} : memref<2064xf32, #tpu.memory_space<vmem>>, vector<16xf32>,
      %parallel_loop3A_165 = arith.constant 0 : i32
      %parallel_loop3A_166 = arith.constant 2048 : i32
      %parallel_loop3A_167 = arith.constant 16 : i32
      scf.for %parallel_loop3A_286 = %parallel_loop3A_165 to %parallel_loop3A_166 step %parallel_loop3A_167  : i32 {
        %parallel_loop3A_287 = arith.constant 2048 : i32
        %parallel_loop3A_288 = arith.subi %parallel_loop3A_287, %parallel_loop3A_286 : i32
        %parallel_loop3A_289 = arith.constant 15 : i32
        %parallel_loop3A_290 = arith.subi %parallel_loop3A_288, %parallel_loop3A_289 : i32
        %parallel_loop3A_291 = arith.index_cast %parallel_loop3A_290 : i32 to index
        %parallel_loop3A_292 = tpu.vector_load %arg8[%parallel_loop3A_291] {strides = array<i32>} : memref<2064xf32, #tpu.memory_space<vmem>>, vector<16xf32>,
        %parallel_loop3A_293 = arith.constant 15 : i32
        %parallel_loop3A_294 = vector.broadcast %parallel_loop3A_293 : i32 to vector<16xi32>
        %parallel_loop3A_295 = tpu.iota {dimensions = array<i32: 0>} : vector<16xi32>
        %parallel_loop3A_296 = arith.subi %parallel_loop3A_294, %parallel_loop3A_295 : vector<16xi32>
        %parallel_loop3A_297 = tpu.dynamic_gather %parallel_loop3A_292[%parallel_loop3A_296] in [0] : vector<16xf32>, vector<16xi32> -> vector<16xf32>
        %parallel_loop3A_298 = arith.constant 4096 : i32
        %parallel_loop3A_299 = arith.addi %parallel_loop3A_298, %parallel_loop3A_286 : i32
        %parallel_loop3A_300 = arith.index_cast %parallel_loop3A_299 : i32 to index
        %parallel_loop3A_301 = tpu.vector_load %arg9[%parallel_loop3A_300] {strides = array<i32>} : memref<16384xf32, #tpu.memory_space<vmem>>, vector<16xf32>,
        tpu.vector_store %arg9[%parallel_loop3A_300], %parallel_loop3A_297 {strides = array<i32>} : memref<16384xf32, #tpu.memory_space<vmem>>, vector<16xf32>,
      } {sc.loop_unroll_factor = 8 : i64, sc.parallel_access}
      %dma_start3A_168 = arith.constant 4096 : i32
      %dma_start3A_169 = tpu.memref_slice %arg9[%dma_start3A_168] : memref<16384xf32, #tpu.memory_space<vmem>> -> memref<4096xf32, #tpu.memory_space<vmem>>
      %dma_start3A_170 = arith.constant 0 : i32
      %dma_start3A_171 = tpu.memref_slice %arg3[%add3A_141, %dma_start3A_170] : memref<4096x4096xf32, #tpu.memory_space<hbm>> -> memref<1x4096xf32, #tpu.memory_space<hbm>>
      %dma_start3A_172 = tpu.memref_squeeze %dma_start3A_171 : memref<1x4096xf32, #tpu.memory_space<hbm>> -> memref<4096xf32, #tpu.memory_space<hbm>>
      %dma_start3A_173 = arith.constant 0 : i32
      %dma_start3A_174 = tpu.memref_slice %arg3[%add3A_141, %dma_start3A_173] : memref<4096x4096xf32, #tpu.memory_space<hbm>> -> memref<1x4096xf32, #tpu.memory_space<hbm>>
      %dma_start3A_175 = tpu.memref_squeeze %dma_start3A_174 : memref<1x4096xf32, #tpu.memory_space<hbm>> -> memref<4096xf32, #tpu.memory_space<hbm>>
      %dma_start3A_176 = arith.constant 4096 : i32
      %dma_start3A_177 = tpu.memref_slice %arg9[%dma_start3A_176] : memref<16384xf32, #tpu.memory_space<vmem>> -> memref<4096xf32, #tpu.memory_space<vmem>>
      tpu.enqueue_dma source(%dma_start3A_177 : memref<4096xf32, #tpu.memory_space<vmem>>) target(%dma_start3A_175 : memref<4096xf32, #tpu.memory_space<hbm>>) target_semaphore(%arg10 : memref<!tpu.dma_semaphore, #tpu.memory_space<semaphore_mem>>)
      %ge3A_178 = arith.constant 1 : i32
      %ge3A_179 = arith.cmpi sge, %add3A_141, %ge3A_178 : i32
      %convert_element_type3A_180 = arith.extui %ge3A_179 : i1 to i32
      %cond3A_181 = arith.constant 0 : i32
      %cond3A_182 = arith.cmpi ne, %convert_element_type3A_180, %cond3A_181 : i32
      scf.if %cond3A_182 {
        %sub3A_286 = arith.constant 4096 : i32
        %sub3A_287 = arith.subi %sub3A_286, %add3A_141 : i32
        %dma_start3A_288 = arith.constant 4096 : i32
        %dma_start3A_289 = tpu.memref_slice %arg9[%dma_start3A_288] : memref<16384xf32, #tpu.memory_space<vmem>> -> memref<4096xf32, #tpu.memory_space<vmem>>
        %dma_start3A_290 = arith.constant 0 : i32
        %dma_start3A_291 = tpu.memref_slice %arg3[%sub3A_287, %dma_start3A_290] : memref<4096x4096xf32, #tpu.memory_space<hbm>> -> memref<1x4096xf32, #tpu.memory_space<hbm>>
        %dma_start3A_292 = tpu.memref_squeeze %dma_start3A_291 : memref<1x4096xf32, #tpu.memory_space<hbm>> -> memref<4096xf32, #tpu.memory_space<hbm>>
        %dma_start3A_293 = arith.constant 0 : i32
        %dma_start3A_294 = tpu.memref_slice %arg3[%sub3A_287, %dma_start3A_293] : memref<4096x4096xf32, #tpu.memory_space<hbm>> -> memref<1x4096xf32, #tpu.memory_space<hbm>>
        %dma_start3A_295 = tpu.memref_squeeze %dma_start3A_294 : memref<1x4096xf32, #tpu.memory_space<hbm>> -> memref<4096xf32, #tpu.memory_space<hbm>>
        %dma_start3A_296 = arith.constant 4096 : i32
        %dma_start3A_297 = tpu.memref_slice %arg9[%dma_start3A_296] : memref<16384xf32, #tpu.memory_space<vmem>> -> memref<4096xf32, #tpu.memory_space<vmem>>
        tpu.enqueue_dma source(%dma_start3A_297 : memref<4096xf32, #tpu.memory_space<vmem>>) target(%dma_start3A_295 : memref<4096xf32, #tpu.memory_space<hbm>>) target_semaphore(%arg10 : memref<!tpu.dma_semaphore, #tpu.memory_space<semaphore_mem>>)
      } else {
      }
      %mul3A_183 = arith.constant 4 : i32
      %mul3A_184 = arith.muli %scan3A_103, %mul3A_183 : i32
      %add3A_185 = arith.constant 2 : i32
      %add3A_186 = arith.addi %mul3A_184, %add3A_185 : i32
      %add3A_187 = arith.addi %mul3A_7, %add3A_186 : i32
      %ge3A_188 = arith.constant 1 : i32
      %ge3A_189 = arith.cmpi sge, %scan3A_103, %ge3A_188 : i32
      %convert_element_type3A_190 = arith.extui %ge3A_189 : i1 to i32
      %cond3A_191 = arith.constant 0 : i32
      %cond3A_192 = arith.cmpi ne, %convert_element_type3A_190, %cond3A_191 : i32
      scf.if %cond3A_192 {
        %dma_wait3A_286 = arith.constant 8192 : i32
        %dma_wait3A_287 = tpu.memref_slice %arg9[%dma_wait3A_286] : memref<16384xf32, #tpu.memory_space<vmem>> -> memref<4096xf32, #tpu.memory_space<vmem>>
        %dma_wait3A_288 = arith.constant 0 : i32
        %dma_wait3A_289 = tpu.memref_slice %arg3[%add3A_187, %dma_wait3A_288] : memref<4096x4096xf32, #tpu.memory_space<hbm>> -> memref<1x4096xf32, #tpu.memory_space<hbm>>
        %dma_wait3A_290 = tpu.memref_squeeze %dma_wait3A_289 : memref<1x4096xf32, #tpu.memory_space<hbm>> -> memref<4096xf32, #tpu.memory_space<hbm>>
        %dma_wait3A_291 = arith.constant 0 : i32
        %dma_wait3A_292 = tpu.memref_slice %arg3[%add3A_187, %dma_wait3A_291] : memref<4096x4096xf32, #tpu.memory_space<hbm>> -> memref<1x4096xf32, #tpu.memory_space<hbm>>
        %dma_wait3A_293 = tpu.memref_squeeze %dma_wait3A_292 : memref<1x4096xf32, #tpu.memory_space<hbm>> -> memref<4096xf32, #tpu.memory_space<hbm>>
        %dma_wait3A_294 = arith.constant 8192 : i32
        %dma_wait3A_295 = tpu.memref_slice %arg9[%dma_wait3A_294] : memref<16384xf32, #tpu.memory_space<vmem>> -> memref<4096xf32, #tpu.memory_space<vmem>>
        tpu.wait_dma2 semaphore(%arg10 : memref<!tpu.dma_semaphore, #tpu.memory_space<semaphore_mem>>) src(%dma_wait3A_295 : memref<4096xf32, #tpu.memory_space<vmem>>) dst(%dma_wait3A_293 : memref<4096xf32, #tpu.memory_space<hbm>>)
        %sub3A_296 = arith.constant 4 : i32
        %sub3A_297 = arith.subi %add3A_187, %sub3A_296 : i32
        %ge3A_298 = arith.constant 1 : i32
        %ge3A_299 = arith.cmpi sge, %sub3A_297, %ge3A_298 : i32
        %convert_element_type3A_300 = arith.extui %ge3A_299 : i1 to i32
        %cond3A_301 = arith.constant 0 : i32
        %cond3A_302 = arith.cmpi ne, %convert_element_type3A_300, %cond3A_301 : i32
        scf.if %cond3A_302 {
          %dma_wait3A_303 = arith.constant 8192 : i32
          %dma_wait3A_304 = tpu.memref_slice %arg9[%dma_wait3A_303] : memref<16384xf32, #tpu.memory_space<vmem>> -> memref<4096xf32, #tpu.memory_space<vmem>>
          %dma_wait3A_305 = arith.constant 0 : i32
          %dma_wait3A_306 = tpu.memref_slice %arg3[%add3A_187, %dma_wait3A_305] : memref<4096x4096xf32, #tpu.memory_space<hbm>> -> memref<1x4096xf32, #tpu.memory_space<hbm>>
          %dma_wait3A_307 = tpu.memref_squeeze %dma_wait3A_306 : memref<1x4096xf32, #tpu.memory_space<hbm>> -> memref<4096xf32, #tpu.memory_space<hbm>>
          %dma_wait3A_308 = arith.constant 0 : i32
          %dma_wait3A_309 = tpu.memref_slice %arg3[%add3A_187, %dma_wait3A_308] : memref<4096x4096xf32, #tpu.memory_space<hbm>> -> memref<1x4096xf32, #tpu.memory_space<hbm>>
          %dma_wait3A_310 = tpu.memref_squeeze %dma_wait3A_309 : memref<1x4096xf32, #tpu.memory_space<hbm>> -> memref<4096xf32, #tpu.memory_space<hbm>>
          %dma_wait3A_311 = arith.constant 8192 : i32
          %dma_wait3A_312 = tpu.memref_slice %arg9[%dma_wait3A_311] : memref<16384xf32, #tpu.memory_space<vmem>> -> memref<4096xf32, #tpu.memory_space<vmem>>
          tpu.wait_dma2 semaphore(%arg10 : memref<!tpu.dma_semaphore, #tpu.memory_space<semaphore_mem>>) src(%dma_wait3A_312 : memref<4096xf32, #tpu.memory_space<vmem>>) dst(%dma_wait3A_310 : memref<4096xf32, #tpu.memory_space<hbm>>)
        } else {
        }
      } else {
      }
      %sub3A_193 = arith.constant 2048 : i32
      %sub3A_194 = arith.subi %add3A_187, %sub3A_193 : i32
      %mul3A_195 = arith.muli %sub3A_194, %sub3A_194 : i32
      %parallel_loop3A_196 = arith.constant 0 : i32
      %parallel_loop3A_197 = arith.constant 2048 : i32
      %parallel_loop3A_198 = arith.constant 16 : i32
      scf.for %parallel_loop3A_286 = %parallel_loop3A_196 to %parallel_loop3A_197 step %parallel_loop3A_198  : i32 {
        %parallel_loop3A_287 = arith.index_cast %parallel_loop3A_286 : i32 to index
        %parallel_loop3A_288 = tpu.vector_load %arg6[%parallel_loop3A_287] {strides = array<i32>} : memref<2064xi32, #tpu.memory_space<vmem>>, vector<16xi32>,
        %parallel_loop3A_289 = vector.broadcast %mul3A_195 : i32 to vector<16xi32>
        %parallel_loop3A_290 = arith.addi %parallel_loop3A_289, %parallel_loop3A_288 : vector<16xi32>
        %parallel_loop3A_291 = arith.index_cast %parallel_loop3A_286 : i32 to index
        %parallel_loop3A_292 = tpu.vector_load %arg7[%parallel_loop3A_291] {strides = array<i32>} : memref<2064xi32, #tpu.memory_space<vmem>>, vector<16xi32>,
        %parallel_loop3A_293 = arith.muli %parallel_loop3A_292, %parallel_loop3A_292 : vector<16xi32>
        %parallel_loop3A_294 = arith.cmpi sgt, %parallel_loop3A_293, %parallel_loop3A_290 : vector<16xi32>
        %parallel_loop3A_295 = arith.constant 1 : i32
        %parallel_loop3A_296 = vector.broadcast %parallel_loop3A_295 : i32 to vector<16xi32>
        %parallel_loop3A_297 = arith.subi %parallel_loop3A_292, %parallel_loop3A_296 : vector<16xi32>
        %parallel_loop3A_298 = arith.select %parallel_loop3A_294, %parallel_loop3A_297, %parallel_loop3A_292 : vector<16xi1>, vector<16xi32>
        %parallel_loop3A_299 = arith.index_cast %parallel_loop3A_286 : i32 to index
        %parallel_loop3A_300 = tpu.vector_load %arg7[%parallel_loop3A_299] {strides = array<i32>} : memref<2064xi32, #tpu.memory_space<vmem>>, vector<16xi32>,
        tpu.vector_store %arg7[%parallel_loop3A_299], %parallel_loop3A_298 {strides = array<i32>} : memref<2064xi32, #tpu.memory_space<vmem>>, vector<16xi32>,
        %parallel_loop3A_301 = tpu.vector_load_idx %arg5[%parallel_loop3A_298] : memref<4096xf32, #tpu.memory_space<vmem>>[vector<16xi32>], vector<16xf32>,
        %parallel_loop3A_302 = arith.constant 10240 : i32
        %parallel_loop3A_303 = arith.addi %parallel_loop3A_302, %parallel_loop3A_286 : i32
        %parallel_loop3A_304 = arith.index_cast %parallel_loop3A_303 : i32 to index
        %parallel_loop3A_305 = tpu.vector_load %arg9[%parallel_loop3A_304] {strides = array<i32>} : memref<16384xf32, #tpu.memory_space<vmem>>, vector<16xf32>,
        tpu.vector_store %arg9[%parallel_loop3A_304], %parallel_loop3A_301 {strides = array<i32>} : memref<16384xf32, #tpu.memory_space<vmem>>, vector<16xf32>,
        %parallel_loop3A_306 = arith.index_cast %parallel_loop3A_286 : i32 to index
        %parallel_loop3A_307 = tpu.vector_load %arg8[%parallel_loop3A_306] {strides = array<i32>} : memref<2064xf32, #tpu.memory_space<vmem>>, vector<16xf32>,
        tpu.vector_store %arg8[%parallel_loop3A_306], %parallel_loop3A_301 {strides = array<i32>} : memref<2064xf32, #tpu.memory_space<vmem>>, vector<16xf32>,
      } {sc.loop_unroll_factor = 8 : i64, sc.parallel_access}
      %get3A_199 = arith.constant 2048 : index
      %get3A_200 = tpu.vector_load %arg6[%get3A_199] {strides = array<i32>} : memref<2064xi32, #tpu.memory_space<vmem>>, vector<16xi32>,
      %add3A_201 = vector.broadcast %mul3A_195 : i32 to vector<16xi32>
      %add3A_202 = arith.addi %add3A_201, %get3A_200 : vector<16xi32>
      %get3A_203 = arith.constant 2048 : index
      %get3A_204 = tpu.vector_load %arg7[%get3A_203] {strides = array<i32>} : memref<2064xi32, #tpu.memory_space<vmem>>, vector<16xi32>,
      %mul3A_205 = arith.muli %get3A_204, %get3A_204 : vector<16xi32>
      %gt3A_206 = arith.cmpi sgt, %mul3A_205, %add3A_202 : vector<16xi32>
      %sub3A_207 = arith.constant 1 : i32
      %sub3A_208 = vector.broadcast %sub3A_207 : i32 to vector<16xi32>
      %sub3A_209 = arith.subi %get3A_204, %sub3A_208 : vector<16xi32>
      %select_n3A_210 = arith.select %gt3A_206, %sub3A_209, %get3A_204 : vector<16xi1>, vector<16xi32>
      %swap3A_211 = arith.constant 2048 : index
      %swap3A_212 = tpu.vector_load %arg7[%swap3A_211] {strides = array<i32>} : memref<2064xi32, #tpu.memory_space<vmem>>, vector<16xi32>,
      tpu.vector_store %arg7[%swap3A_211], %select_n3A_210 {strides = array<i32>} : memref<2064xi32, #tpu.memory_space<vmem>>, vector<16xi32>,
      %gather3A_213 = tpu.vector_load_idx %arg5[%select_n3A_210] : memref<4096xf32, #tpu.memory_space<vmem>>[vector<16xi32>], vector<16xf32>,
      %swap3A_214 = arith.constant 2048 : index
      %swap3A_215 = tpu.vector_load %arg8[%swap3A_214] {strides = array<i32>} : memref<2064xf32, #tpu.memory_space<vmem>>, vector<16xf32>,
      tpu.vector_store %arg8[%swap3A_214], %gather3A_213 {strides = array<i32>} : memref<2064xf32, #tpu.memory_space<vmem>>, vector<16xf32>,
      %parallel_loop3A_216 = arith.constant 0 : i32
      %parallel_loop3A_217 = arith.constant 2048 : i32
      %parallel_loop3A_218 = arith.constant 16 : i32
      scf.for %parallel_loop3A_286 = %parallel_loop3A_216 to %parallel_loop3A_217 step %parallel_loop3A_218  : i32 {
        %parallel_loop3A_287 = arith.constant 2048 : i32
        %parallel_loop3A_288 = arith.subi %parallel_loop3A_287, %parallel_loop3A_286 : i32
        %parallel_loop3A_289 = arith.constant 15 : i32
        %parallel_loop3A_290 = arith.subi %parallel_loop3A_288, %parallel_loop3A_289 : i32
        %parallel_loop3A_291 = arith.index_cast %parallel_loop3A_290 : i32 to index
        %parallel_loop3A_292 = tpu.vector_load %arg8[%parallel_loop3A_291] {strides = array<i32>} : memref<2064xf32, #tpu.memory_space<vmem>>, vector<16xf32>,
        %parallel_loop3A_293 = arith.constant 15 : i32
        %parallel_loop3A_294 = vector.broadcast %parallel_loop3A_293 : i32 to vector<16xi32>
        %parallel_loop3A_295 = tpu.iota {dimensions = array<i32: 0>} : vector<16xi32>
        %parallel_loop3A_296 = arith.subi %parallel_loop3A_294, %parallel_loop3A_295 : vector<16xi32>
        %parallel_loop3A_297 = tpu.dynamic_gather %parallel_loop3A_292[%parallel_loop3A_296] in [0] : vector<16xf32>, vector<16xi32> -> vector<16xf32>
        %parallel_loop3A_298 = arith.constant 8192 : i32
        %parallel_loop3A_299 = arith.addi %parallel_loop3A_298, %parallel_loop3A_286 : i32
        %parallel_loop3A_300 = arith.index_cast %parallel_loop3A_299 : i32 to index
        %parallel_loop3A_301 = tpu.vector_load %arg9[%parallel_loop3A_300] {strides = array<i32>} : memref<16384xf32, #tpu.memory_space<vmem>>, vector<16xf32>,
        tpu.vector_store %arg9[%parallel_loop3A_300], %parallel_loop3A_297 {strides = array<i32>} : memref<16384xf32, #tpu.memory_space<vmem>>, vector<16xf32>,
      } {sc.loop_unroll_factor = 8 : i64, sc.parallel_access}
      %dma_start3A_219 = arith.constant 8192 : i32
      %dma_start3A_220 = tpu.memref_slice %arg9[%dma_start3A_219] : memref<16384xf32, #tpu.memory_space<vmem>> -> memref<4096xf32, #tpu.memory_space<vmem>>
      %dma_start3A_221 = arith.constant 0 : i32
      %dma_start3A_222 = tpu.memref_slice %arg3[%add3A_187, %dma_start3A_221] : memref<4096x4096xf32, #tpu.memory_space<hbm>> -> memref<1x4096xf32, #tpu.memory_space<hbm>>
      %dma_start3A_223 = tpu.memref_squeeze %dma_start3A_222 : memref<1x4096xf32, #tpu.memory_space<hbm>> -> memref<4096xf32, #tpu.memory_space<hbm>>
      %dma_start3A_224 = arith.constant 0 : i32
      %dma_start3A_225 = tpu.memref_slice %arg3[%add3A_187, %dma_start3A_224] : memref<4096x4096xf32, #tpu.memory_space<hbm>> -> memref<1x4096xf32, #tpu.memory_space<hbm>>
      %dma_start3A_226 = tpu.memref_squeeze %dma_start3A_225 : memref<1x4096xf32, #tpu.memory_space<hbm>> -> memref<4096xf32, #tpu.memory_space<hbm>>
      %dma_start3A_227 = arith.constant 8192 : i32
      %dma_start3A_228 = tpu.memref_slice %arg9[%dma_start3A_227] : memref<16384xf32, #tpu.memory_space<vmem>> -> memref<4096xf32, #tpu.memory_space<vmem>>
      tpu.enqueue_dma source(%dma_start3A_228 : memref<4096xf32, #tpu.memory_space<vmem>>) target(%dma_start3A_226 : memref<4096xf32, #tpu.memory_space<hbm>>) target_semaphore(%arg10 : memref<!tpu.dma_semaphore, #tpu.memory_space<semaphore_mem>>)
      %ge3A_229 = arith.constant 1 : i32
      %ge3A_230 = arith.cmpi sge, %add3A_187, %ge3A_229 : i32
      %convert_element_type3A_231 = arith.extui %ge3A_230 : i1 to i32
      %cond3A_232 = arith.constant 0 : i32
      %cond3A_233 = arith.cmpi ne, %convert_element_type3A_231, %cond3A_232 : i32
      scf.if %cond3A_233 {
        %sub3A_286 = arith.constant 4096 : i32
        %sub3A_287 = arith.subi %sub3A_286, %add3A_187 : i32
        %dma_start3A_288 = arith.constant 8192 : i32
        %dma_start3A_289 = tpu.memref_slice %arg9[%dma_start3A_288] : memref<16384xf32, #tpu.memory_space<vmem>> -> memref<4096xf32, #tpu.memory_space<vmem>>
        %dma_start3A_290 = arith.constant 0 : i32
        %dma_start3A_291 = tpu.memref_slice %arg3[%sub3A_287, %dma_start3A_290] : memref<4096x4096xf32, #tpu.memory_space<hbm>> -> memref<1x4096xf32, #tpu.memory_space<hbm>>
        %dma_start3A_292 = tpu.memref_squeeze %dma_start3A_291 : memref<1x4096xf32, #tpu.memory_space<hbm>> -> memref<4096xf32, #tpu.memory_space<hbm>>
        %dma_start3A_293 = arith.constant 0 : i32
        %dma_start3A_294 = tpu.memref_slice %arg3[%sub3A_287, %dma_start3A_293] : memref<4096x4096xf32, #tpu.memory_space<hbm>> -> memref<1x4096xf32, #tpu.memory_space<hbm>>
        %dma_start3A_295 = tpu.memref_squeeze %dma_start3A_294 : memref<1x4096xf32, #tpu.memory_space<hbm>> -> memref<4096xf32, #tpu.memory_space<hbm>>
        %dma_start3A_296 = arith.constant 8192 : i32
        %dma_start3A_297 = tpu.memref_slice %arg9[%dma_start3A_296] : memref<16384xf32, #tpu.memory_space<vmem>> -> memref<4096xf32, #tpu.memory_space<vmem>>
        tpu.enqueue_dma source(%dma_start3A_297 : memref<4096xf32, #tpu.memory_space<vmem>>) target(%dma_start3A_295 : memref<4096xf32, #tpu.memory_space<hbm>>) target_semaphore(%arg10 : memref<!tpu.dma_semaphore, #tpu.memory_space<semaphore_mem>>)
      } else {
      }
      %mul3A_234 = arith.constant 4 : i32
      %mul3A_235 = arith.muli %scan3A_103, %mul3A_234 : i32
      %add3A_236 = arith.constant 3 : i32
      %add3A_237 = arith.addi %mul3A_235, %add3A_236 : i32
      %add3A_238 = arith.addi %mul3A_7, %add3A_237 : i32
      %ge3A_239 = arith.constant 1 : i32
      %ge3A_240 = arith.cmpi sge, %scan3A_103, %ge3A_239 : i32
      %convert_element_type3A_241 = arith.extui %ge3A_240 : i1 to i32
      %cond3A_242 = arith.constant 0 : i32
      %cond3A_243 = arith.cmpi ne, %convert_element_type3A_241, %cond3A_242 : i32
      scf.if %cond3A_243 {
        %dma_wait3A_286 = arith.constant 12288 : i32
        %dma_wait3A_287 = tpu.memref_slice %arg9[%dma_wait3A_286] : memref<16384xf32, #tpu.memory_space<vmem>> -> memref<4096xf32, #tpu.memory_space<vmem>>
        %dma_wait3A_288 = arith.constant 0 : i32
        %dma_wait3A_289 = tpu.memref_slice %arg3[%add3A_238, %dma_wait3A_288] : memref<4096x4096xf32, #tpu.memory_space<hbm>> -> memref<1x4096xf32, #tpu.memory_space<hbm>>
        %dma_wait3A_290 = tpu.memref_squeeze %dma_wait3A_289 : memref<1x4096xf32, #tpu.memory_space<hbm>> -> memref<4096xf32, #tpu.memory_space<hbm>>
        %dma_wait3A_291 = arith.constant 0 : i32
        %dma_wait3A_292 = tpu.memref_slice %arg3[%add3A_238, %dma_wait3A_291] : memref<4096x4096xf32, #tpu.memory_space<hbm>> -> memref<1x4096xf32, #tpu.memory_space<hbm>>
        %dma_wait3A_293 = tpu.memref_squeeze %dma_wait3A_292 : memref<1x4096xf32, #tpu.memory_space<hbm>> -> memref<4096xf32, #tpu.memory_space<hbm>>
        %dma_wait3A_294 = arith.constant 12288 : i32
        %dma_wait3A_295 = tpu.memref_slice %arg9[%dma_wait3A_294] : memref<16384xf32, #tpu.memory_space<vmem>> -> memref<4096xf32, #tpu.memory_space<vmem>>
        tpu.wait_dma2 semaphore(%arg10 : memref<!tpu.dma_semaphore, #tpu.memory_space<semaphore_mem>>) src(%dma_wait3A_295 : memref<4096xf32, #tpu.memory_space<vmem>>) dst(%dma_wait3A_293 : memref<4096xf32, #tpu.memory_space<hbm>>)
        %sub3A_296 = arith.constant 4 : i32
        %sub3A_297 = arith.subi %add3A_238, %sub3A_296 : i32
        %ge3A_298 = arith.constant 1 : i32
        %ge3A_299 = arith.cmpi sge, %sub3A_297, %ge3A_298 : i32
        %convert_element_type3A_300 = arith.extui %ge3A_299 : i1 to i32
        %cond3A_301 = arith.constant 0 : i32
        %cond3A_302 = arith.cmpi ne, %convert_element_type3A_300, %cond3A_301 : i32
        scf.if %cond3A_302 {
          %dma_wait3A_303 = arith.constant 12288 : i32
          %dma_wait3A_304 = tpu.memref_slice %arg9[%dma_wait3A_303] : memref<16384xf32, #tpu.memory_space<vmem>> -> memref<4096xf32, #tpu.memory_space<vmem>>
          %dma_wait3A_305 = arith.constant 0 : i32
          %dma_wait3A_306 = tpu.memref_slice %arg3[%add3A_238, %dma_wait3A_305] : memref<4096x4096xf32, #tpu.memory_space<hbm>> -> memref<1x4096xf32, #tpu.memory_space<hbm>>
          %dma_wait3A_307 = tpu.memref_squeeze %dma_wait3A_306 : memref<1x4096xf32, #tpu.memory_space<hbm>> -> memref<4096xf32, #tpu.memory_space<hbm>>
          %dma_wait3A_308 = arith.constant 0 : i32
          %dma_wait3A_309 = tpu.memref_slice %arg3[%add3A_238, %dma_wait3A_308] : memref<4096x4096xf32, #tpu.memory_space<hbm>> -> memref<1x4096xf32, #tpu.memory_space<hbm>>
          %dma_wait3A_310 = tpu.memref_squeeze %dma_wait3A_309 : memref<1x4096xf32, #tpu.memory_space<hbm>> -> memref<4096xf32, #tpu.memory_space<hbm>>
          %dma_wait3A_311 = arith.constant 12288 : i32
          %dma_wait3A_312 = tpu.memref_slice %arg9[%dma_wait3A_311] : memref<16384xf32, #tpu.memory_space<vmem>> -> memref<4096xf32, #tpu.memory_space<vmem>>
          tpu.wait_dma2 semaphore(%arg10 : memref<!tpu.dma_semaphore, #tpu.memory_space<semaphore_mem>>) src(%dma_wait3A_312 : memref<4096xf32, #tpu.memory_space<vmem>>) dst(%dma_wait3A_310 : memref<4096xf32, #tpu.memory_space<hbm>>)
        } else {
        }
      } else {
      }
      %sub3A_244 = arith.constant 2048 : i32
      %sub3A_245 = arith.subi %add3A_238, %sub3A_244 : i32
      %mul3A_246 = arith.muli %sub3A_245, %sub3A_245 : i32
      %parallel_loop3A_247 = arith.constant 0 : i32
      %parallel_loop3A_248 = arith.constant 2048 : i32
      %parallel_loop3A_249 = arith.constant 16 : i32
      scf.for %parallel_loop3A_286 = %parallel_loop3A_247 to %parallel_loop3A_248 step %parallel_loop3A_249  : i32 {
        %parallel_loop3A_287 = arith.index_cast %parallel_loop3A_286 : i32 to index
        %parallel_loop3A_288 = tpu.vector_load %arg6[%parallel_loop3A_287] {strides = array<i32>} : memref<2064xi32, #tpu.memory_space<vmem>>, vector<16xi32>,
        %parallel_loop3A_289 = vector.broadcast %mul3A_246 : i32 to vector<16xi32>
        %parallel_loop3A_290 = arith.addi %parallel_loop3A_289, %parallel_loop3A_288 : vector<16xi32>
        %parallel_loop3A_291 = arith.index_cast %parallel_loop3A_286 : i32 to index
        %parallel_loop3A_292 = tpu.vector_load %arg7[%parallel_loop3A_291] {strides = array<i32>} : memref<2064xi32, #tpu.memory_space<vmem>>, vector<16xi32>,
        %parallel_loop3A_293 = arith.muli %parallel_loop3A_292, %parallel_loop3A_292 : vector<16xi32>
        %parallel_loop3A_294 = arith.cmpi sgt, %parallel_loop3A_293, %parallel_loop3A_290 : vector<16xi32>
        %parallel_loop3A_295 = arith.constant 1 : i32
        %parallel_loop3A_296 = vector.broadcast %parallel_loop3A_295 : i32 to vector<16xi32>
        %parallel_loop3A_297 = arith.subi %parallel_loop3A_292, %parallel_loop3A_296 : vector<16xi32>
        %parallel_loop3A_298 = arith.select %parallel_loop3A_294, %parallel_loop3A_297, %parallel_loop3A_292 : vector<16xi1>, vector<16xi32>
        %parallel_loop3A_299 = arith.index_cast %parallel_loop3A_286 : i32 to index
        %parallel_loop3A_300 = tpu.vector_load %arg7[%parallel_loop3A_299] {strides = array<i32>} : memref<2064xi32, #tpu.memory_space<vmem>>, vector<16xi32>,
        tpu.vector_store %arg7[%parallel_loop3A_299], %parallel_loop3A_298 {strides = array<i32>} : memref<2064xi32, #tpu.memory_space<vmem>>, vector<16xi32>,
        %parallel_loop3A_301 = tpu.vector_load_idx %arg5[%parallel_loop3A_298] : memref<4096xf32, #tpu.memory_space<vmem>>[vector<16xi32>], vector<16xf32>,
        %parallel_loop3A_302 = arith.constant 14336 : i32
        %parallel_loop3A_303 = arith.addi %parallel_loop3A_302, %parallel_loop3A_286 : i32
        %parallel_loop3A_304 = arith.index_cast %parallel_loop3A_303 : i32 to index
        %parallel_loop3A_305 = tpu.vector_load %arg9[%parallel_loop3A_304] {strides = array<i32>} : memref<16384xf32, #tpu.memory_space<vmem>>, vector<16xf32>,
        tpu.vector_store %arg9[%parallel_loop3A_304], %parallel_loop3A_301 {strides = array<i32>} : memref<16384xf32, #tpu.memory_space<vmem>>, vector<16xf32>,
        %parallel_loop3A_306 = arith.index_cast %parallel_loop3A_286 : i32 to index
        %parallel_loop3A_307 = tpu.vector_load %arg8[%parallel_loop3A_306] {strides = array<i32>} : memref<2064xf32, #tpu.memory_space<vmem>>, vector<16xf32>,
        tpu.vector_store %arg8[%parallel_loop3A_306], %parallel_loop3A_301 {strides = array<i32>} : memref<2064xf32, #tpu.memory_space<vmem>>, vector<16xf32>,
      } {sc.loop_unroll_factor = 8 : i64, sc.parallel_access}
      %get3A_250 = arith.constant 2048 : index
      %get3A_251 = tpu.vector_load %arg6[%get3A_250] {strides = array<i32>} : memref<2064xi32, #tpu.memory_space<vmem>>, vector<16xi32>,
      %add3A_252 = vector.broadcast %mul3A_246 : i32 to vector<16xi32>
      %add3A_253 = arith.addi %add3A_252, %get3A_251 : vector<16xi32>
      %get3A_254 = arith.constant 2048 : index
      %get3A_255 = tpu.vector_load %arg7[%get3A_254] {strides = array<i32>} : memref<2064xi32, #tpu.memory_space<vmem>>, vector<16xi32>,
      %mul3A_256 = arith.muli %get3A_255, %get3A_255 : vector<16xi32>
      %gt3A_257 = arith.cmpi sgt, %mul3A_256, %add3A_253 : vector<16xi32>
      %sub3A_258 = arith.constant 1 : i32
      %sub3A_259 = vector.broadcast %sub3A_258 : i32 to vector<16xi32>
      %sub3A_260 = arith.subi %get3A_255, %sub3A_259 : vector<16xi32>
      %select_n3A_261 = arith.select %gt3A_257, %sub3A_260, %get3A_255 : vector<16xi1>, vector<16xi32>
      %swap3A_262 = arith.constant 2048 : index
      %swap3A_263 = tpu.vector_load %arg7[%swap3A_262] {strides = array<i32>} : memref<2064xi32, #tpu.memory_space<vmem>>, vector<16xi32>,
      tpu.vector_store %arg7[%swap3A_262], %select_n3A_261 {strides = array<i32>} : memref<2064xi32, #tpu.memory_space<vmem>>, vector<16xi32>,
      %gather3A_264 = tpu.vector_load_idx %arg5[%select_n3A_261] : memref<4096xf32, #tpu.memory_space<vmem>>[vector<16xi32>], vector<16xf32>,
      %swap3A_265 = arith.constant 2048 : index
      %swap3A_266 = tpu.vector_load %arg8[%swap3A_265] {strides = array<i32>} : memref<2064xf32, #tpu.memory_space<vmem>>, vector<16xf32>,
      tpu.vector_store %arg8[%swap3A_265], %gather3A_264 {strides = array<i32>} : memref<2064xf32, #tpu.memory_space<vmem>>, vector<16xf32>,
      %parallel_loop3A_267 = arith.constant 0 : i32
      %parallel_loop3A_268 = arith.constant 2048 : i32
      %parallel_loop3A_269 = arith.constant 16 : i32
      scf.for %parallel_loop3A_286 = %parallel_loop3A_267 to %parallel_loop3A_268 step %parallel_loop3A_269  : i32 {
        %parallel_loop3A_287 = arith.constant 2048 : i32
        %parallel_loop3A_288 = arith.subi %parallel_loop3A_287, %parallel_loop3A_286 : i32
        %parallel_loop3A_289 = arith.constant 15 : i32
        %parallel_loop3A_290 = arith.subi %parallel_loop3A_288, %parallel_loop3A_289 : i32
        %parallel_loop3A_291 = arith.index_cast %parallel_loop3A_290 : i32 to index
        %parallel_loop3A_292 = tpu.vector_load %arg8[%parallel_loop3A_291] {strides = array<i32>} : memref<2064xf32, #tpu.memory_space<vmem>>, vector<16xf32>,
        %parallel_loop3A_293 = arith.constant 15 : i32
        %parallel_loop3A_294 = vector.broadcast %parallel_loop3A_293 : i32 to vector<16xi32>
        %parallel_loop3A_295 = tpu.iota {dimensions = array<i32: 0>} : vector<16xi32>
        %parallel_loop3A_296 = arith.subi %parallel_loop3A_294, %parallel_loop3A_295 : vector<16xi32>
        %parallel_loop3A_297 = tpu.dynamic_gather %parallel_loop3A_292[%parallel_loop3A_296] in [0] : vector<16xf32>, vector<16xi32> -> vector<16xf32>
        %parallel_loop3A_298 = arith.constant 12288 : i32
        %parallel_loop3A_299 = arith.addi %parallel_loop3A_298, %parallel_loop3A_286 : i32
        %parallel_loop3A_300 = arith.index_cast %parallel_loop3A_299 : i32 to index
        %parallel_loop3A_301 = tpu.vector_load %arg9[%parallel_loop3A_300] {strides = array<i32>} : memref<16384xf32, #tpu.memory_space<vmem>>, vector<16xf32>,
        tpu.vector_store %arg9[%parallel_loop3A_300], %parallel_loop3A_297 {strides = array<i32>} : memref<16384xf32, #tpu.memory_space<vmem>>, vector<16xf32>,
      } {sc.loop_unroll_factor = 8 : i64, sc.parallel_access}
      %dma_start3A_270 = arith.constant 12288 : i32
      %dma_start3A_271 = tpu.memref_slice %arg9[%dma_start3A_270] : memref<16384xf32, #tpu.memory_space<vmem>> -> memref<4096xf32, #tpu.memory_space<vmem>>
      %dma_start3A_272 = arith.constant 0 : i32
      %dma_start3A_273 = tpu.memref_slice %arg3[%add3A_238, %dma_start3A_272] : memref<4096x4096xf32, #tpu.memory_space<hbm>> -> memref<1x4096xf32, #tpu.memory_space<hbm>>
      %dma_start3A_274 = tpu.memref_squeeze %dma_start3A_273 : memref<1x4096xf32, #tpu.memory_space<hbm>> -> memref<4096xf32, #tpu.memory_space<hbm>>
      %dma_start3A_275 = arith.constant 0 : i32
      %dma_start3A_276 = tpu.memref_slice %arg3[%add3A_238, %dma_start3A_275] : memref<4096x4096xf32, #tpu.memory_space<hbm>> -> memref<1x4096xf32, #tpu.memory_space<hbm>>
      %dma_start3A_277 = tpu.memref_squeeze %dma_start3A_276 : memref<1x4096xf32, #tpu.memory_space<hbm>> -> memref<4096xf32, #tpu.memory_space<hbm>>
      %dma_start3A_278 = arith.constant 12288 : i32
      %dma_start3A_279 = tpu.memref_slice %arg9[%dma_start3A_278] : memref<16384xf32, #tpu.memory_space<vmem>> -> memref<4096xf32, #tpu.memory_space<vmem>>
      tpu.enqueue_dma source(%dma_start3A_279 : memref<4096xf32, #tpu.memory_space<vmem>>) target(%dma_start3A_277 : memref<4096xf32, #tpu.memory_space<hbm>>) target_semaphore(%arg10 : memref<!tpu.dma_semaphore, #tpu.memory_space<semaphore_mem>>)
      %ge3A_280 = arith.constant 1 : i32
      %ge3A_281 = arith.cmpi sge, %add3A_238, %ge3A_280 : i32
      %convert_element_type3A_282 = arith.extui %ge3A_281 : i1 to i32
      %cond3A_283 = arith.constant 0 : i32
      %cond3A_284 = arith.cmpi ne, %convert_element_type3A_282, %cond3A_283 : i32
      scf.if %cond3A_284 {
        %sub3A_286 = arith.constant 4096 : i32
        %sub3A_287 = arith.subi %sub3A_286, %add3A_238 : i32
        %dma_start3A_288 = arith.constant 12288 : i32
        %dma_start3A_289 = tpu.memref_slice %arg9[%dma_start3A_288] : memref<16384xf32, #tpu.memory_space<vmem>> -> memref<4096xf32, #tpu.memory_space<vmem>>
        %dma_start3A_290 = arith.constant 0 : i32
        %dma_start3A_291 = tpu.memref_slice %arg3[%sub3A_287, %dma_start3A_290] : memref<4096x4096xf32, #tpu.memory_space<hbm>> -> memref<1x4096xf32, #tpu.memory_space<hbm>>
        %dma_start3A_292 = tpu.memref_squeeze %dma_start3A_291 : memref<1x4096xf32, #tpu.memory_space<hbm>> -> memref<4096xf32, #tpu.memory_space<hbm>>
        %dma_start3A_293 = arith.constant 0 : i32
        %dma_start3A_294 = tpu.memref_slice %arg3[%sub3A_287, %dma_start3A_293] : memref<4096x4096xf32, #tpu.memory_space<hbm>> -> memref<1x4096xf32, #tpu.memory_space<hbm>>
        %dma_start3A_295 = tpu.memref_squeeze %dma_start3A_294 : memref<1x4096xf32, #tpu.memory_space<hbm>> -> memref<4096xf32, #tpu.memory_space<hbm>>
        %dma_start3A_296 = arith.constant 12288 : i32
        %dma_start3A_297 = tpu.memref_slice %arg9[%dma_start3A_296] : memref<16384xf32, #tpu.memory_space<vmem>> -> memref<4096xf32, #tpu.memory_space<vmem>>
        tpu.enqueue_dma source(%dma_start3A_297 : memref<4096xf32, #tpu.memory_space<vmem>>) target(%dma_start3A_295 : memref<4096xf32, #tpu.memory_space<hbm>>) target_semaphore(%arg10 : memref<!tpu.dma_semaphore, #tpu.memory_space<semaphore_mem>>)
      } else {
      }
      %scan3A_285 = arith.constant 0 : i32
      scf.yield %scan3A_285 : i32
    }
    %scan3A_13 = arith.constant 16 : i32
    %dma_wait3A = arith.constant 0 : i32
    %dma_wait3A_14 = arith.constant 0 : i32
    %dma_wait3A_15 = tpu.memref_slice %arg9[%dma_wait3A_14] : memref<16384xf32, #tpu.memory_space<vmem>> -> memref<4096xf32, #tpu.memory_space<vmem>>
    %dma_wait3A_16 = arith.constant 0 : i32
    %dma_wait3A_17 = tpu.memref_slice %arg3[%dma_wait3A, %dma_wait3A_16] : memref<4096x4096xf32, #tpu.memory_space<hbm>> -> memref<1x4096xf32, #tpu.memory_space<hbm>>
    %dma_wait3A_18 = tpu.memref_squeeze %dma_wait3A_17 : memref<1x4096xf32, #tpu.memory_space<hbm>> -> memref<4096xf32, #tpu.memory_space<hbm>>
    %dma_wait3A_19 = arith.constant 0 : i32
    %dma_wait3A_20 = tpu.memref_slice %arg3[%dma_wait3A, %dma_wait3A_19] : memref<4096x4096xf32, #tpu.memory_space<hbm>> -> memref<1x4096xf32, #tpu.memory_space<hbm>>
    %dma_wait3A_21 = tpu.memref_squeeze %dma_wait3A_20 : memref<1x4096xf32, #tpu.memory_space<hbm>> -> memref<4096xf32, #tpu.memory_space<hbm>>
    %dma_wait3A_22 = arith.constant 0 : i32
    %dma_wait3A_23 = tpu.memref_slice %arg9[%dma_wait3A_22] : memref<16384xf32, #tpu.memory_space<vmem>> -> memref<4096xf32, #tpu.memory_space<vmem>>
    tpu.wait_dma2 semaphore(%arg10 : memref<!tpu.dma_semaphore, #tpu.memory_space<semaphore_mem>>) src(%dma_wait3A_23 : memref<4096xf32, #tpu.memory_space<vmem>>) dst(%dma_wait3A_21 : memref<4096xf32, #tpu.memory_space<hbm>>)
    %dma_wait3A_24 = arith.constant 0 : i32
    %dma_wait3A_25 = arith.constant 4096 : i32
    %dma_wait3A_26 = tpu.memref_slice %arg9[%dma_wait3A_25] : memref<16384xf32, #tpu.memory_space<vmem>> -> memref<4096xf32, #tpu.memory_space<vmem>>
    %dma_wait3A_27 = arith.constant 0 : i32
    %dma_wait3A_28 = tpu.memref_slice %arg3[%dma_wait3A_24, %dma_wait3A_27] : memref<4096x4096xf32, #tpu.memory_space<hbm>> -> memref<1x4096xf32, #tpu.memory_space<hbm>>
    %dma_wait3A_29 = tpu.memref_squeeze %dma_wait3A_28 : memref<1x4096xf32, #tpu.memory_space<hbm>> -> memref<4096xf32, #tpu.memory_space<hbm>>
    %dma_wait3A_30 = arith.constant 0 : i32
    %dma_wait3A_31 = tpu.memref_slice %arg3[%dma_wait3A_24, %dma_wait3A_30] : memref<4096x4096xf32, #tpu.memory_space<hbm>> -> memref<1x4096xf32, #tpu.memory_space<hbm>>
    %dma_wait3A_32 = tpu.memref_squeeze %dma_wait3A_31 : memref<1x4096xf32, #tpu.memory_space<hbm>> -> memref<4096xf32, #tpu.memory_space<hbm>>
    %dma_wait3A_33 = arith.constant 4096 : i32
    %dma_wait3A_34 = tpu.memref_slice %arg9[%dma_wait3A_33] : memref<16384xf32, #tpu.memory_space<vmem>> -> memref<4096xf32, #tpu.memory_space<vmem>>
    tpu.wait_dma2 semaphore(%arg10 : memref<!tpu.dma_semaphore, #tpu.memory_space<semaphore_mem>>) src(%dma_wait3A_34 : memref<4096xf32, #tpu.memory_space<vmem>>) dst(%dma_wait3A_32 : memref<4096xf32, #tpu.memory_space<hbm>>)
    %dma_wait3A_35 = arith.constant 0 : i32
    %dma_wait3A_36 = arith.constant 8192 : i32
    %dma_wait3A_37 = tpu.memref_slice %arg9[%dma_wait3A_36] : memref<16384xf32, #tpu.memory_space<vmem>> -> memref<4096xf32, #tpu.memory_space<vmem>>
    %dma_wait3A_38 = arith.constant 0 : i32
    %dma_wait3A_39 = tpu.memref_slice %arg3[%dma_wait3A_35, %dma_wait3A_38] : memref<4096x4096xf32, #tpu.memory_space<hbm>> -> memref<1x4096xf32, #tpu.memory_space<hbm>>
    %dma_wait3A_40 = tpu.memref_squeeze %dma_wait3A_39 : memref<1x4096xf32, #tpu.memory_space<hbm>> -> memref<4096xf32, #tpu.memory_space<hbm>>
    %dma_wait3A_41 = arith.constant 0 : i32
    %dma_wait3A_42 = tpu.memref_slice %arg3[%dma_wait3A_35, %dma_wait3A_41] : memref<4096x4096xf32, #tpu.memory_space<hbm>> -> memref<1x4096xf32, #tpu.memory_space<hbm>>
    %dma_wait3A_43 = tpu.memref_squeeze %dma_wait3A_42 : memref<1x4096xf32, #tpu.memory_space<hbm>> -> memref<4096xf32, #tpu.memory_space<hbm>>
    %dma_wait3A_44 = arith.constant 8192 : i32
    %dma_wait3A_45 = tpu.memref_slice %arg9[%dma_wait3A_44] : memref<16384xf32, #tpu.memory_space<vmem>> -> memref<4096xf32, #tpu.memory_space<vmem>>
    tpu.wait_dma2 semaphore(%arg10 : memref<!tpu.dma_semaphore, #tpu.memory_space<semaphore_mem>>) src(%dma_wait3A_45 : memref<4096xf32, #tpu.memory_space<vmem>>) dst(%dma_wait3A_43 : memref<4096xf32, #tpu.memory_space<hbm>>)
    %dma_wait3A_46 = arith.constant 0 : i32
    %dma_wait3A_47 = arith.constant 12288 : i32
    %dma_wait3A_48 = tpu.memref_slice %arg9[%dma_wait3A_47] : memref<16384xf32, #tpu.memory_space<vmem>> -> memref<4096xf32, #tpu.memory_space<vmem>>
    %dma_wait3A_49 = arith.constant 0 : i32
    %dma_wait3A_50 = tpu.memref_slice %arg3[%dma_wait3A_46, %dma_wait3A_49] : memref<4096x4096xf32, #tpu.memory_space<hbm>> -> memref<1x4096xf32, #tpu.memory_space<hbm>>
    %dma_wait3A_51 = tpu.memref_squeeze %dma_wait3A_50 : memref<1x4096xf32, #tpu.memory_space<hbm>> -> memref<4096xf32, #tpu.memory_space<hbm>>
    %dma_wait3A_52 = arith.constant 0 : i32
    %dma_wait3A_53 = tpu.memref_slice %arg3[%dma_wait3A_46, %dma_wait3A_52] : memref<4096x4096xf32, #tpu.memory_space<hbm>> -> memref<1x4096xf32, #tpu.memory_space<hbm>>
    %dma_wait3A_54 = tpu.memref_squeeze %dma_wait3A_53 : memref<1x4096xf32, #tpu.memory_space<hbm>> -> memref<4096xf32, #tpu.memory_space<hbm>>
    %dma_wait3A_55 = arith.constant 12288 : i32
    %dma_wait3A_56 = tpu.memref_slice %arg9[%dma_wait3A_55] : memref<16384xf32, #tpu.memory_space<vmem>> -> memref<4096xf32, #tpu.memory_space<vmem>>
    tpu.wait_dma2 semaphore(%arg10 : memref<!tpu.dma_semaphore, #tpu.memory_space<semaphore_mem>>) src(%dma_wait3A_56 : memref<4096xf32, #tpu.memory_space<vmem>>) dst(%dma_wait3A_54 : memref<4096xf32, #tpu.memory_space<hbm>>)
    %dma_wait3A_57 = arith.constant 0 : i32
    %dma_wait3A_58 = arith.constant 0 : i32
    %dma_wait3A_59 = tpu.memref_slice %arg9[%dma_wait3A_58] : memref<16384xf32, #tpu.memory_space<vmem>> -> memref<4096xf32, #tpu.memory_space<vmem>>
    %dma_wait3A_60 = arith.constant 0 : i32
    %dma_wait3A_61 = tpu.memref_slice %arg3[%dma_wait3A_57, %dma_wait3A_60] : memref<4096x4096xf32, #tpu.memory_space<hbm>> -> memref<1x4096xf32, #tpu.memory_space<hbm>>
    %dma_wait3A_62 = tpu.memref_squeeze %dma_wait3A_61 : memref<1x4096xf32, #tpu.memory_space<hbm>> -> memref<4096xf32, #tpu.memory_space<hbm>>
    %dma_wait3A_63 = arith.constant 0 : i32
    %dma_wait3A_64 = tpu.memref_slice %arg3[%dma_wait3A_57, %dma_wait3A_63] : memref<4096x4096xf32, #tpu.memory_space<hbm>> -> memref<1x4096xf32, #tpu.memory_space<hbm>>
    %dma_wait3A_65 = tpu.memref_squeeze %dma_wait3A_64 : memref<1x4096xf32, #tpu.memory_space<hbm>> -> memref<4096xf32, #tpu.memory_space<hbm>>
    %dma_wait3A_66 = arith.constant 0 : i32
    %dma_wait3A_67 = tpu.memref_slice %arg9[%dma_wait3A_66] : memref<16384xf32, #tpu.memory_space<vmem>> -> memref<4096xf32, #tpu.memory_space<vmem>>
    tpu.wait_dma2 semaphore(%arg10 : memref<!tpu.dma_semaphore, #tpu.memory_space<semaphore_mem>>) src(%dma_wait3A_67 : memref<4096xf32, #tpu.memory_space<vmem>>) dst(%dma_wait3A_65 : memref<4096xf32, #tpu.memory_space<hbm>>)
    %dma_wait3A_68 = arith.constant 0 : i32
    %dma_wait3A_69 = arith.constant 4096 : i32
    %dma_wait3A_70 = tpu.memref_slice %arg9[%dma_wait3A_69] : memref<16384xf32, #tpu.memory_space<vmem>> -> memref<4096xf32, #tpu.memory_space<vmem>>
    %dma_wait3A_71 = arith.constant 0 : i32
    %dma_wait3A_72 = tpu.memref_slice %arg3[%dma_wait3A_68, %dma_wait3A_71] : memref<4096x4096xf32, #tpu.memory_space<hbm>> -> memref<1x4096xf32, #tpu.memory_space<hbm>>
    %dma_wait3A_73 = tpu.memref_squeeze %dma_wait3A_72 : memref<1x4096xf32, #tpu.memory_space<hbm>> -> memref<4096xf32, #tpu.memory_space<hbm>>
    %dma_wait3A_74 = arith.constant 0 : i32
    %dma_wait3A_75 = tpu.memref_slice %arg3[%dma_wait3A_68, %dma_wait3A_74] : memref<4096x4096xf32, #tpu.memory_space<hbm>> -> memref<1x4096xf32, #tpu.memory_space<hbm>>
    %dma_wait3A_76 = tpu.memref_squeeze %dma_wait3A_75 : memref<1x4096xf32, #tpu.memory_space<hbm>> -> memref<4096xf32, #tpu.memory_space<hbm>>
    %dma_wait3A_77 = arith.constant 4096 : i32
    %dma_wait3A_78 = tpu.memref_slice %arg9[%dma_wait3A_77] : memref<16384xf32, #tpu.memory_space<vmem>> -> memref<4096xf32, #tpu.memory_space<vmem>>
    tpu.wait_dma2 semaphore(%arg10 : memref<!tpu.dma_semaphore, #tpu.memory_space<semaphore_mem>>) src(%dma_wait3A_78 : memref<4096xf32, #tpu.memory_space<vmem>>) dst(%dma_wait3A_76 : memref<4096xf32, #tpu.memory_space<hbm>>)
    %dma_wait3A_79 = arith.constant 0 : i32
    %dma_wait3A_80 = arith.constant 8192 : i32
    %dma_wait3A_81 = tpu.memref_slice %arg9[%dma_wait3A_80] : memref<16384xf32, #tpu.memory_space<vmem>> -> memref<4096xf32, #tpu.memory_space<vmem>>
    %dma_wait3A_82 = arith.constant 0 : i32
    %dma_wait3A_83 = tpu.memref_slice %arg3[%dma_wait3A_79, %dma_wait3A_82] : memref<4096x4096xf32, #tpu.memory_space<hbm>> -> memref<1x4096xf32, #tpu.memory_space<hbm>>
    %dma_wait3A_84 = tpu.memref_squeeze %dma_wait3A_83 : memref<1x4096xf32, #tpu.memory_space<hbm>> -> memref<4096xf32, #tpu.memory_space<hbm>>
    %dma_wait3A_85 = arith.constant 0 : i32
    %dma_wait3A_86 = tpu.memref_slice %arg3[%dma_wait3A_79, %dma_wait3A_85] : memref<4096x4096xf32, #tpu.memory_space<hbm>> -> memref<1x4096xf32, #tpu.memory_space<hbm>>
    %dma_wait3A_87 = tpu.memref_squeeze %dma_wait3A_86 : memref<1x4096xf32, #tpu.memory_space<hbm>> -> memref<4096xf32, #tpu.memory_space<hbm>>
    %dma_wait3A_88 = arith.constant 8192 : i32
    %dma_wait3A_89 = tpu.memref_slice %arg9[%dma_wait3A_88] : memref<16384xf32, #tpu.memory_space<vmem>> -> memref<4096xf32, #tpu.memory_space<vmem>>
    tpu.wait_dma2 semaphore(%arg10 : memref<!tpu.dma_semaphore, #tpu.memory_space<semaphore_mem>>) src(%dma_wait3A_89 : memref<4096xf32, #tpu.memory_space<vmem>>) dst(%dma_wait3A_87 : memref<4096xf32, #tpu.memory_space<hbm>>)
    %dma_wait3A_90 = arith.constant 0 : i32
    %dma_wait3A_91 = arith.constant 12288 : i32
    %dma_wait3A_92 = tpu.memref_slice %arg9[%dma_wait3A_91] : memref<16384xf32, #tpu.memory_space<vmem>> -> memref<4096xf32, #tpu.memory_space<vmem>>
    %dma_wait3A_93 = arith.constant 0 : i32
    %dma_wait3A_94 = tpu.memref_slice %arg3[%dma_wait3A_90, %dma_wait3A_93] : memref<4096x4096xf32, #tpu.memory_space<hbm>> -> memref<1x4096xf32, #tpu.memory_space<hbm>>
    %dma_wait3A_95 = tpu.memref_squeeze %dma_wait3A_94 : memref<1x4096xf32, #tpu.memory_space<hbm>> -> memref<4096xf32, #tpu.memory_space<hbm>>
    %dma_wait3A_96 = arith.constant 0 : i32
    %dma_wait3A_97 = tpu.memref_slice %arg3[%dma_wait3A_90, %dma_wait3A_96] : memref<4096x4096xf32, #tpu.memory_space<hbm>> -> memref<1x4096xf32, #tpu.memory_space<hbm>>
    %dma_wait3A_98 = tpu.memref_squeeze %dma_wait3A_97 : memref<1x4096xf32, #tpu.memory_space<hbm>> -> memref<4096xf32, #tpu.memory_space<hbm>>
    %dma_wait3A_99 = arith.constant 12288 : i32
    %dma_wait3A_100 = tpu.memref_slice %arg9[%dma_wait3A_99] : memref<16384xf32, #tpu.memory_space<vmem>> -> memref<4096xf32, #tpu.memory_space<vmem>>
    tpu.wait_dma2 semaphore(%arg10 : memref<!tpu.dma_semaphore, #tpu.memory_space<semaphore_mem>>) src(%dma_wait3A_100 : memref<4096xf32, #tpu.memory_space<vmem>>) dst(%dma_wait3A_98 : memref<4096xf32, #tpu.memory_space<hbm>>)
    %eq3A = arith.constant 31 : i32
    %eq3A_101 = arith.cmpi eq, %add3A, %eq3A : i32
    %convert_element_type3A = arith.extui %eq3A_101 : i1 to i32
    %cond3A = arith.constant 0 : i32
    %cond3A_102 = arith.cmpi ne, %convert_element_type3A, %cond3A : i32
    scf.if %cond3A_102 {
      %parallel_loop3A_103 = arith.constant 0 : i32
      %parallel_loop3A_104 = arith.constant 2048 : i32
      %parallel_loop3A_105 = arith.constant 16 : i32
      scf.for %parallel_loop3A_169 = %parallel_loop3A_103 to %parallel_loop3A_104 step %parallel_loop3A_105  : i32 {
        %parallel_loop3A_170 = arith.index_cast %parallel_loop3A_169 : i32 to index
        %parallel_loop3A_171 = tpu.vector_load %arg6[%parallel_loop3A_170] {strides = array<i32>} : memref<2064xi32, #tpu.memory_space<vmem>>, vector<16xi32>,
        %parallel_loop3A_172 = arith.constant 0 : i32
        %parallel_loop3A_173 = vector.broadcast %parallel_loop3A_172 : i32 to vector<16xi32>
        %parallel_loop3A_174 = arith.addi %parallel_loop3A_173, %parallel_loop3A_171 : vector<16xi32>
        %parallel_loop3A_175 = arith.sitofp %parallel_loop3A_174 : vector<16xi32> to vector<16xf32>
        %parallel_loop3A_176 = tpu.bitcast %parallel_loop3A_175 : vector<16xf32> -> vector<16xi32>
        %parallel_loop3A_177 = arith.constant 1 : i32
        %parallel_loop3A_178 = vector.broadcast %parallel_loop3A_177 : i32 to vector<16xi32>
        %parallel_loop3A_179 = arith.shrsi %parallel_loop3A_176, %parallel_loop3A_178 : vector<16xi32>
        %parallel_loop3A_180 = arith.constant 1597463007 : i32
        %parallel_loop3A_181 = vector.broadcast %parallel_loop3A_180 : i32 to vector<16xi32>
        %parallel_loop3A_182 = arith.subi %parallel_loop3A_181, %parallel_loop3A_179 : vector<16xi32>
        %parallel_loop3A_183 = tpu.bitcast %parallel_loop3A_182 : vector<16xi32> -> vector<16xf32>
        %parallel_loop3A_184 = arith.constant 5.000000e-01 : f32
        %parallel_loop3A_185 = vector.broadcast %parallel_loop3A_184 : f32 to vector<16xf32>
        %parallel_loop3A_186 = arith.mulf %parallel_loop3A_175, %parallel_loop3A_185 : vector<16xf32>
        %parallel_loop3A_187 = arith.mulf %parallel_loop3A_186, %parallel_loop3A_183 : vector<16xf32>
        %parallel_loop3A_188 = arith.mulf %parallel_loop3A_187, %parallel_loop3A_183 : vector<16xf32>
        %parallel_loop3A_189 = arith.constant 1.500000e+00 : f32
        %parallel_loop3A_190 = vector.broadcast %parallel_loop3A_189 : f32 to vector<16xf32>
        %parallel_loop3A_191 = arith.subf %parallel_loop3A_190, %parallel_loop3A_188 : vector<16xf32>
        %parallel_loop3A_192 = arith.mulf %parallel_loop3A_183, %parallel_loop3A_191 : vector<16xf32>
        %parallel_loop3A_193 = arith.mulf %parallel_loop3A_186, %parallel_loop3A_192 : vector<16xf32>
        %parallel_loop3A_194 = arith.mulf %parallel_loop3A_193, %parallel_loop3A_192 : vector<16xf32>
        %parallel_loop3A_195 = arith.constant 1.500000e+00 : f32
        %parallel_loop3A_196 = vector.broadcast %parallel_loop3A_195 : f32 to vector<16xf32>
        %parallel_loop3A_197 = arith.subf %parallel_loop3A_196, %parallel_loop3A_194 : vector<16xf32>
        %parallel_loop3A_198 = arith.mulf %parallel_loop3A_192, %parallel_loop3A_197 : vector<16xf32>
        %parallel_loop3A_199 = arith.mulf %parallel_loop3A_175, %parallel_loop3A_198 : vector<16xf32>
        %parallel_loop3A_200 = arith.fptosi %parallel_loop3A_199 : vector<16xf32> to vector<16xi32>
        %parallel_loop3A_201 = arith.constant 1 : i32
        %parallel_loop3A_202 = vector.broadcast %parallel_loop3A_201 : i32 to vector<16xi32>
        %parallel_loop3A_203 = arith.addi %parallel_loop3A_200, %parallel_loop3A_202 : vector<16xi32>
        %parallel_loop3A_204 = arith.muli %parallel_loop3A_203, %parallel_loop3A_203 : vector<16xi32>
        %parallel_loop3A_205 = arith.cmpi sle, %parallel_loop3A_204, %parallel_loop3A_174 : vector<16xi32>
        %parallel_loop3A_206 = arith.select %parallel_loop3A_205, %parallel_loop3A_203, %parallel_loop3A_200 : vector<16xi1>, vector<16xi32>
        %parallel_loop3A_207 = arith.muli %parallel_loop3A_206, %parallel_loop3A_206 : vector<16xi32>
        %parallel_loop3A_208 = arith.cmpi sgt, %parallel_loop3A_207, %parallel_loop3A_174 : vector<16xi32>
        %parallel_loop3A_209 = arith.constant 1 : i32
        %parallel_loop3A_210 = vector.broadcast %parallel_loop3A_209 : i32 to vector<16xi32>
        %parallel_loop3A_211 = arith.subi %parallel_loop3A_206, %parallel_loop3A_210 : vector<16xi32>
        %parallel_loop3A_212 = arith.select %parallel_loop3A_208, %parallel_loop3A_211, %parallel_loop3A_206 : vector<16xi1>, vector<16xi32>
        %parallel_loop3A_213 = arith.index_cast %parallel_loop3A_169 : i32 to index
        %parallel_loop3A_214 = tpu.vector_load %arg7[%parallel_loop3A_213] {strides = array<i32>} : memref<2064xi32, #tpu.memory_space<vmem>>, vector<16xi32>,
        tpu.vector_store %arg7[%parallel_loop3A_213], %parallel_loop3A_212 {strides = array<i32>} : memref<2064xi32, #tpu.memory_space<vmem>>, vector<16xi32>,
        %parallel_loop3A_215 = tpu.vector_load_idx %arg5[%parallel_loop3A_212] : memref<4096xf32, #tpu.memory_space<vmem>>[vector<16xi32>], vector<16xf32>,
        %parallel_loop3A_216 = arith.constant 2048 : i32
        %parallel_loop3A_217 = arith.addi %parallel_loop3A_216, %parallel_loop3A_169 : i32
        %parallel_loop3A_218 = arith.index_cast %parallel_loop3A_217 : i32 to index
        %parallel_loop3A_219 = tpu.vector_load %arg9[%parallel_loop3A_218] {strides = array<i32>} : memref<16384xf32, #tpu.memory_space<vmem>>, vector<16xf32>,
        tpu.vector_store %arg9[%parallel_loop3A_218], %parallel_loop3A_215 {strides = array<i32>} : memref<16384xf32, #tpu.memory_space<vmem>>, vector<16xf32>,
        %parallel_loop3A_220 = arith.index_cast %parallel_loop3A_169 : i32 to index
        %parallel_loop3A_221 = tpu.vector_load %arg8[%parallel_loop3A_220] {strides = array<i32>} : memref<2064xf32, #tpu.memory_space<vmem>>, vector<16xf32>,
        tpu.vector_store %arg8[%parallel_loop3A_220], %parallel_loop3A_215 {strides = array<i32>} : memref<2064xf32, #tpu.memory_space<vmem>>, vector<16xf32>,
      } {sc.loop_unroll_factor = 8 : i64, sc.parallel_access}
      %get3A = arith.constant 2048 : index
      %get3A_106 = tpu.vector_load %arg6[%get3A] {strides = array<i32>} : memref<2064xi32, #tpu.memory_space<vmem>>, vector<16xi32>,
      %add3A_107 = arith.constant 0 : i32
      %add3A_108 = vector.broadcast %add3A_107 : i32 to vector<16xi32>
      %add3A_109 = arith.addi %add3A_108, %get3A_106 : vector<16xi32>
      %convert_element_type3A_110 = arith.sitofp %add3A_109 : vector<16xi32> to vector<16xf32>
      %bitcast_convert_type3A = tpu.bitcast %convert_element_type3A_110 : vector<16xf32> -> vector<16xi32>
      %shift_right_arithmetic3A = arith.constant 1 : i32
      %shift_right_arithmetic3A_111 = vector.broadcast %shift_right_arithmetic3A : i32 to vector<16xi32>
      %shift_right_arithmetic3A_112 = arith.shrsi %bitcast_convert_type3A, %shift_right_arithmetic3A_111 : vector<16xi32>
      %sub3A = arith.constant 1597463007 : i32
      %sub3A_113 = vector.broadcast %sub3A : i32 to vector<16xi32>
      %sub3A_114 = arith.subi %sub3A_113, %shift_right_arithmetic3A_112 : vector<16xi32>
      %bitcast_convert_type3A_115 = tpu.bitcast %sub3A_114 : vector<16xi32> -> vector<16xf32>
      %mul3A_116 = arith.constant 5.000000e-01 : f32
      %mul3A_117 = vector.broadcast %mul3A_116 : f32 to vector<16xf32>
      %mul3A_118 = arith.mulf %convert_element_type3A_110, %mul3A_117 : vector<16xf32>
      %mul3A_119 = arith.mulf %mul3A_118, %bitcast_convert_type3A_115 : vector<16xf32>
      %mul3A_120 = arith.mulf %mul3A_119, %bitcast_convert_type3A_115 : vector<16xf32>
      %sub3A_121 = arith.constant 1.500000e+00 : f32
      %sub3A_122 = vector.broadcast %sub3A_121 : f32 to vector<16xf32>
      %sub3A_123 = arith.subf %sub3A_122, %mul3A_120 : vector<16xf32>
      %mul3A_124 = arith.mulf %bitcast_convert_type3A_115, %sub3A_123 : vector<16xf32>
      %mul3A_125 = arith.mulf %mul3A_118, %mul3A_124 : vector<16xf32>
      %mul3A_126 = arith.mulf %mul3A_125, %mul3A_124 : vector<16xf32>
      %sub3A_127 = arith.constant 1.500000e+00 : f32
      %sub3A_128 = vector.broadcast %sub3A_127 : f32 to vector<16xf32>
      %sub3A_129 = arith.subf %sub3A_128, %mul3A_126 : vector<16xf32>
      %mul3A_130 = arith.mulf %mul3A_124, %sub3A_129 : vector<16xf32>
      %mul3A_131 = arith.mulf %convert_element_type3A_110, %mul3A_130 : vector<16xf32>
      %convert_element_type3A_132 = arith.fptosi %mul3A_131 : vector<16xf32> to vector<16xi32>
      %add3A_133 = arith.constant 1 : i32
      %add3A_134 = vector.broadcast %add3A_133 : i32 to vector<16xi32>
      %add3A_135 = arith.addi %convert_element_type3A_132, %add3A_134 : vector<16xi32>
      %mul3A_136 = arith.muli %add3A_135, %add3A_135 : vector<16xi32>
      %le3A = arith.cmpi sle, %mul3A_136, %add3A_109 : vector<16xi32>
      %select_n3A = arith.select %le3A, %add3A_135, %convert_element_type3A_132 : vector<16xi1>, vector<16xi32>
      %mul3A_137 = arith.muli %select_n3A, %select_n3A : vector<16xi32>
      %gt3A = arith.cmpi sgt, %mul3A_137, %add3A_109 : vector<16xi32>
      %sub3A_138 = arith.constant 1 : i32
      %sub3A_139 = vector.broadcast %sub3A_138 : i32 to vector<16xi32>
      %sub3A_140 = arith.subi %select_n3A, %sub3A_139 : vector<16xi32>
      %select_n3A_141 = arith.select %gt3A, %sub3A_140, %select_n3A : vector<16xi1>, vector<16xi32>
      %swap3A = arith.constant 2048 : index
      %swap3A_142 = tpu.vector_load %arg7[%swap3A] {strides = array<i32>} : memref<2064xi32, #tpu.memory_space<vmem>>, vector<16xi32>,
      tpu.vector_store %arg7[%swap3A], %select_n3A_141 {strides = array<i32>} : memref<2064xi32, #tpu.memory_space<vmem>>, vector<16xi32>,
      %gather3A = tpu.vector_load_idx %arg5[%select_n3A_141] : memref<4096xf32, #tpu.memory_space<vmem>>[vector<16xi32>], vector<16xf32>,
      %swap3A_143 = arith.constant 2048 : index
      %swap3A_144 = tpu.vector_load %arg8[%swap3A_143] {strides = array<i32>} : memref<2064xf32, #tpu.memory_space<vmem>>, vector<16xf32>,
      tpu.vector_store %arg8[%swap3A_143], %gather3A {strides = array<i32>} : memref<2064xf32, #tpu.memory_space<vmem>>, vector<16xf32>,
      %parallel_loop3A_145 = arith.constant 0 : i32
      %parallel_loop3A_146 = arith.constant 2048 : i32
      %parallel_loop3A_147 = arith.constant 16 : i32
      scf.for %parallel_loop3A_169 = %parallel_loop3A_145 to %parallel_loop3A_146 step %parallel_loop3A_147  : i32 {
        %parallel_loop3A_170 = arith.constant 2048 : i32
        %parallel_loop3A_171 = arith.subi %parallel_loop3A_170, %parallel_loop3A_169 : i32
        %parallel_loop3A_172 = arith.constant 15 : i32
        %parallel_loop3A_173 = arith.subi %parallel_loop3A_171, %parallel_loop3A_172 : i32
        %parallel_loop3A_174 = arith.index_cast %parallel_loop3A_173 : i32 to index
        %parallel_loop3A_175 = tpu.vector_load %arg8[%parallel_loop3A_174] {strides = array<i32>} : memref<2064xf32, #tpu.memory_space<vmem>>, vector<16xf32>,
        %parallel_loop3A_176 = arith.constant 15 : i32
        %parallel_loop3A_177 = vector.broadcast %parallel_loop3A_176 : i32 to vector<16xi32>
        %parallel_loop3A_178 = tpu.iota {dimensions = array<i32: 0>} : vector<16xi32>
        %parallel_loop3A_179 = arith.subi %parallel_loop3A_177, %parallel_loop3A_178 : vector<16xi32>
        %parallel_loop3A_180 = tpu.dynamic_gather %parallel_loop3A_175[%parallel_loop3A_179] in [0] : vector<16xf32>, vector<16xi32> -> vector<16xf32>
        %parallel_loop3A_181 = arith.constant 0 : i32
        %parallel_loop3A_182 = arith.addi %parallel_loop3A_181, %parallel_loop3A_169 : i32
        %parallel_loop3A_183 = arith.index_cast %parallel_loop3A_182 : i32 to index
        %parallel_loop3A_184 = tpu.vector_load %arg9[%parallel_loop3A_183] {strides = array<i32>} : memref<16384xf32, #tpu.memory_space<vmem>>, vector<16xf32>,
        tpu.vector_store %arg9[%parallel_loop3A_183], %parallel_loop3A_180 {strides = array<i32>} : memref<16384xf32, #tpu.memory_space<vmem>>, vector<16xf32>,
      } {sc.loop_unroll_factor = 8 : i64, sc.parallel_access}
      %dma_start3A = arith.constant 2048 : i32
      %dma_start3A_148 = arith.constant 0 : i32
      %dma_start3A_149 = tpu.memref_slice %arg9[%dma_start3A_148] : memref<16384xf32, #tpu.memory_space<vmem>> -> memref<4096xf32, #tpu.memory_space<vmem>>
      %dma_start3A_150 = arith.constant 0 : i32
      %dma_start3A_151 = tpu.memref_slice %arg3[%dma_start3A, %dma_start3A_150] : memref<4096x4096xf32, #tpu.memory_space<hbm>> -> memref<1x4096xf32, #tpu.memory_space<hbm>>
      %dma_start3A_152 = tpu.memref_squeeze %dma_start3A_151 : memref<1x4096xf32, #tpu.memory_space<hbm>> -> memref<4096xf32, #tpu.memory_space<hbm>>
      %dma_start3A_153 = arith.constant 0 : i32
      %dma_start3A_154 = tpu.memref_slice %arg3[%dma_start3A, %dma_start3A_153] : memref<4096x4096xf32, #tpu.memory_space<hbm>> -> memref<1x4096xf32, #tpu.memory_space<hbm>>
      %dma_start3A_155 = tpu.memref_squeeze %dma_start3A_154 : memref<1x4096xf32, #tpu.memory_space<hbm>> -> memref<4096xf32, #tpu.memory_space<hbm>>
      %dma_start3A_156 = arith.constant 0 : i32
      %dma_start3A_157 = tpu.memref_slice %arg9[%dma_start3A_156] : memref<16384xf32, #tpu.memory_space<vmem>> -> memref<4096xf32, #tpu.memory_space<vmem>>
      tpu.enqueue_dma source(%dma_start3A_157 : memref<4096xf32, #tpu.memory_space<vmem>>) target(%dma_start3A_155 : memref<4096xf32, #tpu.memory_space<hbm>>) target_semaphore(%arg10 : memref<!tpu.dma_semaphore, #tpu.memory_space<semaphore_mem>>)
      %dma_wait3A_158 = arith.constant 2048 : i32
      %dma_wait3A_159 = arith.constant 0 : i32
      %dma_wait3A_160 = tpu.memref_slice %arg9[%dma_wait3A_159] : memref<16384xf32, #tpu.memory_space<vmem>> -> memref<4096xf32, #tpu.memory_space<vmem>>
      %dma_wait3A_161 = arith.constant 0 : i32
      %dma_wait3A_162 = tpu.memref_slice %arg3[%dma_wait3A_158, %dma_wait3A_161] : memref<4096x4096xf32, #tpu.memory_space<hbm>> -> memref<1x4096xf32, #tpu.memory_space<hbm>>
      %dma_wait3A_163 = tpu.memref_squeeze %dma_wait3A_162 : memref<1x4096xf32, #tpu.memory_space<hbm>> -> memref<4096xf32, #tpu.memory_space<hbm>>
      %dma_wait3A_164 = arith.constant 0 : i32
      %dma_wait3A_165 = tpu.memref_slice %arg3[%dma_wait3A_158, %dma_wait3A_164] : memref<4096x4096xf32, #tpu.memory_space<hbm>> -> memref<1x4096xf32, #tpu.memory_space<hbm>>
      %dma_wait3A_166 = tpu.memref_squeeze %dma_wait3A_165 : memref<1x4096xf32, #tpu.memory_space<hbm>> -> memref<4096xf32, #tpu.memory_space<hbm>>
      %dma_wait3A_167 = arith.constant 0 : i32
      %dma_wait3A_168 = tpu.memref_slice %arg9[%dma_wait3A_167] : memref<16384xf32, #tpu.memory_space<vmem>> -> memref<4096xf32, #tpu.memory_space<vmem>>
      tpu.wait_dma2 semaphore(%arg10 : memref<!tpu.dma_semaphore, #tpu.memory_space<semaphore_mem>>) src(%dma_wait3A_168 : memref<4096xf32, #tpu.memory_space<vmem>>) dst(%dma_wait3A_166 : memref<4096xf32, #tpu.memory_space<hbm>>)
    } else {
    }
    return
  }
}

module attributes {stable_mosaic.version = 14 : i64} {
  func.func @_tc_body(%arg0: memref<4x16x128xf32, #tpu.memory_space<vmem>>, %arg1: memref<16x128xf32, #tpu.memory_space<vmem>>, %arg2: memref<16x128xf32, #tpu.memory_space<vmem>>, %arg3: memref<4x16x128xf32, #tpu.memory_space<vmem>>, %arg4: memref<4x16x128xf32, #tpu.memory_space<vmem>>) attributes {dimension_semantics = [], scalar_prefetch = 0 : i64, scratch_operands = 0 : i64, tpu.core_type = #tpu.core_type<tc>} {
    %get3A = arith.constant 0 : index
    %get3A_0 = arith.constant 0 : index
    %get3A_1 = vector.load %arg1[%get3A, %get3A_0] : memref<16x128xf32, #tpu.memory_space<vmem>>, vector<16x128xf32>
    %mul3A = arith.mulf %get3A_1, %get3A_1 : vector<16x128xf32>
    %rem3A = arith.constant 1.200000e-06 : f32
    %rem3A_2 = vector.broadcast %rem3A : f32 to vector<16x128xf32>
    %rem3A_3 = arith.remf %mul3A, %rem3A_2 : vector<16x128xf32>
    %swap3A = arith.constant 0 : index
    %swap3A_4 = arith.constant 0 : index
    %swap3A_5 = vector.load %arg2[%swap3A, %swap3A_4] : memref<16x128xf32, #tpu.memory_space<vmem>>, vector<16x128xf32>
    tpu.vector_store %arg2[%swap3A, %swap3A_4], %rem3A_3 {strides = array<i32>} : memref<16x128xf32, #tpu.memory_space<vmem>>, vector<16x128xf32>,
    %mul3A_6 = arith.constant 5711986.5 : f32
    %mul3A_7 = vector.broadcast %mul3A_6 : f32 to vector<16x128xf32>
    %mul3A_8 = arith.mulf %rem3A_3, %mul3A_7 : vector<16x128xf32>
    %cos3A = math.cos %mul3A_8 : vector<16x128xf32>
    %sin3A = math.sin %mul3A_8 : vector<16x128xf32>
    %get3A_9 = arith.constant 0 : index
    %get3A_10 = arith.constant 0 : index
    %get3A_11 = arith.constant 0 : index
    %get3A_12 = vector.load %arg0[%get3A_9, %get3A_10, %get3A_11] : memref<4x16x128xf32, #tpu.memory_space<vmem>>, vector<4x16x128xf32>
    %broadcast_in_dim3A = vector.shape_cast %cos3A : vector<16x128xf32> to vector<1x16x128xf32>
    %mul3A_13 = vector.broadcast %broadcast_in_dim3A : vector<1x16x128xf32> to vector<4x16x128xf32>
    %mul3A_14 = arith.mulf %get3A_12, %mul3A_13 : vector<4x16x128xf32>
    %swap3A_15 = arith.constant 0 : index
    %swap3A_16 = arith.constant 0 : index
    %swap3A_17 = arith.constant 0 : index
    %swap3A_18 = vector.load %arg3[%swap3A_15, %swap3A_16, %swap3A_17] : memref<4x16x128xf32, #tpu.memory_space<vmem>>, vector<4x16x128xf32>
    tpu.vector_store %arg3[%swap3A_15, %swap3A_16, %swap3A_17], %mul3A_14 {strides = array<i32>} : memref<4x16x128xf32, #tpu.memory_space<vmem>>, vector<4x16x128xf32>,
    %broadcast_in_dim3A_19 = vector.shape_cast %sin3A : vector<16x128xf32> to vector<1x16x128xf32>
    %mul3A_20 = vector.broadcast %broadcast_in_dim3A_19 : vector<1x16x128xf32> to vector<4x16x128xf32>
    %mul3A_21 = arith.mulf %get3A_12, %mul3A_20 : vector<4x16x128xf32>
    %swap3A_22 = arith.constant 0 : index
    %swap3A_23 = arith.constant 0 : index
    %swap3A_24 = arith.constant 0 : index
    %swap3A_25 = vector.load %arg4[%swap3A_22, %swap3A_23, %swap3A_24] : memref<4x16x128xf32, #tpu.memory_space<vmem>>, vector<4x16x128xf32>
    tpu.vector_store %arg4[%swap3A_22, %swap3A_23, %swap3A_24], %mul3A_21 {strides = array<i32>} : memref<4x16x128xf32, #tpu.memory_space<vmem>>, vector<4x16x128xf32>,
    return
  }
}

</mosaic_0001>

<sc_bundles>
// kernel: kernel.4.cloned.1.call-start
scs
__scs_entry_jumppad:
0x0: {  	(pc) =	sbr.rel $0x88, $3  }
0x1: {  	(tag) =	ssettag $0x0;
	lr =	simm.s32 $0x1  }
0x2: {  	[smem:$0x3F9F] =	sst lr;
	_ =	strace $0xD0000000  }
0x3: {  	_ = 	snop  }
0x4: {  	_ = 	snop  }
0x5: {  	_ = 	snop  }
0x6: {  	_ = 	snop  }
0x7: {  	_ = 	snop  }
__scs_overlays_trampoline_lowered:
0x8: {  	[smem:$0x3FAE] =	sst s0  }
0x9: {  	[smem:$0x3FAF] =	sst s1  }
0xa: {  	[smem:$0x3FB0] =	sst s2  }
0xb: {  	[smem:$0x3FB1] =	sst s3  }
0xc: {  	[smem:$0x3FB2] =	sst s4  }
0xd: {  	[smem:$0x3FB3] =	sst s5  }
0xe: {  	[smem:$0x3FB4] =	sst s6  }
0xf: {  	[smem:$0x3FB5] =	sst s7  }
0x10: {  	[smem:$0x3FB6] =	sst s8  }
0x11: {  	[smem:$0x3FB7] =	sst s9;
	s0 =	simm.s32 @!p0 $0x0  }
0x12: {  	s1 =	sld [smem:$0x3F9D];
	s0 =	simm.s32 @p0 $0x1  }
0x13: {  	[smem:$0x3FB8] =	sst s0;
	s0 =	simm.s32 @!p1 $0x0  }
0x14: {  	s2 =	sld [smem:$0x3F9C];
	s0 =	simm.s32 @p1 $0x1  }
0x15: {  	[smem:$0x3FB9] =	sst s0;
	s0 =	simm.s32 @!p2 $0x0  }
0x16: {  	s3 =	sld [smem:$0x3FDB];
	s0 =	simm.s32 @p2 $0x1  }
0x17: {  	s4 =	simm.s32 $0x1BF5;
	[smem:$0x3FBB] =	sst s0  }
0x18: {  	s0 =	sld [smem:$0x3F9E];
	_ =	swait.ge [sflag:s4], $0x0  }
0x19: {  	s7 =	sld [smem:$0x3F9F]  }
0x1a: {  	s8 =	sadd.s32 $0xFFFFE003, lr  }
0x1b: {  	s9 =	sadd.s32 $0xFFFFFEF7, lr;
	s5 =	simm.s32 $0xFFFFFFFF;
	p2 =	slt.u32 s8, $0xFFFFF086  }
0x1c: {  	p1 =	slt.u32 s9, $0xF7A;
	s5 =	simm.s32 @!p2 $0x0  }
0x1d: {  	s5 =	simm.s32 @p1 $0x1;
	p0 =	seq.s32 s7, s2  }
0x1e: {  	s7 =	smul.u32 @!p0 $0xF7A, s2;
	p2 =	seq.s32 @!p0 s5, $0x0  }
0x1f: {  	s9 =	smul.u32 $0xF7A, s1;
	s8 =	simm.s32 @!p0 $0x1BF5;
	p2 =	por !p2, p0  }
0x20: {  	[sflag:s8] =	ssyncset.s32 @!p0 $0xFFFFF086;
	s6 =	sadd.s32 @!p0 s3, s7;
	s7 =	simm.s32 @!p0 $0x108  }
0x21: {  	s3 =	sadd.s32 s3, s9;
	s6 =	sadd.s32 @!p0 $0x88, s6;
	s7 =	simm.s32 @p2 $0x1082  }
0x22: {  	[simem:s7], [sflag:s8] =	dma.local @!p0 [hbm:s6], $0xF7A  }
0x23: {  	s9 =	sor.u32 $0xD0000000, s2;
	s6 =	simm.s32 $0x108;
	_ =	swait.ge @!p0 [sflag:s8], $0x0  }
0x24: {  	s3 =	sadd.s32 $0x88, s3;
	s6 =	simm.s32 @!p1 $0x1082;
	[sflag:s4] =	ssyncset.s32 $0xFFFFF086  }
0x25: {  	[simem:s6], [sflag:s4] =	dma.local [hbm:s3], $0xF7A  }
0x26: {  	[smem:$0x3F9F] =	sst s1;
	(tag) =	ssettag s2;
	_ =	strace s9  }
0x27: {  	s1 =	sld [smem:$0x3FAF]  }
0x28: {  	s2 =	sld [smem:$0x3FB0]  }
0x29: {  	s4 =	sld [smem:$0x3FB2]  }
0x2a: {  	p0 =	seq.s32 s5, $0x0;
	s5 =	sld [smem:$0x3FB3]  }
0x2b: {  	s6 =	sld [smem:$0x3FB4]  }
0x2c: {  	s7 =	sld [smem:$0x3FB5]  }
0x2d: {  	s3 =	simm.s32 $0x108;
	s8 =	sld [smem:$0x3FB6]  }
0x2e: {  	s3 =	simm.s32 @!p0 $0x1082;
	s9 =	sld [smem:$0x3FB7]  }
0x2f: {  	lr =	sadd.s32 s0, s3;
	s0 =	sld [smem:$0x3FAE]  }
0x30: {  	s3 =	sld [smem:$0x3FB1]  }
0x31: {  	[smem:$0x3FBA] =	sst s10  }
0x32: {  	s10 =	sld [smem:$0x3FB8];
	_ =	sdelay $0x3  }
0x33: {  	p0 =	seq.s32 s10, $0x1;
	s10 =	sld [smem:$0x3FBA];
	_ =	sdelay $0x3  }
0x34: {  	[smem:$0x3FBA] =	sst s10  }
0x35: {  	s10 =	sld [smem:$0x3FB9];
	_ =	sdelay $0x3  }
0x36: {  	p1 =	seq.s32 s10, $0x1;
	s10 =	sld [smem:$0x3FBA];
	_ =	sdelay $0x3  }
0x37: {  	[smem:$0x3FBA] =	sst s10  }
0x38: {  	s10 =	sld [smem:$0x3FBB]  }
0x39: {  	_ = 	snop;
	(pc) =	sbr.ind lr, $3  }
0x3a: {  	_ = 	snop  }
0x3b: {  	_ = 	snop  }
0x3c: {  	p2 =	seq.s32 s10, $0x1;
	s10 =	sld [smem:$0x3FBA]  }
0x3d: {  	_ =	shalt  }
0x3e: {  	_ =	shalt  }
0x3f: {  	_ =	shalt  }
0x40: {  	_ =	shalt  }
0x41: {  	_ =	shalt  }
0x42: {  	_ =	shalt  }
0x43: {  	_ =	shalt  }
0x44: {  	_ =	shalt  }
0x45: {  	_ =	shalt  }
0x46: {  	_ =	shalt  }
0x47: {  	_ =	shalt  }
0x48: {  	_ =	shalt  }
0x49: {  	_ =	shalt  }
0x4a: {  	_ =	shalt  }
0x4b: {  	_ =	shalt  }
0x4c: {  	_ =	shalt  }
0x4d: {  	_ =	shalt  }
0x4e: {  	_ =	shalt  }
0x4f: {  	_ =	shalt  }
0x50: {  	_ =	shalt  }
0x51: {  	_ =	shalt  }
0x52: {  	_ =	shalt  }
0x53: {  	_ =	shalt  }
0x54: {  	_ =	shalt  }
0x55: {  	_ =	shalt  }
0x56: {  	_ =	shalt  }
0x57: {  	_ =	shalt  }
0x58: {  	_ =	shalt  }
0x59: {  	_ =	shalt  }
0x5a: {  	_ =	shalt  }
0x5b: {  	_ =	shalt  }
0x5c: {  	_ =	shalt  }
0x5d: {  	_ =	shalt  }
0x5e: {  	_ =	shalt  }
0x5f: {  	_ =	shalt  }
0x60: {  	_ =	shalt  }
0x61: {  	_ =	shalt  }
0x62: {  	_ =	shalt  }
0x63: {  	_ =	shalt  }
0x64: {  	_ =	shalt  }
0x65: {  	_ =	shalt  }
0x66: {  	_ =	shalt  }
0x67: {  	_ =	shalt  }
0x68: {  	_ =	shalt  }
0x69: {  	_ =	shalt  }
0x6a: {  	_ =	shalt  }
0x6b: {  	_ =	shalt  }
0x6c: {  	_ =	shalt  }
0x6d: {  	_ =	shalt  }
0x6e: {  	_ =	shalt  }
0x6f: {  	_ =	shalt  }
0x70: {  	_ =	shalt  }
0x71: {  	_ =	shalt  }
0x72: {  	_ =	shalt  }
0x73: {  	_ =	shalt  }
0x74: {  	_ =	shalt  }
0x75: {  	_ =	shalt  }
0x76: {  	_ =	shalt  }
0x77: {  	_ =	shalt  }
0x78: {  	_ =	shalt  }
0x79: {  	_ =	shalt  }
0x7a: {  	_ =	shalt  }
0x7b: {  	_ =	shalt  }
0x7c: {  	_ =	shalt  }
0x7d: {  	_ =	shalt  }
0x7e: {  	_ =	shalt  }
0x7f: {  	_ =	shalt  }
0x80: {  	_ =	shalt  }
0x81: {  	_ =	shalt  }
0x82: {  	_ =	shalt  }
0x83: {  	_ =	shalt  }
0x84: {  	_ =	shalt  }
0x85: {  	_ =	shalt  }
0x86: {  	_ =	shalt  }
0x87: {  	_ =	shalt  }
.Lfunc_end0:
.L_simem_size_0:
called_computation.1_lowered:
.L_overlay_start_0:
0x88: {  	s2 =	sld [smem:$0x3FD9]  }
0x89: {  	s3 =	sld [smem:$0x3FFE];
	_ =	sdelay $0x1  }
0x8a: {  	s1 =	srdreg.scid  }
0x8b: {  	s0 =	sand.u32 $0x1, s1  }
0x8c: {  	s17 =	sshll.u32 s0, $0xA;
	s2 =	sadd.s32 s3, s2  }
0x8d: {  	s2 =	sadd.s32 s2, s17  }
0x8e: {  	[smem:$0x3FC6] =	sst s2  }
0x8f: {  	_ = 	snop  }
0x90: {  	s2 =	sld [smem:$0x3FC8];
	(tm) =	ssettm $0x1  }
0x91: {  	s18 =	sld [smem:$0x3FFB];
	_ =	sdelay $0x3  }
0x92: {  	_ =	strace s18  }
0x93: {  	s3 =	sld [smem:$0x3FFC];
	_ =	sdelay $0x3  }
0x94: {  	_ =	strace s3  }
0x95: {  	s3 =	sld [smem:$0x3FFD];
	_ =	sdelay $0x3  }
0x96: {  	_ =	strace s3  }
0x97: {  	_ =	strace $0x8FFFFFFF  }
0x98: {  	s19 =	sld [smem:$0x3FDB];
	_ =	sdelay $0x1  }
0x99: {  	s4 =	simm.s32 $_scs_section_size  }
0x9a: {  	s5 =	simm.s32 $_size__tile_overlayer_lowered;
	s6 =	simm.s32 $_tile_overlayer_lowered  }
0x9b: {  	s22 =	simm.s32 $0x1BFF;
	s21 =	sshll.u32 s6, $0x1;
	s3 =	sadd.s32 s4, s19  }
0x9c: {  	s7 =	simm.s32 $0x0;
	s20 =	sshll.u32 s5, $0x1;
	s5 =	sadd.s32 s21, s3  }
0x9d: {  	[timem:s7], [sflag:s22] =	dma.local [hbm:s5], s20  }
0x9e: {  	_ =	swait.ge [sflag:s22], s20  }
0x9f: {  	s4 =	ssub.s32 $0x0, s20;
	[sflag:s22] =	ssyncset.done $0x0  }
0xa0: {  	[sflag:s22] =	ssyncadd.s32 s4;
	_ =	sdelay $0x1  }
0xa1: {  	s23 =	simm.s32 $0x1B8B  }
0xa2: {  	_ =	swait.ge [sflag:s23], $0x1  }
0xa3: {  	[sflag:s23] =	ssyncset.done $0x0  }
0xa4: {  	s25 =	simm.s32 $0x1B8E;
	s24 =	sld [smem:$0x3FFE];
	[sflag:s23] =	ssyncadd.s32 $0xFFFFFFFF  }
0xa5: {  	s26 =	simm.s32 $execute0_lowered;
	[smem:$0x3FD2] =	sst s25  }
0xa6: {  	s5 =	sshll.u32 s26, $0x1;
	_ =	strace $0x80000046;
	[dreg:$0x1] =	wrdreg $0xFFFFFFFF  }
0xa7: {  	s28 =	simm.s32 $_size_execute0_lowered;
	s3 =	sadd.s32 s3, s5;
	[dreg:$0x0] =	wrdreg $0x0  }
0xa8: {  	s5 =	sshll.u32 s28, $0x1;
	[dreg:$0x2] =	wrdreg s3  }
0xa9: {  	[dreg:$0x3] =	wrdreg s5  }
0xaa: {  	[dreg:$0x4] =	wrdreg $0xC0  }
0xab: {  	_ =	task [dreg:s7], $0x5FFFF  }
0xac: {  	[dreg:$0x1] =	wrdreg $0xFFFFFFFF  }
0xad: {  	[dreg:$0x0] =	wrdreg $0x60  }
0xae: {  	[dreg:$0x2] =	wrdreg s2  }
0xaf: {  	[dreg:$0x3] =	wrdreg s24  }
0xb0: {  	[dreg:$0x4] =	wrdreg $0x9  }
0xb1: {  	_ =	task.clear_ibuf [dreg:s7], $0x5FFFF;
	_ =	strace $0x90000046  }
0xb2: {  	s29 =	simm.s32 $0x9;
	_ =	strace $0x80000048  }
0xb3: {  	_ =	swait.ge [sflag:s29], $0x1  }
0xb4: {  	[sflag:s29] =	ssyncadd.s32 $0xFFFFFFFF  }
0xb5: {  	_ =	strace $0x90000048  }
0xb6: {  	_ =	sfence  }
0xb7: {  	s30 =	sld [smem:$0x0];
	_ =	sdelay $0x2  }
0xb8: {  	s31 =	sshll.u32 s1, $0xD;
	s1 =	sshrl.u32 s1, $0x2  }
0xb9: {  	s3 =	sand.u32 $0x4000, s31;
	s1 =	sadd.s32 s1, s30  }
0xba: {  	s0 =	sor.u32 s3, s0;
	s1 =	sshll.u32 s1, $0x11  }
0xbb: {  	s0 =	sor.u32 s1, s0  }
0xbc: {  	s0 =	sadd.s32 $0x8F2B, s0  }
0xbd: {  	[sflag:s0] =	ssyncadd.remote.s32 $0x1  }
0xbe: {  	_ =	sfence.sel $0xFFFF  }
0xbf: {  	[dreg:$0x0] =	wrdreg $0xFFFFFFFF;
	(pc) =	sbr.abs _section_cstart, $3  }
0xc0: {  	[dreg:$0x1] =	wrdreg $0xFFFFFFFF  }
0xc1: {  	_ =	task.clear_ibuf [dreg:s7], $0x2FFFF;
	_ =	strace $0x9FFFFFFF  }
0xc2: {  	(tm) =	ssettm $0x7FFFFFFF  }
0xc3: {  	_ =	shalt  }
tec
execute0_lowered:
.L_overlay_start_1:
0x0: {  	(tag) =	ssettag $0x1  }
0x1: {  	v0 =	vimm.s32 $0x40F0E1;
	vm0 =	vcmask $0x300  }
0x2: {  	vm14 =	vcmask $0x704;
	v0 =	vsel vm0, $0x400000, v0  }
0x3: {  	vm15 =	vcmask $0xB08;
	v0 =	vsel vm14, $0x401001, v0  }
0x4: {  	s1 =	rddreg [dreg:$0x0];
	s2 =	simm.s32 $0x0;
	vm4 =	vcmask $0xF0C;
	v0 =	vsel vm15, $0x402004, v0  }
0x5: {  	vm5 =	vcmask $0x1310;
	vm6 =	vcmask $0x1714;
	[smem:$0x7FF] =	sst s2;
	v0 =	vsel vm4, $0x403009, v0  }
0x6: {  	s0 =	rddreg [dreg:$0x1];
	v1 =	vimm.f32 $1.200000040e-06;
	_ =	strace $0x80000047;
	v0 =	vsel vm5, $0x404010, v0  }
0x7: {  	vm7 =	vcmask $0x1B18;
	(erf) = vrcp.f32 v1;
	v0 =	vsel vm6, $0x405019, v0  }
0x8: {  	s4 =	srdreg.scid;
	s3 =	stileid.u32;
	vm8 =	vcmask $0x1F1C;
	v0 =	vsel vm7, $0x406024, v0  }
0x9: {  	vm9 =	vcmask $0x2320;
	s9 =	simm.s32 $0x800;
	s10 =	simm.s32 $0x80;
	s11 =	simm.s32 $0x400;
	v0 =	vsel vm8, $0x407031, v0  }
0xa: {  	vm10 =	vcmask $0x2724;
	s12 =	simm.s32 $0x3180;
	s4 =	sand.u32 $0x1, s4;
	s5 =	sshll.u32 s3, $0x1;
	v0 =	vsel vm9, $0x408040, v0  }
0xb: {  	vm11 =	vcmask $0x2B28;
	s14 =	simm.s32 $0x5180;
	s15 =	simm.s32 $0x6180;
	s16 =	sor.u32 s4, s5;
	v0 =	vsel vm10, $0x409051, v0  }
.Ltmp0:
0xc: {  	vm12 =	vcmask $0x2F2C;
	s6 =	ssub.s32 $0x2, s4;
	s4 =	sshll.u32 s16, $0x6;
	v0 =	vsel vm11, $0x40A064, v0;
	(pc) =	sbr.rel .LBB2_1-.Ltmp0, $4  }
0xd: {  	vm13 =	vcmask $0x3330;
	s17 =	simm.s32 $0x0;
	s5 =	sadd.s32 $0xE00, s0;
	s8 =	sor.u32 $0xFFFFF800, s4;
	v0 =	vsel vm12, $0x40B079, v0  }
0xe: {  	v4 =	vimm.f32 $0.0e+00;
	vm14 =	vcmask $0x3734;
	s7 =	sshrl.u32 s6, $0x1;
	p0 =	sne.s32 s16, $0x1F;
	s13 =	smul.u32 s8, s8;
	v0 =	vsel vm13, $0x40C090, v0  }
0xf: {  	v5 =	vimm.s32 $0x0;
	vm15 =	vcmask $0x3B38;
	s16 =	simm.s32 $0x1;
	s7 =	ssub.s32 s6, s7;
	s6 =	sadd.s32 $0x100E00, s0;
	v3 =	vsel vm14, $0x40D0A9, v0  }
0x10: {  	v1 =	vlaneseq.u32;
	s7 =	smax.u32 s7, $0x1;
	s8 =	simm.s32 $0x2;
	v2 =	vpop (erf);
	v0 =	vmov s13;
	s13 =	simm.s32 $0x4180;
	v3 =	vsel vm15, $0x40E0C4, v3  }
.LBB2_36:
0x11: {  	s17 =	sadd.s32 $0x1, s17  }
0x12: {  	p1 =	sne.s32 s17, s7  }
.Ltmp1:
0x13: {  	_ = 	snop;
	(pc) =	sbr.rel @!p1 .LBB2_37-.Ltmp1, $1  }
0x14: {  	_ =	sdelay $0x3  }
.LBB2_1:
0x15: {  	[tilespmem:s2], [sflag:$0x2] =	stream.linear.gather [hbm4b:s1+s2], $0x800, $0x38;
	[tilespmem:$0x7180] =	vst v63  }
0x16: {  	s0 =	simm.s32 $0x30  }
0x17: {  	s18 =	simm.s32 $0x10;
	_ =	swait.ge [sflag:s8], $0x800;
	v6 =	vor.u32 s0, v1  }
0x18: {  	v7 =	vor.u32 s18, v1;
	[sflag:s8] =	ssyncset.done $0x0;
	v6 =	vmul.u32 v6, v6  }
0x19: {  	s31 =	simm.s32 $0x20;
	s0 =	simm.s32 $0x1820;
	v8 =	vmul.u32 v7, v7;
	[sflag:s8] =	ssyncadd.s32 $0xFFFFF800  }
0x1a: {  	v9 =	vor.u32 s2, v1;
	v7 =	vor.u32 s31, v1;
	[tilespmem:s0+$0x10] =	vst v6  }
0x1b: {  	s18 =	simm.s32 $0x40;
	v7 =	vmul.u32 v7, v7;
	v6 =	vmul.u32 v9, v9;
	[tilespmem:s0+$0xFFFFFFF0] =	vst v8  }
.LBB2_2:
0x1c: {  	s19 =	sadd.s32 $0x30, s18  }
0x1d: {  	p1 =	slt.u32 s18, $0x7C0;
	[tilespmem:s0+$0x0] =	vst v7;
	s20 =	smov.u32 s18;
	s18 =	sadd.s32 $0x40, s18  }
.Ltmp2:
0x1e: {  	s21 =	sadd.s32 $0x10, s20;
	v7 =	vor.u32 s19, v1;
	[tilespmem:s0+$0xFFFFFFE0] =	vst v6;
	(pc) =	sbr.rel @p1 .LBB2_2-.Ltmp2, $4  }
0x1f: {  	s19 =	sadd.s32 $0x20, s20;
	v6 =	vor.u32 s21, v1;
	v8 =	vmul.u32 v7, v7  }
0x20: {  	s0 =	sadd.s32 $0x40, s0;
	v9 =	vmul.u32 v6, v6;
	v6 =	vor.u32 s19, v1  }
0x21: {  	v10 =	vor.u32 s20, v1;
	v7 =	vmul.u32 v6, v6;
	[tilespmem:s0+$0x10] =	vst v8  }
0x22: {  	v6 =	vmul.u32 v10, v10;
	[tilespmem:s0+$0xFFFFFFF0] =	vst v9  }
0x23: {  	[tilespmem:s0+$0x0] =	vst v7  }
0x24: {  	[tilespmem:s0+$0xFFFFFFE0] =	vst v6  }
0x25: {  	s29 =	simm.s32 $0x20;
	[tilespmem:$0x2000] =	vst v3  }
0x26: {  	v6 =	vld [tilespmem:s29+$0xFFFFFFE0]  }
0x27: {  	v7 =	vld [tilespmem:s29+$0x10]  }
0x28: {  	v8 =	vld [tilespmem:s29+$0xFFFFFFF0]  }
0x29: {  	v9 =	vld [tilespmem:s29+$0x0];
	_ =	sdelay $0x2  }
0x2a: {  	v6 =	vmul.f32 v6, v6  }
0x2b: {  	v7 =	vmul.f32 v7, v7;
	v10 =	vmul.f32 v8, v8  }
0x2c: {  	v9 =	vmul.f32 v9, v9;
	v8 =	vand.u32 $0x7FFFFFFF, v6  }
0x2d: {  	v12 =	vand.u32 $0x7FFFFFFF, v7;
	v14 =	vand.u32 $0x7FFFFFFF, v10;
	v11 =	vmul.f32 v8, v2  }
0x2e: {  	v16 =	vand.u32 $0x7FFFFFFF, v9;
	v13 =	vmul.f32 v12, v2;
	v15 =	vmul.f32 v14, v2  }
0x2f: {  	v17 =	vmul.f32 v16, v2;
	v11 =	vfloor.f32 v11  }
0x30: {  	v15 =	vfloor.f32 v15;
	v13 =	vfloor.f32 v13  }
0x31: {  	v11 =	vmul.f32 $1.200000040e-06, v11;
	v13 =	vmul.f32 $1.200000040e-06, v13  }
0x32: {  	s30 =	simm.s32 $0x60;
	v17 =	vfloor.f32 v17;
	v15 =	vmul.f32 $1.200000040e-06, v15  }
0x33: {  	v8 =	vsub.f32 v8, v11;
	v11 =	vmul.f32 $1.200000040e-06, v17;
	v17 =	vld [tilespmem:s30+$0xFFFFFFE0];
	v12 =	vsub.f32 v12, v13  }
0x34: {  	v18 =	vld [tilespmem:s30+$0x10];
	v7 =	vand.u32 $0x80000000, v7;
	v6 =	vand.u32 $0x80000000, v6;
	v15 =	vsub.f32 v14, v15  }
0x35: {  	v13 =	vld [tilespmem:s30+$0xFFFFFFF0];
	vm0 =	veq.f32 v8, $1.200000040e-06;
	v11 =	vsub.f32 v16, v11;
	vm1 =	veq.f32 v12, $1.200000040e-06  }
0x36: {  	v19 =	vld [tilespmem:s30+$0x0];
	v16 =	vand.u32 $0x80000000, v9;
	v8 =	vsel vm0, $0x0, v8;
	v9 =	vsel vm1, $0x0, v12  }
0x37: {  	s18 =	simm.s32 $0x800;
	v12 =	vand.u32 $0x80000000, v10;
	v8 =	vand.u32 $0x7FFFFFFF, v8;
	vm14 =	veq.f32 v11, $1.200000040e-06  }
0x38: {  	[tilespmem:s18+$0x810] =	vst v4;
	v20 =	vor.u32 v6, v8;
	v6 =	vsel vm14, $0x0, v11;
	v8 =	vmul.f32 v17, v17  }
0x39: {  	[tilespmem:s18+$0x820] =	vst v4;
	v11 =	vand.u32 $0x7FFFFFFF, v9;
	v9 =	vmul.f32 v18, v18;
	v6 =	vand.u32 $0x7FFFFFFF, v6  }
0x3a: {  	s19 =	simm.s32 $0x840;
	[tilespmem:s18+$0x830] =	vst v4;
	v16 =	vor.u32 v16, v6;
	v17 =	vand.u32 $0x7FFFFFFF, v8;
	v6 =	vmul.f32 v13, v13  }
0x3b: {  	[tilespmem:s19+$0x820] =	vst v4;
	v10 =	vmul.f32 v19, v19;
	v13 =	vand.u32 $0x7FFFFFFF, v9;
	v18 =	vmul.f32 v17, v2  }
0x3c: {  	[tilespmem:s19+$0x830] =	vst v4;
	v11 =	vor.u32 v7, v11;
	v19 =	vmul.f32 v13, v2;
	v7 =	vand.u32 $0x7FFFFFFF, v6  }
0x3d: {  	v14 =	vand.u32 $0x7FFFFFFF, v10;
	[tilespmem:s18+$0x20] =	vst v16;
	v16 =	vfloor.f32 v18;
	v18 =	vmul.f32 v7, v2  }
0x3e: {  	vm15 =	veq.f32 v15, $1.200000040e-06;
	[tilespmem:s18+$0x0] =	vst v20;
	v20 =	vmul.f32 $1.200000040e-06, v16;
	v16 =	vmul.f32 v14, v2  }
0x3f: {  	s31 =	simm.s32 $0x0;
	v15 =	vsel vm15, $0x0, v15;
	[tilespmem:s18+$0x30] =	vst v11;
	v11 =	vfloor.f32 v18;
	v18 =	vfloor.f32 v19  }
0x40: {  	s0 =	sand.u32 $0x7C0, s31;
	[tilespmem:s19+$0x810] =	vst v4;
	v11 =	vmul.f32 $1.200000040e-06, v11;
	v19 =	vfloor.f32 v16;
	v16 =	vand.u32 $0x7FFFFFFF, v15  }
0x41: {  	s20 =	simm.s32 $0x40;
	s21 =	simm.s32 $0xA0;
	[tilespmem:s0+$0x1000] =	vst v4;
	s0 =	simm.s32 $0x40;
	v15 =	vsub.f32 v17, v20;
	v18 =	vmul.f32 $1.200000040e-06, v18;
	v17 =	vmul.f32 $1.200000040e-06, v19  }
.LBB2_4:
0x42: {  	s20 =	sadd.s32 $0x40, s20;
	v19 =	vld [tilespmem:s21+$0xFFFFFFE0];
	v20 =	vand.u32 $0x80000000, v9;
	v9 =	vor.u32 v12, v16  }
0x43: {  	v12 =	vld [tilespmem:s21+$0x10];
	p1 =	slt.u32 s20, $0x7C0;
	vm0 =	veq.f32 v15, $1.200000040e-06;
	v14 =	vsub.f32 v14, v17;
	v13 =	vsub.f32 v13, v18;
	[tilespmem:s18+$0x10] =	vst v9;
	s18 =	smov.u32 s19  }
0x44: {  	v8 =	vand.u32 $0x80000000, v8;
	v10 =	vand.u32 $0x80000000, v10;
	s19 =	sadd.s32 $0x40, s19;
	v16 =	vld [tilespmem:s21+$0xFFFFFFF0];
	v9 =	vsel vm0, $0x0, v15  }
0x45: {  	[tilespmem:s19+$0x810] =	vst v4;
	v15 =	vld [tilespmem:s21+$0x0];
	v9 =	vand.u32 $0x7FFFFFFF, v9;
	vm0 =	veq.f32 v14, $1.200000040e-06;
	vm1 =	veq.f32 v13, $1.200000040e-06  }
0x46: {  	[tilespmem:s19+$0x820] =	vst v4;
	v9 =	vor.u32 v8, v9;
	v14 =	vsel vm0, $0x0, v14;
	v13 =	vsel vm1, $0x0, v13  }
0x47: {  	s22 =	sand.u32 $0x7C0, s0;
	s0 =	smov.u32 s20;
	v8 =	vmul.f32 v19, v19;
	[tilespmem:s18+$0x0] =	vst v9;
	v14 =	vand.u32 $0x7FFFFFFF, v14;
	v13 =	vand.u32 $0x7FFFFFFF, v13  }
0x48: {  	v9 =	vmul.f32 v12, v12;
	[tilespmem:s22+$0x1000] =	vst v4;
	v10 =	vor.u32 v10, v14;
	v14 =	vor.u32 v20, v13  }
0x49: {  	v12 =	vand.u32 $0x80000000, v6;
	v17 =	vand.u32 $0x7FFFFFFF, v8;
	v6 =	vmul.f32 v16, v16;
	[tilespmem:s18+$0x20] =	vst v10  }
0x4a: {  	v16 =	vmul.f32 v17, v2;
	v10 =	vmul.f32 v15, v15;
	v13 =	vand.u32 $0x7FFFFFFF, v9;
	[tilespmem:s18+$0x30] =	vst v14  }
0x4b: {  	v11 =	vsub.f32 v7, v11;
	v15 =	vmul.f32 v13, v2;
	[tilespmem:s19+$0x830] =	vst v4;
	v7 =	vand.u32 $0x7FFFFFFF, v6  }
.Ltmp3:
0x4c: {  	v16 =	vfloor.f32 v16;
	v18 =	vmul.f32 v7, v2;
	v14 =	vand.u32 $0x7FFFFFFF, v10;
	(pc) =	sbr.rel @p1 .LBB2_4-.Ltmp3, $4  }
0x4d: {  	vm0 =	veq.f32 v11, $1.200000040e-06;
	v19 =	vmul.f32 $1.200000040e-06, v16;
	v16 =	vmul.f32 v14, v2  }
0x4e: {  	v20 =	vfloor.f32 v15;
	v15 =	vsel vm0, $0x0, v11;
	v18 =	vfloor.f32 v18  }
0x4f: {  	v11 =	vmul.f32 $1.200000040e-06, v18;
	v18 =	vfloor.f32 v16;
	v16 =	vand.u32 $0x7FFFFFFF, v15  }
0x50: {  	s21 =	sadd.s32 $0x40, s21;
	v15 =	vsub.f32 v17, v19;
	v17 =	vmul.f32 $1.200000040e-06, v18;
	v18 =	vmul.f32 $1.200000040e-06, v20  }
0x51: {  	v12 =	vor.u32 v12, v16;
	v8 =	vand.u32 $0x80000000, v8  }
0x52: {  	v10 =	vand.u32 $0x80000000, v10;
	v7 =	vsub.f32 v7, v11;
	vm0 =	veq.f32 v15, $1.200000040e-06  }
0x53: {  	v6 =	vand.u32 $0x80000000, v6;
	v14 =	vsub.f32 v14, v17;
	v15 =	vsel vm0, $0x0, v15  }
0x54: {  	v13 =	vsub.f32 v13, v18;
	vm15 =	veq.f32 v7, $1.200000040e-06;
	v15 =	vand.u32 $0x7FFFFFFF, v15  }
0x55: {  	[tilespmem:s18+$0x10] =	vst v12;
	vm14 =	veq.f32 v14, $1.200000040e-06;
	v7 =	vsel vm15, $0x0, v7;
	v8 =	vor.u32 v8, v15  }
0x56: {  	s0 =	sand.u32 $0x7C0, s0;
	vm1 =	veq.f32 v13, $1.200000040e-06;
	v60 =	vsel vm14, $0x0, v14;
	v7 =	vand.u32 $0x7FFFFFFF, v7;
	[tilespmem:s19+$0x0] =	vst v8  }
0x57: {  	v61 =	vsel vm1, $0x0, v13;
	v62 =	vand.u32 $0x7FFFFFFF, v60;
	v6 =	vor.u32 v6, v7;
	[tilespmem:s0+$0x1000] =	vst v4  }
0x58: {  	v9 =	vand.u32 $0x80000000, v9;
	v63 =	vand.u32 $0x7FFFFFFF, v61;
	v8 =	vor.u32 v10, v62;
	[tilespmem:s19+$0x10] =	vst v6  }
0x59: {  	v9 =	vor.u32 v9, v63;
	[tilespmem:s19+$0x20] =	vst v8  }
0x5a: {  	s18 =	simm.s32 $0x0;
	[tilespmem:s19+$0x30] =	vst v9  }
.LBB2_6:
0x5b: {  	p1 =	seq.s32 s18, $0x0  }
.Ltmp4:
0x5c: {  	_ = 	snop;
	(pc) =	sbr.rel @p1 .LBB2_7-.Ltmp4, $3  }
0x5d: {  	_ =	sdelay $0x1  }
0x5e: {  	s19 =	sshll.u32 s18, $0x2  }
0x5f: {  	s20 =	sor.u32 s4, s19  }
0x60: {  	_ =	swait.ge [sflag:s16], $0x1000  }
0x61: {  	p2 =	slt.u32 s20, $0x5;
	[sflag:s16] =	ssyncset.done $0x0  }
0x62: {  	s0 =	simm.s32 @!p2 $0x1;
	[sflag:s16] =	ssyncadd.s32 $0xFFFFF000  }
0x63: {  	_ =	swait.ge @!p2 [sflag:s0], $0x1000  }
0x64: {  	[sflag:s0] =	ssyncset.done @!p2 $0x0  }
0x65: {  	s24 =	simm.s32 $0x1840;
	[sflag:s0] =	ssyncadd.s32 @!p2 $0xFFFFF000  }
0x66: {  	v7 =	vld [tilespmem:s24+$0xFFFFFFF0]  }
0x67: {  	v8 =	vld [tilespmem:s24+$0x20]  }
0x68: {  	s22 =	simm.s32 $0x20C0;
	v9 =	vld [tilespmem:s24+$0x30]  }
0x69: {  	v10 =	vld [tilespmem:s22+$0x20]  }
0x6a: {  	v11 =	vld [tilespmem:s22+$0x30]  }
0x6b: {  	v12 =	vld [tilespmem:s22+$0xFFFFFFD0]  }
0x6c: {  	v13 =	vld [tilespmem:s22+$0xFFFFFFE0]  }
0x6d: {  	v14 =	vld [tilespmem:s24+$0xFFFFFFE0]  }
0x6e: {  	v15 =	vld [tilespmem:s24+$0xFFFFFFD0]  }
0x6f: {  	s21 =	sor.u32 $0xFFFFF800, s20;
	v16 =	vld [tilespmem:s22+$0xFFFFFFF0]  }
0x70: {  	s21 =	smul.u32 s21, s21;
	v17 =	vld [tilespmem:s22+$0xFFFFFFC0]  }
0x71: {  	v20 =	vld [tilespmem:s24+$0xFFFFFFC0]  }
0x72: {  	v6 =	vmov s21;
	s21 =	simm.s32 $0x2140;
	v21 =	vld [tilespmem:s22+$0x0]  }
0x73: {  	v25 =	vld [tilespmem:s21+$0x20];
	v18 =	vmul.u32 v10, v10;
	v19 =	vmul.u32 v11, v11;
	v9 =	vadd.s32 v6, v9  }
0x74: {  	s25 =	simm.s32 $0x18C0;
	v27 =	vld [tilespmem:s21+$0x30];
	v7 =	vadd.s32 v6, v7;
	v8 =	vadd.s32 v6, v8;
	v22 =	vmul.u32 v12, v12  }
0x75: {  	v29 =	vld [tilespmem:s25+$0xFFFFFFC0];
	v15 =	vadd.s32 v6, v15;
	v24 =	vmul.u32 v16, v16;
	vm1 =	vgt.s32 v19, v9  }
0x76: {  	v23 =	vmul.u32 v13, v13;
	vm0 =	vgt.s32 v18, v8;
	v8 =	vld [tilespmem:s24+$0x0];
	v19 =	vsel vm1, $0xFFFFFFFF, v5  }
0x77: {  	v18 =	vld [tilespmem:s24+$0x10];
	vm8 =	vgt.s32 v24, v7;
	v9 =	vsel vm0, $0xFFFFFFFF, v5;
	v11 =	vadd.s32 v19, v11  }
0x78: {  	vm6 =	vgt.s32 v22, v15;
	v22 =	vsel vm8, $0xFFFFFFFF, v5;
	v19 =	vld [tilespmem:s22+$0x10];
	v9 =	vadd.s32 v9, v10  }
0x79: {  	v14 =	vadd.s32 v6, v14;
	v15 =	vld [tilespmem:s25+$0xFFFFFFF0];
	v16 =	vadd.s32 v22, v16  }
0x7a: {  	vm7 =	vgt.s32 v23, v14;
	v14 =	vld [tilespmem:s25+$0x20];
	v7 =	vadd.s32 v6, v20;
	v20 =	vmul.u32 v21, v21  }
0x7b: {  	v23 =	vld [tilespmem:s25+$0x30];
	v24 =	vmul.u32 v17, v17;
	v10 =	vsel vm6, $0xFFFFFFFF, v5;
	[tilespmem:s22+$0x30] =	vst v11;
	v8 =	vadd.s32 v6, v8  }
0x7c: {  	[tilespmem:s22+$0x20] =	vst v9;
	v26 =	vadd.s32 v10, v12;
	vm9 =	vgt.s32 v20, v8;
	v20 =	vld.idx.msk [tilespmem:v11+s9+$0x0], $0xffff  }
0x7d: {  	v22 =	vsel vm7, $0xFFFFFFFF, v5;
	[tilespmem:s22+$0xFFFFFFF0] =	vst v16;
	v8 =	vmul.u32 v19, v19;
	v11 =	vadd.s32 v6, v18;
	v18 =	vld.idx.msk [tilespmem:v9+s9+$0x0], $0xffff  }
0x7e: {  	vm10 =	vgt.s32 v24, v7;
	[tilespmem:s22+$0xFFFFFFD0] =	vst v26;
	v10 =	vsel vm9, $0xFFFFFFFF, v5;
	v9 =	vadd.s32 v22, v13;
	v16 =	vld.idx.msk [tilespmem:v16+s9+$0x0], $0xffff  }
0x7f: {  	v7 =	vadd.s32 v10, v21;
	v10 =	vld [tilespmem:s21+$0xFFFFFFD0];
	[tilespmem:s22+$0xFFFFFFE0] =	vst v9;
	vm11 =	vgt.s32 v8, v11;
	v8 =	vsel vm10, $0xFFFFFFFF, v5  }
0x80: {  	v21 =	vld [tilespmem:s25+$0xFFFFFFD0];
	[tilespmem:s22+$0x0] =	vst v7;
	v11 =	vsel vm11, $0xFFFFFFFF, v5;
	v12 =	vadd.s32 v8, v17  }
0x81: {  	v22 =	vmul.u32 v25, v25;
	v8 =	vld [tilespmem:s21+$0xFFFFFFE0];
	v13 =	vadd.s32 v11, v19;
	[tilespmem:s22+$0xFFFFFFC0] =	vst v12  }
0x82: {  	s23 =	simm.s32 $0x39F0;
	v14 =	vadd.s32 v6, v14;
	v19 =	vld [tilespmem:s25+$0xFFFFFFE0];
	[tilespmem:s22+$0x10] =	vst v13  }
0x83: {  	vm12 =	vgt.s32 v22, v14;
	v9 =	vld.idx.msk [tilespmem:v9+s9+$0x0], $0xffff;
	[tilespmem:s23+$0x0] =	vst v20  }
0x84: {  	v14 =	vsel vm12, $0xFFFFFFFF, v5;
	[tilespmem:s23+$0xFFFFFFF0] =	vst v18;
	v11 =	vld.idx.msk [tilespmem:v7+s9+$0x0], $0xffff  }
0x85: {  	v14 =	vadd.s32 v14, v25;
	[tilespmem:s23+$0xFFFFFFC0] =	vst v16;
	v7 =	vld.idx.msk [tilespmem:v12+s9+$0x0], $0xffff  }
0x86: {  	s22 =	simm.s32 $0x2940;
	[tilespmem:s21+$0x20] =	vst v14;
	v12 =	vld [tilespmem:s21+$0xFFFFFFF0]  }
0x87: {  	[tilespmem:s22+$0x30] =	vst v20;
	v28 =	vld.idx.msk [tilespmem:v13+s9+$0x0], $0xffff  }
0x88: {  	v20 =	vadd.s32 v6, v23;
	v23 =	vmul.u32 v27, v27;
	[tilespmem:s22+$0x20] =	vst v18;
	v13 =	vld [tilespmem:s21+$0xFFFFFFC0]  }
0x89: {  	v17 =	vadd.s32 v6, v15;
	v15 =	vld [tilespmem:s21+$0x0];
	v25 =	vadd.s32 v6, v29;
	v24 =	vmul.u32 v10, v10;
	[tilespmem:s22+$0xFFFFFFF0] =	vst v16  }
0x8a: {  	v18 =	vadd.s32 v6, v21;
	v21 =	vld [tilespmem:s25+$0x0];
	vm13 =	vgt.s32 v23, v20;
	v20 =	vmul.u32 v8, v8;
	[tilespmem:s23+$0xFFFFFFB0] =	vst v9  }
0x8b: {  	s26 =	simm.s32 $0x80;
	v16 =	vld [tilespmem:s25+$0x10];
	vm14 =	vgt.s32 v24, v18;
	v19 =	vadd.s32 v6, v19;
	v18 =	vsel vm13, $0xFFFFFFFF, v5;
	[tilespmem:s23+$0xFFFFFFD0] =	vst v11  }
0x8c: {  	s28 =	simm.s32 $0x3A70;
	s29 =	simm.s32 $0x29C0;
	s30 =	simm.s32 $0x21C0;
	v24 =	vsel vm14, $0xFFFFFFFF, v5;
	vm15 =	vgt.s32 v20, v19;
	v19 =	vld.idx.msk [tilespmem:v26+s9+$0x0], $0xffff;
	v23 =	vmul.u32 v12, v12;
	[tilespmem:s23+$0xFFFFFFE0] =	vst v28  }
0x8d: {  	s31 =	simm.s32 $0x1940;
	s24 =	simm.s32 $0x29C0;
	s25 =	simm.s32 $0x3A70;
	v20 =	vadd.s32 v18, v27;
	v18 =	vld [tilespmem:s21+$0x10];
	v22 =	vsel vm15, $0xFFFFFFFF, v5;
	v26 =	vmul.u32 v13, v13;
	[tilespmem:s22+$0x10] =	vst v28  }
.LBB2_13:
0x8e: {  	v27 =	vld [tilespmem:s31+$0xFFFFFFF0];
	s26 =	sadd.s32 $0x80, s26;
	v28 =	vadd.s32 v24, v10;
	vm0 =	vgt.s32 v23, v17;
	v10 =	vmul.u32 v15, v15;
	s28 =	sadd.s32 $0x80, s28;
	s29 =	sadd.s32 $0x80, s29;
	[tilespmem:s22+$0x0] =	vst v11  }
0x8f: {  	v23 =	vld [tilespmem:s31+$0x20];
	p2 =	slt.u32 s26, $0x780;
	vm1 =	vgt.s32 v26, v25;
	v11 =	vsel vm0, $0xFFFFFFFF, v5;
	v17 =	vadd.s32 v6, v21;
	[tilespmem:s21+$0x30] =	vst v20  }
0x90: {  	v21 =	vld [tilespmem:s31+$0x30];
	v24 =	vsel vm1, $0xFFFFFFFF, v5;
	[tilespmem:s21+$0xFFFFFFD0] =	vst v28;
	vm0 =	vgt.s32 v10, v17  }
0x91: {  	v11 =	vadd.s32 v11, v12;
	v25 =	vld [tilespmem:s30+$0x20];
	v13 =	vadd.s32 v24, v13;
	v10 =	vsel vm0, $0xFFFFFFFF, v5;
	[tilespmem:s23+$0xFFFFFF90] =	vst v7  }
0x92: {  	v12 =	vadd.s32 v10, v15;
	v10 =	vmul.u32 v18, v18;
	v15 =	vld.idx.msk [tilespmem:v20+s9+$0x0], $0xffff;
	[tilespmem:s23+$0xFFFFFFA0] =	vst v19;
	s23 =	smov.u32 s25;
	s25 =	smov.u32 s28  }
0x93: {  	v17 =	vadd.s32 v22, v8;
	v8 =	vadd.s32 v6, v16;
	[tilespmem:s21+$0xFFFFFFC0] =	vst v13;
	v14 =	vld.idx.msk [tilespmem:v14+s9+$0x0], $0xffff  }
0x94: {  	v20 =	vld [tilespmem:s30+$0x30];
	vm0 =	vgt.s32 v10, v8;
	[tilespmem:s22+$0xFFFFFFD0] =	vst v19  }
0x95: {  	v10 =	vld [tilespmem:s30+$0xFFFFFFD0];
	[tilespmem:s21+$0xFFFFFFF0] =	vst v11;
	v8 =	vsel vm0, $0xFFFFFFFF, v5  }
0x96: {  	[tilespmem:s21+$0xFFFFFFE0] =	vst v17;
	v16 =	vld.idx.msk [tilespmem:v11+s9+$0x0], $0xffff;
	v18 =	vadd.s32 v8, v18  }
0x97: {  	v8 =	vld [tilespmem:s30+$0xFFFFFFE0];
	[tilespmem:s21+$0x0] =	vst v12  }
0x98: {  	v19 =	vld [tilespmem:s31+$0xFFFFFFE0];
	[tilespmem:s22+$0xFFFFFFC0] =	vst v7  }
0x99: {  	v11 =	vld.idx.msk [tilespmem:v12+s9+$0x0], $0xffff;
	[tilespmem:s21+$0x10] =	vst v18;
	s21 =	smov.u32 s30  }
0x9a: {  	v22 =	vld.idx.msk [tilespmem:v17+s9+$0x0], $0xffff;
	[tilespmem:s23+$0x0] =	vst v15  }
0x9b: {  	v29 =	vld.idx.msk [tilespmem:v18+s9+$0x0], $0xffff;
	[tilespmem:s22+$0xFFFFFFE0] =	vst v9;
	s22 =	smov.u32 s24;
	s24 =	smov.u32 s29  }
0x9c: {  	v7 =	vld.idx.msk [tilespmem:v13+s9+$0x0], $0xffff;
	[tilespmem:s23+$0xFFFFFFF0] =	vst v14  }
0x9d: {  	v9 =	vadd.s32 v6, v21;
	v18 =	vld [tilespmem:s31+$0xFFFFFFD0];
	[tilespmem:s23+$0xFFFFFFC0] =	vst v16  }
0x9e: {  	v17 =	vadd.s32 v6, v27;
	v21 =	vadd.s32 v6, v23;
	v23 =	vmul.u32 v25, v25;
	v12 =	vld [tilespmem:s30+$0xFFFFFFF0];
	[tilespmem:s22+$0x30] =	vst v15  }
0x9f: {  	v24 =	vmul.u32 v20, v20;
	v13 =	vld [tilespmem:s30+$0xFFFFFFC0];
	[tilespmem:s23+$0xFFFFFFD0] =	vst v11  }
0xa0: {  	v27 =	vmul.u32 v10, v10;
	v19 =	vadd.s32 v6, v19;
	vm0 =	vgt.s32 v23, v21;
	v26 =	vld [tilespmem:s31+$0xFFFFFFC0];
	[tilespmem:s23+$0xFFFFFFB0] =	vst v22  }
.Ltmp5:
0xa1: {  	v23 =	vsel vm0, $0xFFFFFFFF, v5;
	vm0 =	vgt.s32 v24, v9;
	v9 =	vmov v22;
	v15 =	vld [tilespmem:s30+$0x0];
	[tilespmem:s22+$0x20] =	vst v14;
	(pc) =	sbr.rel @p2 .LBB2_13-.Ltmp5, $4  }
0xa2: {  	v22 =	vmul.u32 v8, v8;
	v14 =	vadd.s32 v23, v25;
	v18 =	vadd.s32 v6, v18;
	v21 =	vld [tilespmem:s31+$0x0];
	[tilespmem:s22+$0xFFFFFFF0] =	vst v16  }
0xa3: {  	vm1 =	vgt.s32 v27, v18;
	v23 =	vmul.u32 v12, v12;
	v16 =	vld [tilespmem:s31+$0x10];
	v18 =	vsel vm0, $0xFFFFFFFF, v5;
	[tilespmem:s23+$0xFFFFFFE0] =	vst v29  }
0xa4: {  	vm0 =	vgt.s32 v22, v19;
	v24 =	vsel vm1, $0xFFFFFFFF, v5;
	[tilespmem:s30+$0x20] =	vst v14;
	v20 =	vadd.s32 v18, v20;
	v19 =	vld.idx.msk [tilespmem:v28+s9+$0x0], $0xffff  }
0xa5: {  	s31 =	sadd.s32 $0x80, s31;
	v22 =	vsel vm0, $0xFFFFFFFF, v5;
	s30 =	sadd.s32 $0x80, s30;
	v25 =	vadd.s32 v6, v26;
	v26 =	vmul.u32 v13, v13;
	v18 =	vld [tilespmem:s21+$0x10];
	[tilespmem:s22+$0x10] =	vst v29  }
0xa6: {  	[tilespmem:s22+$0x0] =	vst v11  }
0xa7: {  	[tilespmem:s21+$0x30] =	vst v20  }
0xa8: {  	[tilespmem:s23+$0xFFFFFF90] =	vst v7  }
0xa9: {  	v10 =	vadd.s32 v24, v10;
	[tilespmem:s22+$0xFFFFFFE0] =	vst v9  }
0xaa: {  	v8 =	vadd.s32 v22, v8;
	[tilespmem:s21+$0xFFFFFFD0] =	vst v10  }
0xab: {  	vm1 =	vgt.s32 v23, v17;
	[tilespmem:s21+$0xFFFFFFE0] =	vst v8  }
0xac: {  	v11 =	vmul.u32 v15, v15;
	vm0 =	vgt.s32 v26, v25;
	v23 =	vsel vm1, $0xFFFFFFFF, v5;
	[tilespmem:s22+$0xFFFFFFC0] =	vst v7  }
0xad: {  	v14 =	vld.idx.msk [tilespmem:v14+s9+$0x0], $0xffff;
	v61 =	vadd.s32 v6, v21;
	v62 =	vsel vm0, $0xFFFFFFFF, v5;
	v12 =	vadd.s32 v23, v12;
	[tilespmem:s23+$0xFFFFFFA0] =	vst v19  }
0xae: {  	v63 =	vld.idx.msk [tilespmem:v20+s9+$0x0], $0xffff;
	vm13 =	vgt.s32 v11, v61;
	v11 =	vadd.s32 v62, v13;
	[tilespmem:s21+$0xFFFFFFF0] =	vst v12  }
0xaf: {  	v13 =	vsel vm13, $0xFFFFFFFF, v5;
	[tilespmem:s21+$0xFFFFFFC0] =	vst v11  }
0xb0: {  	v13 =	vadd.s32 v13, v15;
	[tilespmem:s22+$0xFFFFFFD0] =	vst v19  }
0xb1: {  	v15 =	vmul.u32 v18, v18;
	[tilespmem:s21+$0x0] =	vst v13  }
0xb2: {  	v16 =	vadd.s32 v6, v16;
	v8 =	vld.idx.msk [tilespmem:v8+s9+$0x0], $0xffff;
	[tilespmem:s25+$0xFFFFFFF0] =	vst v14  }
0xb3: {  	v10 =	vld.idx.msk [tilespmem:v10+s9+$0x0], $0xffff;
	vm14 =	vgt.s32 v15, v16;
	[tilespmem:s25+$0x0] =	vst v63  }
0xb4: {  	[tilespmem:s24+$0x20] =	vst v14;
	v15 =	vsel vm14, $0xFFFFFFFF, v5  }
0xb5: {  	[tilespmem:s24+$0x30] =	vst v63;
	v15 =	vadd.s32 v15, v18  }
0xb6: {  	v12 =	vld.idx.msk [tilespmem:v12+s9+$0x0], $0xffff;
	[tilespmem:s21+$0x10] =	vst v15  }
0xb7: {  	[tilespmem:s25+$0xFFFFFFB0] =	vst v8  }
0xb8: {  	v11 =	vld.idx.msk [tilespmem:v11+s9+$0x0], $0xffff;
	[tilespmem:s25+$0xFFFFFFA0] =	vst v10  }
0xb9: {  	v7 =	vld.idx.msk [tilespmem:v13+s9+$0x0], $0xffff;
	[tilespmem:s24+$0xFFFFFFD0] =	vst v10  }
0xba: {  	[tilespmem:s24+$0xFFFFFFE0] =	vst v8  }
0xbb: {  	[tilespmem:s25+$0xFFFFFFC0] =	vst v12  }
0xbc: {  	v9 =	vld.idx.msk [tilespmem:v15+s9+$0x0], $0xffff;
	[tilespmem:s24+$0xFFFFFFF0] =	vst v12  }
0xbd: {  	[tilespmem:s25+$0xFFFFFF90] =	vst v11  }
0xbe: {  	[tilespmem:s25+$0xFFFFFFD0] =	vst v7  }
0xbf: {  	[tilespmem:s24+$0xFFFFFFC0] =	vst v11  }
0xc0: {  	[tilespmem:s24+$0x0] =	vst v7  }
0xc1: {  	[tilespmem:s25+$0xFFFFFFE0] =	vst v9  }
0xc2: {  	[tilespmem:s24+$0x10] =	vst v9  }
0xc3: {  	v7 =	vld [tilespmem:$0x2880]  }
0xc4: {  	v8 =	vld [tilespmem:$0x2000];
	_ =	sdelay $0x3  }
0xc5: {  	v9 =	vmul.u32 v7, v7  }
0xc6: {  	v6 =	vadd.s32 v6, v8  }
0xc7: {  	vm15 =	vgt.s32 v9, v6  }
0xc8: {  	v6 =	vsel vm15, $0xFFFFFFFF, v5  }
0xc9: {  	v6 =	vadd.s32 v6, v7;
	_ =	sdelay $0x3  }
0xca: {  	[tilespmem:$0x2880] =	vst v6  }
0xcb: {  	v6 =	vld.idx.msk [tilespmem:v6+s9+$0x0], $0xffff;
	_ =	sdelay $0x4  }
0xcc: {  	s31 =	simm.s32 $0x30F1;
	[tilespmem:$0x3100] =	vst v6  }
0xcd: {  	v10 =	vld [tilespmem:s31+$0xFFFFFF90]  }
0xce: {  	v11 =	vld [tilespmem:s31+$0xFFFFFFF0]  }
0xcf: {  	v6 =	vmul.u32 $0xFFFFFFFF, v1;
	v13 =	vld [tilespmem:s31+$0xFFFFFFE0]  }
0xd0: {  	v9 =	vld [tilespmem:s31+$0xFFFFFFD0]  }
0xd1: {  	v8 =	vld [tilespmem:s31+$0xFFFFFFC0];
	v6 =	vadd.s32 $0xF, v6  }
0xd2: {  	v7 =	vld [tilespmem:s31+$0xFFFFFFB0];
	v14 =	vperm.xlane v10, v6  }
0xd3: {  	s0 =	simm.s32 $0x31C0;
	v10 =	vld [tilespmem:s31+$0xFFFFFFA0];
	v12 =	vperm.xlane v11, v6  }
0xd4: {  	s22 =	simm.s32 $0x3071;
	s21 =	simm.s32 $0x0;
	v11 =	vld [tilespmem:s31+$0x0];
	v13 =	vperm.xlane v13, v6;
	[tilespmem:s0+$0x30] =	vst v14  }
.LBB2_15:
0xd5: {  	v14 =	vld [tilespmem:s22+$0xFFFFFF90];
	s21 =	sadd.s32 $0x80, s21;
	[tilespmem:s0+$0xFFFFFFD0] =	vst v12;
	v9 =	vperm.xlane v9, v6  }
0xd6: {  	v12 =	vld [tilespmem:s22+$0xFFFFFFF0];
	p2 =	slt.u32 s21, $0x780;
	[tilespmem:s0+$0xFFFFFFE0] =	vst v13;
	v8 =	vperm.xlane v8, v6  }
0xd7: {  	v13 =	vld [tilespmem:s22+$0xFFFFFFE0];
	[tilespmem:s0+$0xFFFFFFF0] =	vst v9;
	v7 =	vperm.xlane v7, v6  }
.Ltmp6:
0xd8: {  	v9 =	vld [tilespmem:s22+$0xFFFFFFD0];
	[tilespmem:s0+$0x0] =	vst v8;
	v10 =	vperm.xlane v10, v6;
	(pc) =	sbr.rel @p2 .LBB2_15-.Ltmp6, $4  }
0xd9: {  	v8 =	vld [tilespmem:s22+$0xFFFFFFC0];
	v11 =	vperm.xlane v11, v6;
	[tilespmem:s0+$0x10] =	vst v7  }
0xda: {  	v7 =	vld [tilespmem:s22+$0xFFFFFFB0];
	v14 =	vperm.xlane v14, v6;
	[tilespmem:s0+$0x20] =	vst v10  }
0xdb: {  	v12 =	vperm.xlane v12, v6;
	v10 =	vld [tilespmem:s22+$0xFFFFFFA0];
	[tilespmem:s0+$0xFFFFFFC0] =	vst v11;
	s0 =	sadd.s32 $0x80, s0  }
0xdc: {  	v11 =	vld [tilespmem:s22+$0x0];
	v13 =	vperm.xlane v13, v6;
	[tilespmem:s0+$0x30] =	vst v14;
	s22 =	sadd.s32 $0xFFFFFF80, s22  }
0xdd: {  	[tilespmem:s0+$0xFFFFFFD0] =	vst v12;
	v9 =	vperm.xlane v9, v6  }
0xde: {  	[tilespmem:s0+$0xFFFFFFE0] =	vst v13;
	v8 =	vperm.xlane v8, v6  }
.Ltmp7:
0xdf: {  	[tilespmem:s0+$0xFFFFFFF0] =	vst v9;
	v7 =	vperm.xlane v7, v6;
	(pc) =	sbr.rel .LBB2_17-.Ltmp7, $4  }
0xe0: {  	[tilespmem:s0+$0x0] =	vst v8;
	v63 =	vperm.xlane v10, v6  }
0xe1: {  	v6 =	vperm.xlane v11, v6;
	[tilespmem:s0+$0x10] =	vst v7  }
0xe2: {  	[tilespmem:s0+$0x20] =	vst v63  }
0xe3: {  	[tilespmem:s0+$0xFFFFFFC0] =	vst v6  }
.LBB2_7:
0xe4: {  	s0 =	simm.s32 $0x1840  }
0xe5: {  	v6 =	vld [tilespmem:s0+$0x30]  }
0xe6: {  	v7 =	vld [tilespmem:s0+$0xFFFFFFD0]  }
0xe7: {  	v8 =	vld [tilespmem:s0+$0xFFFFFFE0]  }
0xe8: {  	v9 =	vld [tilespmem:s0+$0xFFFFFFF0]  }
0xe9: {  	v10 =	vld [tilespmem:s0+$0x0]  }
0xea: {  	v11 =	vld [tilespmem:s0+$0x10]  }
0xeb: {  	v15 =	vld [tilespmem:s0+$0x20];
	_ =	sdelay $0x1  }
0xec: {  	v12 =	vadd.s32 v0, v6;
	v7 =	vadd.s32 v0, v7;
	v8 =	vadd.s32 v0, v8  }
0xed: {  	v6 =	vadd.s32 v0, v9;
	v14 =	vadd.s32 v0, v10;
	v16 =	vcvt.s32.f32 v12  }
0xee: {  	v13 =	vadd.s32 v0, v11;
	v18 =	vcvt.s32.f32 v7;
	v20 =	vcvt.s32.f32 v8  }
0xef: {  	v15 =	vadd.s32 v0, v15;
	v21 =	vcvt.s32.f32 v6;
	v22 =	vcvt.s32.f32 v14  }
0xf0: {  	v17 =	vld [tilespmem:s0+$0xFFFFFFC0];
	v23 =	vcvt.s32.f32 v13;
	v9 =	vshra.s32 v16, $0x1;
	v19 =	vmul.f32 $5.000000000e-01, v16  }
0xf1: {  	v25 =	vshra.s32 v18, $0x1;
	v26 =	vmul.f32 $5.000000000e-01, v18;
	v27 =	vshra.s32 v20, $0x1  }
0xf2: {  	v28 =	vmul.f32 $5.000000000e-01, v20;
	v32 =	vmul.f32 $5.000000000e-01, v21;
	v10 =	vsub.s32 $0x5F3759DF, v9  }
0xf3: {  	v31 =	vshra.s32 v21, $0x1;
	v33 =	vmul.f32 $5.000000000e-01, v22;
	v11 =	vmul.f32 v10, v19  }
0xf4: {  	v34 =	vmul.f32 $5.000000000e-01, v23;
	v35 =	vshra.s32 v23, $0x1;
	v25 =	vsub.s32 $0x5F3759DF, v25  }
0xf5: {  	v9 =	vadd.s32 v0, v17;
	v38 =	vmul.f32 v25, v26;
	v11 =	vmul.f32 v10, v11  }
0xf6: {  	v17 =	vcvt.s32.f32 v15;
	v27 =	vsub.s32 $0x5F3759DF, v27;
	v31 =	vsub.s32 $0x5F3759DF, v31  }
0xf7: {  	v24 =	vcvt.s32.f32 v9;
	v38 =	vmul.f32 v25, v38;
	v11 =	vsub.f32 $1.500000000e+00, v11  }
0xf8: {  	v35 =	vsub.s32 $0x5F3759DF, v35;
	v39 =	vmul.f32 v27, v28;
	v40 =	vmul.f32 v31, v32  }
0xf9: {  	v43 =	vmul.f32 v35, v34;
	v38 =	vsub.f32 $1.500000000e+00, v38;
	v10 =	vmul.f32 v10, v11  }
0xfa: {  	v36 =	vmul.f32 $5.000000000e-01, v17;
	v41 =	vshra.s32 v17, $0x1;
	v11 =	vshra.s32 v22, $0x1  }
0xfb: {  	v25 =	vmul.f32 v25, v38;
	v11 =	vsub.s32 $0x5F3759DF, v11;
	v19 =	vmul.f32 v10, v19  }
0xfc: {  	v29 =	vshra.s32 v24, $0x1;
	v30 =	vmul.f32 $5.000000000e-01, v24;
	v42 =	vmul.f32 v11, v33  }
0xfd: {  	v41 =	vsub.s32 $0x5F3759DF, v41;
	v26 =	vmul.f32 v25, v26;
	v19 =	vmul.f32 v19, v10  }
0xfe: {  	v48 =	vmul.f32 v31, v40;
	v50 =	vmul.f32 v35, v43;
	v29 =	vsub.s32 $0x5F3759DF, v29  }
0xff: {  	v49 =	vmul.f32 v11, v42;
	v26 =	vmul.f32 v26, v25;
	v19 =	vsub.f32 $1.500000000e+00, v19  }
0x100: {  	v47 =	vmul.f32 v41, v36;
	v37 =	vmul.f32 v29, v30  }
0x101: {  	v40 =	vsub.f32 $1.500000000e+00, v49;
	v26 =	vsub.f32 $1.500000000e+00, v26;
	v10 =	vmul.f32 v19, v10  }
0x102: {  	v19 =	vmul.f32 v29, v37;
	v37 =	vmul.f32 v41, v47  }
0x103: {  	v11 =	vmul.f32 v11, v40;
	v25 =	vmul.f32 v26, v25  }
0x104: {  	v10 =	vmul.f32 v16, v10;
	v16 =	vmul.f32 v27, v39;
	v19 =	vsub.f32 $1.500000000e+00, v19  }
0x105: {  	v39 =	vsub.f32 $1.500000000e+00, v48;
	v33 =	vmul.f32 v11, v33;
	v18 =	vmul.f32 v18, v25  }
0x106: {  	v10 =	vtrunc.f32 v10;
	v16 =	vsub.f32 $1.500000000e+00, v16;
	v19 =	vmul.f32 v29, v19  }
0x107: {  	v29 =	vsub.f32 $1.500000000e+00, v50;
	v31 =	vmul.f32 v31, v39;
	v33 =	vmul.f32 v33, v11  }
0x108: {  	v18 =	vtrunc.f32 v18;
	v10 =	vcvt.f32.s32 v10  }
0x109: {  	v16 =	vmul.f32 v27, v16;
	v27 =	vsub.f32 $1.500000000e+00, v37;
	v29 =	vmul.f32 v35, v29  }
0x10a: {  	v30 =	vmul.f32 v19, v30;
	v32 =	vmul.f32 v31, v32  }
0x10b: {  	v52 =	vsub.f32 $1.500000000e+00, v33;
	v27 =	vmul.f32 v41, v27;
	v28 =	vmul.f32 v16, v28  }
0x10c: {  	v34 =	vmul.f32 v29, v34;
	v30 =	vmul.f32 v30, v19  }
0x10d: {  	v32 =	vmul.f32 v32, v31;
	v11 =	vmul.f32 v52, v11  }
0x10e: {  	v51 =	vmul.f32 v27, v36;
	v28 =	vmul.f32 v28, v16;
	v30 =	vsub.f32 $1.500000000e+00, v30  }
0x10f: {  	v34 =	vmul.f32 v34, v29;
	v11 =	vmul.f32 v22, v11  }
0x110: {  	v28 =	vsub.f32 $1.500000000e+00, v28;
	v35 =	vmul.f32 v51, v27;
	v19 =	vmul.f32 v30, v19  }
0x111: {  	v30 =	vsub.f32 $1.500000000e+00, v32;
	v26 =	vsub.f32 $1.500000000e+00, v34;
	v11 =	vtrunc.f32 v11  }
0x112: {  	v11 =	vcvt.f32.s32 v11;
	v53 =	vsub.f32 $1.500000000e+00, v35;
	v16 =	vmul.f32 v28, v16  }
0x113: {  	v28 =	vmul.f32 v30, v31;
	v26 =	vmul.f32 v26, v29  }
0x114: {  	v30 =	vadd.s32 $0x1, v10;
	v19 =	vmul.f32 v24, v19;
	v24 =	vmul.f32 v53, v27  }
0x115: {  	v29 =	vmul.u32 v30, v30;
	v16 =	vmul.f32 v20, v16;
	v20 =	vmul.f32 v21, v28  }
0x116: {  	v21 =	vmul.f32 v23, v26;
	v19 =	vtrunc.f32 v19;
	v27 =	vadd.s32 $0x1, v11  }
0x117: {  	vm0 =	vgt.s32 v29, v12;
	v19 =	vcvt.f32.s32 v19;
	v54 =	vmul.u32 v27, v27  }
0x118: {  	v10 =	vsel vm0, v10, v30;
	v17 =	vmul.f32 v17, v24;
	v16 =	vtrunc.f32 v16  }
0x119: {  	v23 =	vtrunc.f32 v20;
	v22 =	vmul.u32 v10, v10;
	v16 =	vcvt.f32.s32 v16  }
0x11a: {  	v24 =	vcvt.f32.s32 v23;
	vm4 =	vgt.s32 v54, v14;
	v17 =	vtrunc.f32 v17  }
0x11b: {  	vm0 =	vgt.s32 v22, v12;
	v12 =	vtrunc.f32 v21;
	v25 =	vcvt.f32.s32 v17  }
0x11c: {  	v17 =	vadd.s32 $0x1, v16;
	v26 =	vadd.s32 $0x1, v24;
	v20 =	vsel vm0, $0xFFFFFFFF, v5  }
0x11d: {  	v12 =	vcvt.f32.s32 v12;
	v20 =	vadd.s32 v20, v10;
	v10 =	vcvt.f32.s32 v18  }
0x11e: {  	v30 =	vmul.u32 v17, v17;
	v31 =	vmul.u32 v26, v26;
	v18 =	vadd.s32 $0x1, v19  }
0x11f: {  	v29 =	vadd.s32 $0x1, v25;
	v28 =	vadd.s32 $0x1, v12;
	v21 =	vadd.s32 $0x1, v10  }
0x120: {  	s31 =	simm.s32 $0x18C0;
	v22 =	vmul.u32 v18, v18;
	v55 =	vmul.u32 v28, v28;
	v23 =	vmul.u32 v21, v21  }
0x121: {  	v56 =	vmul.u32 v29, v29;
	vm2 =	vgt.s32 v30, v8;
	vm3 =	vgt.s32 v31, v6;
	v30 =	vld [tilespmem:s31+$0x30]  }
0x122: {  	vm0 =	vgt.s32 v22, v9;
	vm5 =	vgt.s32 v55, v13;
	vm1 =	vgt.s32 v23, v7  }
0x123: {  	v23 =	vsel vm0, v19, v18;
	vm0 =	vgt.s32 v56, v15;
	v19 =	vsel vm3, v24, v26  }
0x124: {  	v57 =	vld [tilespmem:s31+$0x10];
	v18 =	vsel vm4, v11, v27;
	v22 =	vsel vm1, v10, v21;
	v21 =	vsel vm2, v16, v17  }
0x125: {  	v11 =	vld [tilespmem:s31+$0xFFFFFFE0];
	v24 =	vmul.u32 v23, v23;
	v17 =	vsel vm5, v12, v28;
	v16 =	vsel vm0, v25, v29  }
0x126: {  	v10 =	vld [tilespmem:s31+$0xFFFFFFD0];
	v27 =	vmul.u32 v19, v19;
	v29 =	vmul.u32 v18, v18;
	v30 =	vadd.s32 v0, v30  }
0x127: {  	v12 =	vld [tilespmem:s31+$0xFFFFFFF0];
	v25 =	vmul.u32 v22, v22;
	v26 =	vmul.u32 v21, v21;
	v31 =	vmul.u32 v17, v17  }
0x128: {  	v32 =	vmul.u32 v16, v16;
	vm6 =	vgt.s32 v24, v9;
	vm0 =	vgt.s32 v27, v6  }
0x129: {  	v28 =	vld [tilespmem:s31+$0x0];
	vm3 =	vgt.s32 v29, v14;
	vm2 =	vgt.s32 v25, v7;
	v25 =	vcvt.s32.f32 v30  }
0x12a: {  	vm1 =	vgt.s32 v26, v8;
	v7 =	vadd.s32 v0, v57;
	vm4 =	vgt.s32 v31, v13  }
0x12b: {  	v24 =	vld [tilespmem:s31+$0x20];
	vm5 =	vgt.s32 v32, v15;
	v11 =	vadd.s32 v0, v11;
	v38 =	vcvt.s32.f32 v7  }
0x12c: {  	v26 =	vld [tilespmem:s31+$0xFFFFFFC0];
	v56 =	vsel vm2, $0xFFFFFFFF, v5;
	v10 =	vadd.s32 v0, v10;
	v9 =	vadd.s32 v0, v12  }
0x12d: {  	v6 =	vshra.s32 v25, $0x1;
	v27 =	vmul.f32 $5.000000000e-01, v25;
	v35 =	vcvt.s32.f32 v11  }
0x12e: {  	v8 =	vadd.s32 v0, v28;
	v34 =	vcvt.s32.f32 v10;
	v36 =	vcvt.s32.f32 v9  }
0x12f: {  	v28 =	vsub.s32 $0x5F3759DF, v6;
	v37 =	vcvt.s32.f32 v8;
	v49 =	vmul.f32 $5.000000000e-01, v38  }
0x130: {  	v58 =	vmul.f32 v28, v27;
	v6 =	vadd.s32 v0, v24;
	v61 =	vshra.s32 v35, $0x1  }
0x131: {  	v62 =	vmul.f32 $5.000000000e-01, v35;
	v12 =	vadd.s32 v0, v26;
	v24 =	vcvt.s32.f32 v6  }
0x132: {  	v59 =	vshra.s32 v34, $0x1;
	v60 =	vmul.f32 $5.000000000e-01, v34;
	v45 =	vshra.s32 v36, $0x1  }
0x133: {  	v46 =	vmul.f32 $5.000000000e-01, v36;
	v47 =	vshra.s32 v37, $0x1;
	v41 =	vsub.s32 $0x5F3759DF, v61  }
0x134: {  	v26 =	vmul.f32 v28, v58;
	v33 =	vcvt.s32.f32 v12;
	v39 =	vsub.s32 $0x5F3759DF, v59  }
0x135: {  	v45 =	vsub.s32 $0x5F3759DF, v45;
	v54 =	vmul.f32 v41, v62;
	v51 =	vmul.f32 $5.000000000e-01, v24  }
0x136: {  	v50 =	vshra.s32 v24, $0x1;
	v53 =	vmul.f32 v39, v60;
	v55 =	vmul.f32 v45, v46  }
0x137: {  	v26 =	vsub.f32 $1.500000000e+00, v26;
	v44 =	vmul.f32 $5.000000000e-01, v33;
	v50 =	vsub.s32 $0x5F3759DF, v50  }
0x138: {  	v47 =	vsub.s32 $0x5F3759DF, v47;
	v31 =	vmul.f32 v41, v54;
	v29 =	vmul.f32 v50, v51  }
0x139: {  	v63 =	vshra.s32 v33, $0x1;
	v15 =	vmul.f32 v39, v53;
	v26 =	vmul.f32 v28, v26  }
0x13a: {  	v43 =	vsub.s32 $0x5F3759DF, v63;
	v53 =	vmul.f32 v45, v55;
	v28 =	vmul.f32 $5.000000000e-01, v37  }
0x13b: {  	v52 =	vmul.f32 v43, v44;
	v31 =	vsub.f32 $1.500000000e+00, v31;
	v27 =	vmul.f32 v26, v27  }
0x13c: {  	v15 =	vsub.f32 $1.500000000e+00, v15;
	v29 =	vmul.f32 v50, v29;
	v14 =	vmul.f32 v47, v28  }
0x13d: {  	v32 =	vsub.f32 $1.500000000e+00, v53;
	v13 =	vmul.f32 v43, v52;
	v27 =	vmul.f32 v27, v26  }
0x13e: {  	v22 =	vadd.s32 v56, v22;
	v31 =	vmul.f32 v41, v31;
	v15 =	vmul.f32 v39, v15  }
0x13f: {  	v29 =	vsub.f32 $1.500000000e+00, v29;
	v32 =	vmul.f32 v45, v32;
	v27 =	vsub.f32 $1.500000000e+00, v27  }
0x140: {  	v48 =	vshra.s32 v38, $0x1;
	v14 =	vmul.f32 v47, v14;
	v42 =	vmul.f32 v31, v62  }
0x141: {  	v13 =	vsub.f32 $1.500000000e+00, v13;
	v29 =	vmul.f32 v50, v29;
	v26 =	vmul.f32 v27, v26  }
0x142: {  	v48 =	vsub.s32 $0x5F3759DF, v48;
	v40 =	vmul.f32 v15, v60;
	v58 =	vmul.f32 v32, v46  }
0x143: {  	v59 =	vsel vm1, $0xFFFFFFFF, v5;
	v13 =	vmul.f32 v43, v13;
	v25 =	vmul.f32 v25, v26  }
0x144: {  	v21 =	vadd.s32 v59, v21;
	v42 =	vmul.f32 v42, v31;
	v61 =	vmul.f32 v29, v51  }
0x145: {  	v14 =	vsub.f32 $1.500000000e+00, v14;
	v62 =	vmul.f32 v40, v15;
	v25 =	vtrunc.f32 v25  }
0x146: {  	v53 =	vsel vm0, $0xFFFFFFFF, v5;
	v27 =	vmul.f32 v48, v49;
	v25 =	vcvt.f32.s32 v25  }
0x147: {  	v14 =	vmul.f32 v47, v14;
	v57 =	vmul.f32 v13, v44;
	v42 =	vsub.f32 $1.500000000e+00, v42  }
0x148: {  	v39 =	vsub.f32 $1.500000000e+00, v62;
	v50 =	vmul.f32 v61, v29;
	v54 =	vadd.s32 $0x1, v25  }
0x149: {  	v27 =	vmul.f32 v48, v27;
	v28 =	vmul.f32 v14, v28;
	v55 =	vmul.u32 v54, v54  }
0x14a: {  	v26 =	vsel vm6, $0xFFFFFFFF, v5;
	v31 =	vmul.f32 v42, v31;
	v15 =	vmul.f32 v39, v15  }
0x14b: {  	s26 =	simm.s32 $0x20C0;
	v52 =	vsub.f32 $1.500000000e+00, v50;
	v27 =	vsub.f32 $1.500000000e+00, v27;
	vm2 =	vgt.s32 v55, v30  }
0x14c: {  	[tilespmem:s26+$0x30] =	vst v20;
	v28 =	vmul.f32 v28, v14;
	v31 =	vmul.f32 v35, v31;
	v25 =	vsel vm2, v25, v54  }
0x14d: {  	v20 =	vld.idx.msk [tilespmem:v20+s9+$0x0], $0xffff;
	v29 =	vmul.f32 v52, v29;
	v15 =	vmul.f32 v34, v15;
	v43 =	vmul.u32 v25, v25  }
0x14e: {  	v23 =	vadd.s32 v26, v23;
	v27 =	vmul.f32 v48, v27;
	v48 =	vmul.f32 v58, v32  }
0x14f: {  	v28 =	vsub.f32 $1.500000000e+00, v28;
	v26 =	vtrunc.f32 v31;
	vm1 =	vgt.s32 v43, v30  }
0x150: {  	v60 =	vmul.f32 v27, v49;
	v30 =	vmul.f32 v57, v13;
	v63 =	vsel vm1, $0xFFFFFFFF, v5  }
0x151: {  	s22 =	simm.s32 $0x39F0;
	v24 =	vmul.f32 v24, v29;
	v15 =	vtrunc.f32 v15;
	v25 =	vadd.s32 v63, v25  }
0x152: {  	s21 =	simm.s32 $0x2940;
	[tilespmem:s22+$0x0] =	vst v20;
	v29 =	vadd.s32 v53, v19;
	v49 =	vmul.f32 v60, v27;
	v30 =	vsub.f32 $1.500000000e+00, v30  }
0x153: {  	[tilespmem:s21+$0x30] =	vst v20;
	v14 =	vmul.f32 v28, v14;
	v24 =	vtrunc.f32 v24;
	v54 =	vsel vm4, $0xFFFFFFFF, v5  }
0x154: {  	s25 =	simm.s32 $0x2140;
	[tilespmem:s26+$0xFFFFFFC0] =	vst v23;
	v51 =	vsub.f32 $1.500000000e+00, v49;
	v13 =	vmul.f32 v30, v13;
	v30 =	vsub.f32 $1.500000000e+00, v48  }
0x155: {  	v56 =	vld.idx.msk [tilespmem:v23+s9+$0x0], $0xffff;
	v23 =	vadd.s32 v54, v17;
	v17 =	vcvt.f32.s32 v15;
	v15 =	vcvt.f32.s32 v26;
	[tilespmem:s25+$0x30] =	vst v25  }
0x156: {  	[tilespmem:s26+$0xFFFFFFD0] =	vst v22;
	v28 =	vsel vm3, $0xFFFFFFFF, v5;
	v27 =	vmul.f32 v51, v27;
	v30 =	vmul.f32 v30, v32;
	v25 =	vld.idx.msk [tilespmem:v25+s9+$0x0], $0xffff  }
0x157: {  	[tilespmem:s26+$0xFFFFFFE0] =	vst v21;
	v55 =	vsel vm5, $0xFFFFFFFF, v5;
	v14 =	vmul.f32 v37, v14;
	v24 =	vcvt.f32.s32 v24  }
0x158: {  	[tilespmem:s26+$0xFFFFFFF0] =	vst v29;
	v31 =	vadd.s32 $0x1, v15;
	v20 =	vmul.f32 v38, v27;
	v30 =	vmul.f32 v36, v30  }
0x159: {  	[tilespmem:s26+$0x10] =	vst v23;
	v57 =	vadd.s32 v55, v16;
	v60 =	vmul.u32 v31, v31;
	v13 =	vmul.f32 v33, v13  }
0x15a: {  	s23 =	simm.s32 $0x3A70;
	[tilespmem:s22+$0xFFFFFF90] =	vst v56;
	v20 =	vtrunc.f32 v20;
	v27 =	vtrunc.f32 v30;
	v30 =	vadd.s32 v28, v18  }
0x15b: {  	s24 =	simm.s32 $0x29C0;
	vm1 =	vgt.s32 v60, v11;
	v13 =	vtrunc.f32 v13;
	v16 =	vcvt.f32.s32 v27;
	[tilespmem:s23+$0x0] =	vst v25  }
0x15c: {  	v26 =	vld.idx.msk [tilespmem:v21+s9+$0x0], $0xffff;
	v27 =	vadd.s32 $0x1, v17;
	[tilespmem:s24+$0x30] =	vst v25;
	v25 =	vtrunc.f32 v14;
	v14 =	vcvt.f32.s32 v13  }
0x15d: {  	[tilespmem:s21+$0xFFFFFFC0] =	vst v56;
	v18 =	vld.idx.msk [tilespmem:v22+s9+$0x0], $0xffff;
	v13 =	vcvt.f32.s32 v20;
	v32 =	vadd.s32 $0x1, v16;
	v25 =	vcvt.f32.s32 v25  }
0x15e: {  	v22 =	vld.idx.msk [tilespmem:v29+s9+$0x0], $0xffff;
	[tilespmem:s26+$0x0] =	vst v30;
	v59 =	vmul.u32 v27, v27;
	v61 =	vmul.u32 v32, v32;
	v19 =	vadd.s32 $0x1, v14  }
0x15f: {  	[tilespmem:s26+$0x20] =	vst v57;
	v20 =	vld.idx.msk [tilespmem:v30+s9+$0x0], $0xffff;
	v29 =	vadd.s32 $0x1, v13;
	v30 =	vadd.s32 $0x1, v24;
	v28 =	vadd.s32 $0x1, v25  }
0x160: {  	v21 =	vld.idx.msk [tilespmem:v23+s9+$0x0], $0xffff;
	v58 =	vmul.u32 v19, v19;
	v63 =	vmul.u32 v29, v29;
	v62 =	vmul.u32 v28, v28  }
0x161: {  	v23 =	vld.idx.msk [tilespmem:v57+s9+$0x0], $0xffff;
	vm4 =	vgt.s32 v59, v10;
	v33 =	vmul.u32 v30, v30;
	vm3 =	vgt.s32 v61, v9  }
0x162: {  	s28 =	simm.s32 $0x80;
	s29 =	simm.s32 $0x1940;
	s26 =	simm.s32 $0x2140;
	[tilespmem:s22+$0xFFFFFFA0] =	vst v18;
	vm5 =	vgt.s32 v58, v12;
	vm0 =	vgt.s32 v63, v7;
	vm2 =	vgt.s32 v62, v8  }
.LBB2_8:
0x163: {  	v34 =	vld [tilespmem:s29+$0x30];
	v19 =	vsel vm5, v14, v19;
	v17 =	vsel vm4, v17, v27;
	vm4 =	vgt.s32 v33, v6;
	[tilespmem:s21+$0xFFFFFFD0] =	vst v18  }
0x164: {  	s28 =	sadd.s32 $0x80, s28;
	v18 =	vsel vm1, v15, v31;
	v16 =	vsel vm3, v16, v32;
	v14 =	vsel vm2, v25, v28;
	v27 =	vld [tilespmem:s29+$0xFFFFFFD0];
	[tilespmem:s22+$0xFFFFFFB0] =	vst v26  }
0x165: {  	v15 =	vsel vm0, v13, v29;
	p2 =	slt.u32 s28, $0x780;
	v28 =	vmul.u32 v19, v19;
	v13 =	vsel vm4, v24, v30;
	v25 =	vld [tilespmem:s29+$0xFFFFFFE0];
	[tilespmem:s21+$0xFFFFFFE0] =	vst v26  }
0x166: {  	v29 =	vmul.u32 v17, v17;
	v30 =	vmul.u32 v18, v18;
	v31 =	vmul.u32 v16, v16;
	v24 =	vld [tilespmem:s29+$0xFFFFFFF0];
	[tilespmem:s22+$0xFFFFFFC0] =	vst v22  }
0x167: {  	v33 =	vmul.u32 v14, v14;
	v35 =	vmul.u32 v15, v15;
	v36 =	vmul.u32 v13, v13;
	v32 =	vld [tilespmem:s29+$0x0];
	[tilespmem:s21+$0xFFFFFFF0] =	vst v22  }
0x168: {  	vm3 =	vgt.s32 v28, v12;
	vm2 =	vgt.s32 v29, v10;
	v37 =	vld [tilespmem:s29+$0x10];
	v26 =	vadd.s32 v0, v34;
	[tilespmem:s22+$0xFFFFFFD0] =	vst v20  }
0x169: {  	vm1 =	vgt.s32 v30, v11;
	v10 =	vadd.s32 v0, v27;
	v12 =	vld [tilespmem:s29+$0x20];
	v28 =	vcvt.s32.f32 v26;
	[tilespmem:s21+$0x0] =	vst v20  }
0x16a: {  	vm0 =	vgt.s32 v31, v9;
	v27 =	vld [tilespmem:s29+$0xFFFFFFC0];
	v20 =	vcvt.s32.f32 v10;
	v11 =	vadd.s32 v0, v25;
	[tilespmem:s22+$0xFFFFFFE0] =	vst v21  }
0x16b: {  	v9 =	vadd.s32 v0, v24;
	v22 =	vshra.s32 v28, $0x1;
	v29 =	vmul.f32 $5.000000000e-01, v28;
	[tilespmem:s21+$0x10] =	vst v21  }
0x16c: {  	v21 =	vcvt.s32.f32 v11;
	v30 =	vadd.s32 v0, v32;
	v31 =	vsub.s32 $0x5F3759DF, v22;
	[tilespmem:s22+$0xFFFFFFF0] =	vst v23;
	s22 =	smov.u32 s23  }
0x16d: {  	v22 =	vcvt.s32.f32 v9;
	v32 =	vadd.s32 v0, v37;
	v34 =	vmul.f32 v31, v29;
	[tilespmem:s21+$0x20] =	vst v23;
	s21 =	smov.u32 s24  }
0x16e: {  	v24 =	vcvt.s32.f32 v30;
	v23 =	vcvt.s32.f32 v32;
	v37 =	vadd.s32 v0, v12  }
0x16f: {  	v12 =	vadd.s32 v0, v27;
	v25 =	vcvt.s32.f32 v37;
	v34 =	vmul.f32 v31, v34  }
0x170: {  	v38 =	vshra.s32 v20, $0x1;
	v39 =	vmul.f32 $5.000000000e-01, v20;
	v27 =	vcvt.s32.f32 v12  }
0x171: {  	v40 =	vshra.s32 v21, $0x1;
	v41 =	vmul.f32 $5.000000000e-01, v21;
	v34 =	vsub.f32 $1.500000000e+00, v34  }
0x172: {  	v44 =	vshra.s32 v22, $0x1;
	v42 =	vshra.s32 v27, $0x1;
	v43 =	vmul.f32 $5.000000000e-01, v27  }
0x173: {  	v45 =	vmul.f32 $5.000000000e-01, v22;
	v46 =	vshra.s32 v24, $0x1;
	v31 =	vmul.f32 v31, v34  }
0x174: {  	v47 =	vshra.s32 v23, $0x1;
	v48 =	vmul.f32 $5.000000000e-01, v23;
	v34 =	vmul.f32 $5.000000000e-01, v24  }
0x175: {  	v49 =	vshra.s32 v25, $0x1;
	v50 =	vmul.f32 $5.000000000e-01, v25;
	v29 =	vmul.f32 v31, v29  }
0x176: {  	v38 =	vsub.s32 $0x5F3759DF, v38;
	v40 =	vsub.s32 $0x5F3759DF, v40;
	v42 =	vsub.s32 $0x5F3759DF, v42  }
0x177: {  	v44 =	vsub.s32 $0x5F3759DF, v44;
	v46 =	vsub.s32 $0x5F3759DF, v46;
	v29 =	vmul.f32 v29, v31  }
0x178: {  	v47 =	vsub.s32 $0x5F3759DF, v47;
	v49 =	vsub.s32 $0x5F3759DF, v49;
	v51 =	vmul.f32 v42, v43  }
0x179: {  	v52 =	vmul.f32 v38, v39;
	v53 =	vmul.f32 v40, v41;
	v29 =	vsub.f32 $1.500000000e+00, v29  }
0x17a: {  	vm4 =	vgt.s32 v33, v8;
	v8 =	vmovc v30;
	v54 =	vmul.f32 v44, v45;
	v55 =	vmul.f32 v46, v34  }
0x17b: {  	vm5 =	vgt.s32 v35, v7;
	v7 =	vmovc v32;
	v30 =	vmul.f32 v47, v48;
	v29 =	vmul.f32 v29, v31  }
0x17c: {  	vm6 =	vgt.s32 v36, v6;
	v6 =	vmovc v37;
	v32 =	vmul.f32 v49, v50;
	v31 =	vmul.f32 v42, v51  }
0x17d: {  	v33 =	vmul.f32 v38, v52;
	v28 =	vmul.f32 v28, v29;
	v29 =	vsel vm3, $0xFFFFFFFF, v5  }
0x17e: {  	v35 =	vmul.f32 v40, v53;
	v36 =	vmul.f32 v44, v54;
	v31 =	vsub.f32 $1.500000000e+00, v31  }
0x17f: {  	v33 =	vsub.f32 $1.500000000e+00, v33;
	v37 =	vmul.f32 v46, v55;
	v28 =	vtrunc.f32 v28  }
0x180: {  	v35 =	vsub.f32 $1.500000000e+00, v35;
	v30 =	vmul.f32 v47, v30;
	v28 =	vcvt.f32.s32 v28  }
0x181: {  	v36 =	vsub.f32 $1.500000000e+00, v36;
	v32 =	vmul.f32 v49, v32;
	v37 =	vsub.f32 $1.500000000e+00, v37  }
0x182: {  	v30 =	vsub.f32 $1.500000000e+00, v30;
	v31 =	vmul.f32 v42, v31;
	v42 =	vadd.s32 $0x1, v28  }
0x183: {  	v33 =	vmul.f32 v38, v33;
	v32 =	vsub.f32 $1.500000000e+00, v32;
	v38 =	vmul.u32 v42, v42  }
0x184: {  	v35 =	vmul.f32 v40, v35;
	v40 =	vsel vm2, $0xFFFFFFFF, v5;
	v36 =	vmul.f32 v44, v36  }
0x185: {  	v30 =	vmul.f32 v47, v30;
	v37 =	vmul.f32 v46, v37;
	vm2 =	vgt.s32 v38, v26  }
0x186: {  	v32 =	vmul.f32 v49, v32;
	v38 =	vmul.f32 v31, v43;
	v28 =	vsel vm2, v28, v42  }
0x187: {  	v39 =	vmul.f32 v33, v39;
	v41 =	vmul.f32 v35, v41;
	v42 =	vmul.u32 v28, v28  }
0x188: {  	v44 =	vsel vm1, $0xFFFFFFFF, v5;
	v34 =	vmul.f32 v37, v34;
	v43 =	vmul.f32 v36, v45  }
0x189: {  	v46 =	vmul.f32 v32, v50;
	v45 =	vmul.f32 v30, v48;
	vm1 =	vgt.s32 v42, v26  }
0x18a: {  	v26 =	vmul.f32 v38, v31;
	v38 =	vmul.f32 v39, v33;
	v39 =	vsel vm1, $0xFFFFFFFF, v5  }
0x18b: {  	v41 =	vmul.f32 v41, v35;
	v42 =	vmul.f32 v43, v36;
	v28 =	vadd.s32 v39, v28  }
0x18c: {  	v34 =	vmul.f32 v34, v37;
	v26 =	vsub.f32 $1.500000000e+00, v26;
	v39 =	vmul.f32 v45, v30  }
0x18d: {  	v41 =	vsub.f32 $1.500000000e+00, v41;
	v43 =	vmul.f32 v46, v32;
	v38 =	vsub.f32 $1.500000000e+00, v38  }
0x18e: {  	s25 =	sadd.s32 $0x80, s25;
	v34 =	vsub.f32 $1.500000000e+00, v34;
	v26 =	vmul.f32 v26, v31;
	v31 =	vsub.f32 $1.500000000e+00, v42  }
0x18f: {  	v33 =	vmul.f32 v38, v33;
	v38 =	vsub.f32 $1.500000000e+00, v39;
	v39 =	vsub.f32 $1.500000000e+00, v43;
	[tilespmem:s25+$0x30] =	vst v28  }
0x190: {  	v35 =	vmul.f32 v41, v35;
	v31 =	vmul.f32 v31, v36;
	v36 =	vsel vm0, $0xFFFFFFFF, v5;
	v28 =	vld.idx.msk [tilespmem:v28+s9+$0x0], $0xffff  }
0x191: {  	v34 =	vmul.f32 v34, v37;
	v37 =	vsel vm4, $0xFFFFFFFF, v5;
	v30 =	vmul.f32 v38, v30  }
0x192: {  	v26 =	vmul.f32 v27, v26;
	v27 =	vmul.f32 v39, v32;
	v32 =	vsel vm5, $0xFFFFFFFF, v5  }
0x193: {  	v21 =	vmul.f32 v21, v35;
	v20 =	vmul.f32 v20, v33;
	v33 =	vsel vm6, $0xFFFFFFFF, v5  }
0x194: {  	v19 =	vadd.s32 v29, v19;
	v24 =	vmul.f32 v24, v34;
	v22 =	vmul.f32 v22, v31  }
0x195: {  	s23 =	sadd.s32 $0x80, s23;
	v23 =	vmul.f32 v23, v30;
	v25 =	vmul.f32 v25, v27;
	v27 =	vadd.s32 v40, v17;
	[tilespmem:s26+$0xFFFFFFC0] =	vst v19  }
0x196: {  	s24 =	sadd.s32 $0x80, s24;
	v17 =	vtrunc.f32 v26;
	v20 =	vtrunc.f32 v20;
	v26 =	vadd.s32 v44, v18;
	[tilespmem:s23+$0x0] =	vst v28  }
0x197: {  	v18 =	vtrunc.f32 v21;
	v21 =	vtrunc.f32 v22;
	v22 =	vadd.s32 v36, v16;
	[tilespmem:s24+$0x30] =	vst v28  }
0x198: {  	v29 =	vadd.s32 v37, v14;
	v24 =	vtrunc.f32 v24;
	v23 =	vtrunc.f32 v23;
	[tilespmem:s26+$0xFFFFFFD0] =	vst v27  }
0x199: {  	v35 =	vadd.s32 v32, v15;
	v14 =	vcvt.f32.s32 v17;
	v28 =	vtrunc.f32 v25;
	v34 =	vld.idx.msk [tilespmem:v19+s9+$0x0], $0xffff;
	[tilespmem:s26+$0xFFFFFFE0] =	vst v26  }
0x19a: {  	v33 =	vadd.s32 v33, v13;
	v17 =	vcvt.f32.s32 v20;
	v15 =	vcvt.f32.s32 v18;
	v18 =	vld.idx.msk [tilespmem:v27+s9+$0x0], $0xffff;
	[tilespmem:s26+$0xFFFFFFF0] =	vst v22  }
0x19b: {  	v16 =	vcvt.f32.s32 v21;
	v25 =	vcvt.f32.s32 v24;
	v19 =	vadd.s32 $0x1, v14;
	v26 =	vld.idx.msk [tilespmem:v26+s9+$0x0], $0xffff;
	[tilespmem:s26+$0x0] =	vst v29  }
0x19c: {  	v13 =	vcvt.f32.s32 v23;
	v24 =	vcvt.f32.s32 v28;
	v27 =	vadd.s32 $0x1, v17;
	v22 =	vld.idx.msk [tilespmem:v22+s9+$0x0], $0xffff;
	[tilespmem:s26+$0x10] =	vst v35  }
0x19d: {  	v31 =	vadd.s32 $0x1, v15;
	v32 =	vadd.s32 $0x1, v16;
	v28 =	vadd.s32 $0x1, v25;
	v20 =	vld.idx.msk [tilespmem:v29+s9+$0x0], $0xffff;
	[tilespmem:s26+$0x20] =	vst v33;
	s26 =	smov.u32 s25  }
.Ltmp8:
0x19e: {  	v36 =	vmul.u32 v19, v19;
	v30 =	vadd.s32 $0x1, v24;
	v29 =	vadd.s32 $0x1, v13;
	v21 =	vld.idx.msk [tilespmem:v35+s9+$0x0], $0xffff;
	(pc) =	sbr.rel @p2 .LBB2_8-.Ltmp8, $4  }
0x19f: {  	v37 =	vmul.u32 v31, v31;
	v38 =	vmul.u32 v32, v32;
	v35 =	vmul.u32 v27, v27;
	v23 =	vld.idx.msk [tilespmem:v33+s9+$0x0], $0xffff  }
0x1a0: {  	v39 =	vmul.u32 v28, v28;
	v40 =	vmul.u32 v29, v29;
	v33 =	vmul.u32 v30, v30;
	[tilespmem:s22+$0xFFFFFF90] =	vst v34  }
0x1a1: {  	vm1 =	vgt.s32 v37, v11;
	vm5 =	vgt.s32 v36, v12;
	vm4 =	vgt.s32 v35, v10;
	[tilespmem:s21+$0xFFFFFFC0] =	vst v34  }
0x1a2: {  	s29 =	sadd.s32 $0x80, s29;
	vm3 =	vgt.s32 v38, v9;
	vm2 =	vgt.s32 v39, v8;
	vm0 =	vgt.s32 v40, v7;
	[tilespmem:s22+$0xFFFFFFA0] =	vst v18  }
0x1a3: {  	[tilespmem:s21+$0xFFFFFFD0] =	vst v18  }
0x1a4: {  	[tilespmem:s22+$0xFFFFFFB0] =	vst v26  }
0x1a5: {  	[tilespmem:s22+$0xFFFFFFC0] =	vst v22  }
0x1a6: {  	v14 =	vsel vm5, v14, v19;
	[tilespmem:s22+$0xFFFFFFD0] =	vst v20  }
0x1a7: {  	v17 =	vsel vm4, v17, v27;
	vm15 =	vgt.s32 v33, v6;
	[tilespmem:s22+$0xFFFFFFE0] =	vst v21;
	v56 =	vmul.u32 v14, v14  }
0x1a8: {  	v15 =	vsel vm1, v15, v31;
	v16 =	vsel vm3, v16, v32;
	[tilespmem:s21+$0xFFFFFFE0] =	vst v26;
	v58 =	vmul.u32 v17, v17  }
0x1a9: {  	v57 =	vsel vm2, v25, v28;
	[tilespmem:s21+$0xFFFFFFF0] =	vst v22;
	v59 =	vmul.u32 v15, v15;
	vm7 =	vgt.s32 v56, v12  }
0x1aa: {  	[tilespmem:s21+$0x0] =	vst v20;
	v60 =	vmul.u32 v57, v57;
	vm8 =	vgt.s32 v58, v10;
	v18 =	vsel vm7, $0xFFFFFFFF, v5  }
0x1ab: {  	[tilespmem:s21+$0x10] =	vst v21;
	v12 =	vsel vm0, v13, v29;
	v61 =	vsel vm8, $0xFFFFFFFF, v5;
	v10 =	vadd.s32 v18, v14  }
0x1ac: {  	[tilespmem:s22+$0xFFFFFFF0] =	vst v23;
	vm9 =	vgt.s32 v59, v11;
	v62 =	vmul.u32 v12, v12;
	v11 =	vadd.s32 v61, v17  }
0x1ad: {  	[tilespmem:s21+$0x20] =	vst v23;
	v13 =	vsel vm15, v24, v30;
	vm11 =	vgt.s32 v60, v8;
	v14 =	vmul.u32 v16, v16  }
0x1ae: {  	v63 =	vmul.u32 v13, v13;
	[tilespmem:s26+$0xFFFFFFC0] =	vst v10;
	vm12 =	vgt.s32 v62, v7;
	v7 =	vsel vm11, $0xFFFFFFFF, v5  }
0x1af: {  	[tilespmem:s26+$0xFFFFFFD0] =	vst v11;
	vm10 =	vgt.s32 v14, v9;
	v9 =	vsel vm9, $0xFFFFFFFF, v5;
	v7 =	vadd.s32 v7, v57  }
0x1b0: {  	vm13 =	vgt.s32 v63, v6;
	v6 =	vsel vm12, $0xFFFFFFFF, v5;
	v9 =	vadd.s32 v9, v15;
	[tilespmem:s26+$0x0] =	vst v7;
	v10 =	vld.idx.msk [tilespmem:v10+s9+$0x0], $0xffff  }
0x1b1: {  	v14 =	vsel vm13, $0xFFFFFFFF, v5;
	v6 =	vadd.s32 v6, v12;
	[tilespmem:s26+$0xFFFFFFE0] =	vst v9;
	v11 =	vld.idx.msk [tilespmem:v11+s9+$0x0], $0xffff  }
0x1b2: {  	v8 =	vsel vm10, $0xFFFFFFFF, v5;
	v12 =	vadd.s32 v14, v13;
	[tilespmem:s26+$0x10] =	vst v6  }
0x1b3: {  	v8 =	vadd.s32 v8, v16;
	[tilespmem:s26+$0x20] =	vst v12  }
0x1b4: {  	[tilespmem:s26+$0xFFFFFFF0] =	vst v8;
	v7 =	vld.idx.msk [tilespmem:v7+s9+$0x0], $0xffff  }
0x1b5: {  	v9 =	vld.idx.msk [tilespmem:v9+s9+$0x0], $0xffff;
	[tilespmem:s23+$0xFFFFFF90] =	vst v10  }
0x1b6: {  	[tilespmem:s23+$0xFFFFFFA0] =	vst v11  }
0x1b7: {  	[tilespmem:s24+$0xFFFFFFC0] =	vst v10  }
0x1b8: {  	v6 =	vld.idx.msk [tilespmem:v6+s9+$0x0], $0xffff;
	[tilespmem:s24+$0xFFFFFFD0] =	vst v11  }
0x1b9: {  	v8 =	vld.idx.msk [tilespmem:v8+s9+$0x0], $0xffff;
	[tilespmem:s23+$0xFFFFFFD0] =	vst v7  }
0x1ba: {  	[tilespmem:s23+$0xFFFFFFB0] =	vst v9  }
0x1bb: {  	[tilespmem:s24+$0x0] =	vst v7  }
0x1bc: {  	[tilespmem:s24+$0xFFFFFFE0] =	vst v9;
	v9 =	vld.idx.msk [tilespmem:v12+s9+$0x0], $0xffff  }
0x1bd: {  	[tilespmem:s23+$0xFFFFFFE0] =	vst v6  }
0x1be: {  	[tilespmem:s23+$0xFFFFFFC0] =	vst v8  }
0x1bf: {  	[tilespmem:s24+$0x10] =	vst v6  }
0x1c0: {  	[tilespmem:s24+$0xFFFFFFF0] =	vst v8  }
0x1c1: {  	[tilespmem:s23+$0xFFFFFFF0] =	vst v9  }
0x1c2: {  	[tilespmem:s24+$0x20] =	vst v9  }
0x1c3: {  	v6 =	vld [tilespmem:$0x2000];
	_ =	sdelay $0x4  }
0x1c4: {  	v6 =	vadd.s32 v0, v6  }
0x1c5: {  	v7 =	vcvt.s32.f32 v6;
	_ =	sdelay $0x1  }
0x1c6: {  	v8 =	vshra.s32 v7, $0x1;
	v9 =	vmul.f32 $5.000000000e-01, v7  }
0x1c7: {  	v8 =	vsub.s32 $0x5F3759DF, v8  }
0x1c8: {  	v10 =	vmul.f32 v8, v9;
	_ =	sdelay $0x1  }
0x1c9: {  	v10 =	vmul.f32 v8, v10;
	_ =	sdelay $0x1  }
0x1ca: {  	v10 =	vsub.f32 $1.500000000e+00, v10;
	_ =	sdelay $0x1  }
0x1cb: {  	v8 =	vmul.f32 v8, v10;
	_ =	sdelay $0x1  }
0x1cc: {  	v9 =	vmul.f32 v8, v9;
	_ =	sdelay $0x1  }
0x1cd: {  	v9 =	vmul.f32 v9, v8;
	_ =	sdelay $0x1  }
0x1ce: {  	v9 =	vsub.f32 $1.500000000e+00, v9;
	_ =	sdelay $0x1  }
0x1cf: {  	v8 =	vmul.f32 v9, v8;
	_ =	sdelay $0x1  }
0x1d0: {  	v7 =	vmul.f32 v7, v8;
	_ =	sdelay $0x1  }
0x1d1: {  	v7 =	vtrunc.f32 v7  }
0x1d2: {  	v7 =	vcvt.f32.s32 v7;
	_ =	sdelay $0x1  }
0x1d3: {  	v8 =	vadd.s32 $0x1, v7  }
0x1d4: {  	v9 =	vmul.u32 v8, v8;
	_ =	sdelay $0x1  }
0x1d5: {  	vm14 =	vgt.s32 v9, v6  }
0x1d6: {  	v7 =	vsel vm14, v7, v8  }
0x1d7: {  	v8 =	vmul.u32 v7, v7;
	_ =	sdelay $0x1  }
0x1d8: {  	vm15 =	vgt.s32 v8, v6  }
0x1d9: {  	v6 =	vsel vm15, $0xFFFFFFFF, v5  }
0x1da: {  	v6 =	vadd.s32 v6, v7;
	_ =	sdelay $0x3  }
0x1db: {  	[tilespmem:$0x2880] =	vst v6  }
0x1dc: {  	v6 =	vld.idx.msk [tilespmem:v6+s9+$0x0], $0xffff;
	_ =	sdelay $0x4  }
0x1dd: {  	s31 =	simm.s32 $0x30F1;
	[tilespmem:$0x3100] =	vst v6  }
0x1de: {  	v10 =	vld [tilespmem:s31+$0xFFFFFF90]  }
0x1df: {  	v11 =	vld [tilespmem:s31+$0xFFFFFFF0]  }
0x1e0: {  	v6 =	vmul.u32 $0xFFFFFFFF, v1;
	v13 =	vld [tilespmem:s31+$0xFFFFFFE0]  }
0x1e1: {  	v9 =	vld [tilespmem:s31+$0xFFFFFFD0]  }
0x1e2: {  	v8 =	vld [tilespmem:s31+$0xFFFFFFC0];
	v6 =	vadd.s32 $0xF, v6  }
0x1e3: {  	v7 =	vld [tilespmem:s31+$0xFFFFFFB0];
	v14 =	vperm.xlane v10, v6  }
0x1e4: {  	s0 =	simm.s32 $0x31C0;
	v10 =	vld [tilespmem:s31+$0xFFFFFFA0];
	v12 =	vperm.xlane v11, v6  }
0x1e5: {  	s22 =	simm.s32 $0x3071;
	s21 =	simm.s32 $0x0;
	v11 =	vld [tilespmem:s31+$0x0];
	v13 =	vperm.xlane v13, v6;
	[tilespmem:s0+$0x30] =	vst v14  }
.LBB2_10:
0x1e6: {  	v14 =	vld [tilespmem:s22+$0xFFFFFF90];
	s21 =	sadd.s32 $0x80, s21;
	[tilespmem:s0+$0xFFFFFFD0] =	vst v12;
	v9 =	vperm.xlane v9, v6  }
0x1e7: {  	v12 =	vld [tilespmem:s22+$0xFFFFFFF0];
	p2 =	slt.u32 s21, $0x780;
	[tilespmem:s0+$0xFFFFFFE0] =	vst v13;
	v8 =	vperm.xlane v8, v6  }
0x1e8: {  	v13 =	vld [tilespmem:s22+$0xFFFFFFE0];
	[tilespmem:s0+$0xFFFFFFF0] =	vst v9;
	v7 =	vperm.xlane v7, v6  }
.Ltmp9:
0x1e9: {  	v9 =	vld [tilespmem:s22+$0xFFFFFFD0];
	[tilespmem:s0+$0x0] =	vst v8;
	v10 =	vperm.xlane v10, v6;
	(pc) =	sbr.rel @p2 .LBB2_10-.Ltmp9, $4  }
0x1ea: {  	v8 =	vld [tilespmem:s22+$0xFFFFFFC0];
	v11 =	vperm.xlane v11, v6;
	[tilespmem:s0+$0x10] =	vst v7  }
0x1eb: {  	v7 =	vld [tilespmem:s22+$0xFFFFFFB0];
	v14 =	vperm.xlane v14, v6;
	[tilespmem:s0+$0x20] =	vst v10  }
0x1ec: {  	v12 =	vperm.xlane v12, v6;
	v10 =	vld [tilespmem:s22+$0xFFFFFFA0];
	[tilespmem:s0+$0xFFFFFFC0] =	vst v11;
	s0 =	sadd.s32 $0x80, s0  }
0x1ed: {  	v11 =	vld [tilespmem:s22+$0x0];
	v13 =	vperm.xlane v13, v6;
	[tilespmem:s0+$0x30] =	vst v14;
	s22 =	sadd.s32 $0xFFFFFF80, s22  }
0x1ee: {  	[tilespmem:s0+$0xFFFFFFD0] =	vst v12;
	v9 =	vperm.xlane v9, v6  }
0x1ef: {  	[tilespmem:s0+$0xFFFFFFE0] =	vst v13;
	v8 =	vperm.xlane v8, v6  }
0x1f0: {  	[tilespmem:s0+$0xFFFFFFF0] =	vst v9;
	v7 =	vperm.xlane v7, v6  }
0x1f1: {  	[tilespmem:s0+$0x0] =	vst v8;
	v63 =	vperm.xlane v10, v6  }
0x1f2: {  	v6 =	vperm.xlane v11, v6;
	[tilespmem:s0+$0x10] =	vst v7  }
0x1f3: {  	[tilespmem:s0+$0x20] =	vst v63  }
0x1f4: {  	[tilespmem:s0+$0xFFFFFFC0] =	vst v6  }
.LBB2_17:
0x1f5: {  	s0 =	sshll.u32 s18, $0x6  }
0x1f6: {  	s21 =	sshll.u32 s20, $0x9;
	s0 =	sand.u32 $0x40, s0  }
0x1f7: {  	s21 =	sand.u32 $0xFFFF000, s21;
	s0 =	sadd.s32 s5, s0  }
0x1f8: {  	p2 =	seq.s32 s20, $0x0;
	s0 =	sadd.s32 s21, s0  }
0x1f9: {  	[hbm4b:s0+s10] =	stream.strided.scatter [tilespmem:s12], [sflag:$0x1], $0x1000, s11, s10, $0x38;
	[tilespmem:$0x7180] =	vst v63  }
0x1fa: {  	s0 =	ssub.s32 @!p2 $0x1000, s20  }
0x1fb: {  	s20 =	sshll.u32 @!p2 s0, $0x4  }
0x1fc: {  	s0 =	sshll.u32 @!p2 s0, $0x9;
	s20 =	sand.u32 @!p2 $0x40, s20  }
0x1fd: {  	s22 =	simm.s32 @!p2 $0x3180;
	s0 =	sand.u32 @!p2 $0x3FF000, s0;
	s20 =	sadd.s32 @!p2 s5, s20  }
0x1fe: {  	s21 =	simm.s32 @!p2 $0x400;
	s0 =	sadd.s32 @!p2 s0, s20;
	s20 =	simm.s32 @!p2 $0x80  }
0x1ff: {  	[hbm4b:s0+s20] =	stream.strided.scatter @!p2 [tilespmem:s22], [sflag:$0x1], $0x1000, s21, s20, $0x38;
	[tilespmem:$0x7180] =	vst v63  }
0x200: {  	s21 =	sor.u32 $0x1, s19  }
0x201: {  	s0 =	simm.s32 @!p1 $0x1;
	s20 =	sor.u32 s4, s21  }
0x202: {  	_ =	swait.ge @!p1 [sflag:s0], $0x1000;
	p2 =	slt.u32 @!p1 s20, $0x5  }
0x203: {  	[sflag:s0] =	ssyncset.done @!p1 $0x0;
	p2 =	por p2, p1  }
0x204: {  	[sflag:s0] =	ssyncadd.s32 @!p1 $0xFFFFF000;
	s0 =	simm.s32 @!p2 $0x1  }
0x205: {  	_ =	swait.ge @!p2 [sflag:s0], $0x1000  }
0x206: {  	[sflag:s0] =	ssyncset.done @!p2 $0x0  }
0x207: {  	s24 =	simm.s32 $0x1840;
	[sflag:s0] =	ssyncadd.s32 @!p2 $0xFFFFF000  }
0x208: {  	v7 =	vld [tilespmem:s24+$0xFFFFFFF0]  }
0x209: {  	v8 =	vld [tilespmem:s24+$0x20]  }
0x20a: {  	s23 =	simm.s32 $0x20C0;
	v9 =	vld [tilespmem:s24+$0x30]  }
0x20b: {  	v10 =	vld [tilespmem:s23+$0x20]  }
0x20c: {  	v11 =	vld [tilespmem:s23+$0x30]  }
0x20d: {  	v12 =	vld [tilespmem:s23+$0xFFFFFFD0]  }
0x20e: {  	v13 =	vld [tilespmem:s23+$0xFFFFFFE0]  }
0x20f: {  	v14 =	vld [tilespmem:s24+$0xFFFFFFE0]  }
0x210: {  	v15 =	vld [tilespmem:s24+$0xFFFFFFD0]  }
0x211: {  	s25 =	sor.u32 $0xFFFFF800, s20;
	v16 =	vld [tilespmem:s23+$0xFFFFFFF0]  }
0x212: {  	s22 =	smul.u32 s25, s25;
	v17 =	vld [tilespmem:s23+$0xFFFFFFC0]  }
0x213: {  	v20 =	vld [tilespmem:s24+$0xFFFFFFC0]  }
0x214: {  	v6 =	vmov s22;
	s22 =	simm.s32 $0x2140;
	v21 =	vld [tilespmem:s23+$0x0]  }
0x215: {  	v25 =	vld [tilespmem:s22+$0x20];
	v18 =	vmul.u32 v10, v10;
	v19 =	vmul.u32 v11, v11;
	v9 =	vadd.s32 v6, v9  }
0x216: {  	s26 =	simm.s32 $0x18C0;
	v27 =	vld [tilespmem:s22+$0x30];
	v7 =	vadd.s32 v6, v7;
	v8 =	vadd.s32 v6, v8;
	v22 =	vmul.u32 v12, v12  }
0x217: {  	v29 =	vld [tilespmem:s26+$0xFFFFFFC0];
	v15 =	vadd.s32 v6, v15;
	v24 =	vmul.u32 v16, v16;
	vm1 =	vgt.s32 v19, v9  }
0x218: {  	v23 =	vmul.u32 v13, v13;
	vm0 =	vgt.s32 v18, v8;
	v8 =	vld [tilespmem:s24+$0x0];
	v19 =	vsel vm1, $0xFFFFFFFF, v5  }
0x219: {  	v18 =	vld [tilespmem:s24+$0x10];
	vm8 =	vgt.s32 v24, v7;
	v9 =	vsel vm0, $0xFFFFFFFF, v5;
	v11 =	vadd.s32 v19, v11  }
0x21a: {  	vm6 =	vgt.s32 v22, v15;
	v22 =	vsel vm8, $0xFFFFFFFF, v5;
	v19 =	vld [tilespmem:s23+$0x10];
	v9 =	vadd.s32 v9, v10  }
0x21b: {  	v14 =	vadd.s32 v6, v14;
	v15 =	vld [tilespmem:s26+$0xFFFFFFF0];
	v16 =	vadd.s32 v22, v16  }
0x21c: {  	vm7 =	vgt.s32 v23, v14;
	v14 =	vld [tilespmem:s26+$0x20];
	v7 =	vadd.s32 v6, v20;
	v20 =	vmul.u32 v21, v21  }
0x21d: {  	v23 =	vld [tilespmem:s26+$0x30];
	v24 =	vmul.u32 v17, v17;
	v10 =	vsel vm6, $0xFFFFFFFF, v5;
	[tilespmem:s23+$0x30] =	vst v11;
	v8 =	vadd.s32 v6, v8  }
0x21e: {  	[tilespmem:s23+$0x20] =	vst v9;
	v26 =	vadd.s32 v10, v12;
	vm9 =	vgt.s32 v20, v8;
	v20 =	vld.idx.msk [tilespmem:v11+s9+$0x0], $0xffff  }
0x21f: {  	v22 =	vsel vm7, $0xFFFFFFFF, v5;
	[tilespmem:s23+$0xFFFFFFF0] =	vst v16;
	v8 =	vmul.u32 v19, v19;
	v11 =	vadd.s32 v6, v18;
	v18 =	vld.idx.msk [tilespmem:v9+s9+$0x0], $0xffff  }
0x220: {  	vm10 =	vgt.s32 v24, v7;
	[tilespmem:s23+$0xFFFFFFD0] =	vst v26;
	v10 =	vsel vm9, $0xFFFFFFFF, v5;
	v9 =	vadd.s32 v22, v13;
	v16 =	vld.idx.msk [tilespmem:v16+s9+$0x0], $0xffff  }
0x221: {  	v7 =	vadd.s32 v10, v21;
	v10 =	vld [tilespmem:s22+$0xFFFFFFD0];
	[tilespmem:s23+$0xFFFFFFE0] =	vst v9;
	vm11 =	vgt.s32 v8, v11;
	v8 =	vsel vm10, $0xFFFFFFFF, v5  }
0x222: {  	v21 =	vld [tilespmem:s26+$0xFFFFFFD0];
	[tilespmem:s23+$0x0] =	vst v7;
	v11 =	vsel vm11, $0xFFFFFFFF, v5;
	v12 =	vadd.s32 v8, v17  }
0x223: {  	v22 =	vmul.u32 v25, v25;
	v8 =	vld [tilespmem:s22+$0xFFFFFFE0];
	v13 =	vadd.s32 v11, v19;
	[tilespmem:s23+$0xFFFFFFC0] =	vst v12  }
0x224: {  	s24 =	simm.s32 $0x49F0;
	v14 =	vadd.s32 v6, v14;
	v19 =	vld [tilespmem:s26+$0xFFFFFFE0];
	[tilespmem:s23+$0x10] =	vst v13  }
0x225: {  	vm12 =	vgt.s32 v22, v14;
	v9 =	vld.idx.msk [tilespmem:v9+s9+$0x0], $0xffff;
	[tilespmem:s24+$0x0] =	vst v20  }
0x226: {  	v14 =	vsel vm12, $0xFFFFFFFF, v5;
	[tilespmem:s24+$0xFFFFFFF0] =	vst v18;
	v11 =	vld.idx.msk [tilespmem:v7+s9+$0x0], $0xffff  }
0x227: {  	v14 =	vadd.s32 v14, v25;
	[tilespmem:s24+$0xFFFFFFC0] =	vst v16;
	v7 =	vld.idx.msk [tilespmem:v12+s9+$0x0], $0xffff  }
0x228: {  	s23 =	simm.s32 $0x2940;
	[tilespmem:s22+$0x20] =	vst v14;
	v12 =	vld [tilespmem:s22+$0xFFFFFFF0]  }
0x229: {  	[tilespmem:s23+$0x30] =	vst v20;
	v28 =	vld.idx.msk [tilespmem:v13+s9+$0x0], $0xffff  }
0x22a: {  	v20 =	vadd.s32 v6, v23;
	v23 =	vmul.u32 v27, v27;
	[tilespmem:s23+$0x20] =	vst v18;
	v13 =	vld [tilespmem:s22+$0xFFFFFFC0]  }
0x22b: {  	v17 =	vadd.s32 v6, v15;
	v15 =	vld [tilespmem:s22+$0x0];
	v25 =	vadd.s32 v6, v29;
	v24 =	vmul.u32 v10, v10;
	[tilespmem:s23+$0xFFFFFFF0] =	vst v16  }
0x22c: {  	v18 =	vadd.s32 v6, v21;
	v21 =	vld [tilespmem:s26+$0x0];
	vm13 =	vgt.s32 v23, v20;
	v20 =	vmul.u32 v8, v8;
	[tilespmem:s24+$0xFFFFFFB0] =	vst v9  }
0x22d: {  	s28 =	simm.s32 $0x80;
	v16 =	vld [tilespmem:s26+$0x10];
	vm14 =	vgt.s32 v24, v18;
	v19 =	vadd.s32 v6, v19;
	v18 =	vsel vm13, $0xFFFFFFFF, v5;
	[tilespmem:s24+$0xFFFFFFD0] =	vst v11  }
0x22e: {  	s29 =	simm.s32 $0x4A70;
	s30 =	simm.s32 $0x29C0;
	s31 =	simm.s32 $0x21C0;
	v24 =	vsel vm14, $0xFFFFFFFF, v5;
	vm15 =	vgt.s32 v20, v19;
	v19 =	vld.idx.msk [tilespmem:v26+s9+$0x0], $0xffff;
	v23 =	vmul.u32 v12, v12;
	[tilespmem:s24+$0xFFFFFFE0] =	vst v28  }
0x22f: {  	s25 =	simm.s32 $0x29C0;
	s0 =	simm.s32 $0x1940;
	s26 =	simm.s32 $0x4A70;
	v20 =	vadd.s32 v18, v27;
	v18 =	vld [tilespmem:s22+$0x10];
	v22 =	vsel vm15, $0xFFFFFFFF, v5;
	v26 =	vmul.u32 v13, v13;
	[tilespmem:s23+$0x10] =	vst v28  }
.LBB2_18:
0x230: {  	v27 =	vld [tilespmem:s0+$0xFFFFFFF0];
	s28 =	sadd.s32 $0x80, s28;
	v28 =	vadd.s32 v24, v10;
	vm0 =	vgt.s32 v23, v17;
	v10 =	vmul.u32 v15, v15;
	s29 =	sadd.s32 $0x80, s29;
	s30 =	sadd.s32 $0x80, s30;
	[tilespmem:s23+$0x0] =	vst v11  }
0x231: {  	v23 =	vld [tilespmem:s0+$0x20];
	p2 =	slt.u32 s28, $0x780;
	vm1 =	vgt.s32 v26, v25;
	v11 =	vsel vm0, $0xFFFFFFFF, v5;
	v17 =	vadd.s32 v6, v21;
	[tilespmem:s22+$0x30] =	vst v20  }
0x232: {  	v21 =	vld [tilespmem:s0+$0x30];
	v24 =	vsel vm1, $0xFFFFFFFF, v5;
	[tilespmem:s22+$0xFFFFFFD0] =	vst v28;
	vm0 =	vgt.s32 v10, v17  }
0x233: {  	v11 =	vadd.s32 v11, v12;
	v25 =	vld [tilespmem:s31+$0x20];
	v13 =	vadd.s32 v24, v13;
	v10 =	vsel vm0, $0xFFFFFFFF, v5;
	[tilespmem:s24+$0xFFFFFF90] =	vst v7  }
0x234: {  	v12 =	vadd.s32 v10, v15;
	v10 =	vmul.u32 v18, v18;
	v15 =	vld.idx.msk [tilespmem:v20+s9+$0x0], $0xffff;
	[tilespmem:s24+$0xFFFFFFA0] =	vst v19;
	s24 =	smov.u32 s26;
	s26 =	smov.u32 s29  }
0x235: {  	v17 =	vadd.s32 v22, v8;
	v8 =	vadd.s32 v6, v16;
	[tilespmem:s22+$0xFFFFFFC0] =	vst v13;
	v14 =	vld.idx.msk [tilespmem:v14+s9+$0x0], $0xffff  }
0x236: {  	v20 =	vld [tilespmem:s31+$0x30];
	vm0 =	vgt.s32 v10, v8;
	[tilespmem:s23+$0xFFFFFFD0] =	vst v19  }
0x237: {  	v10 =	vld [tilespmem:s31+$0xFFFFFFD0];
	[tilespmem:s22+$0xFFFFFFF0] =	vst v11;
	v8 =	vsel vm0, $0xFFFFFFFF, v5  }
0x238: {  	[tilespmem:s22+$0xFFFFFFE0] =	vst v17;
	v16 =	vld.idx.msk [tilespmem:v11+s9+$0x0], $0xffff;
	v18 =	vadd.s32 v8, v18  }
0x239: {  	v8 =	vld [tilespmem:s31+$0xFFFFFFE0];
	[tilespmem:s22+$0x0] =	vst v12  }
0x23a: {  	v19 =	vld [tilespmem:s0+$0xFFFFFFE0];
	[tilespmem:s23+$0xFFFFFFC0] =	vst v7  }
0x23b: {  	v11 =	vld.idx.msk [tilespmem:v12+s9+$0x0], $0xffff;
	[tilespmem:s22+$0x10] =	vst v18;
	s22 =	smov.u32 s31  }
0x23c: {  	v22 =	vld.idx.msk [tilespmem:v17+s9+$0x0], $0xffff;
	[tilespmem:s24+$0x0] =	vst v15  }
0x23d: {  	v29 =	vld.idx.msk [tilespmem:v18+s9+$0x0], $0xffff;
	[tilespmem:s23+$0xFFFFFFE0] =	vst v9;
	s23 =	smov.u32 s25;
	s25 =	smov.u32 s30  }
0x23e: {  	v7 =	vld.idx.msk [tilespmem:v13+s9+$0x0], $0xffff;
	[tilespmem:s24+$0xFFFFFFF0] =	vst v14  }
0x23f: {  	v9 =	vadd.s32 v6, v21;
	v18 =	vld [tilespmem:s0+$0xFFFFFFD0];
	[tilespmem:s24+$0xFFFFFFC0] =	vst v16  }
0x240: {  	v17 =	vadd.s32 v6, v27;
	v21 =	vadd.s32 v6, v23;
	v23 =	vmul.u32 v25, v25;
	v12 =	vld [tilespmem:s31+$0xFFFFFFF0];
	[tilespmem:s23+$0x30] =	vst v15  }
0x241: {  	v24 =	vmul.u32 v20, v20;
	v13 =	vld [tilespmem:s31+$0xFFFFFFC0];
	[tilespmem:s24+$0xFFFFFFD0] =	vst v11  }
0x242: {  	v27 =	vmul.u32 v10, v10;
	v19 =	vadd.s32 v6, v19;
	vm0 =	vgt.s32 v23, v21;
	v26 =	vld [tilespmem:s0+$0xFFFFFFC0];
	[tilespmem:s24+$0xFFFFFFB0] =	vst v22  }
.Ltmp10:
0x243: {  	v23 =	vsel vm0, $0xFFFFFFFF, v5;
	vm0 =	vgt.s32 v24, v9;
	v9 =	vmov v22;
	v15 =	vld [tilespmem:s31+$0x0];
	[tilespmem:s23+$0x20] =	vst v14;
	(pc) =	sbr.rel @p2 .LBB2_18-.Ltmp10, $4  }
0x244: {  	v22 =	vmul.u32 v8, v8;
	v14 =	vadd.s32 v23, v25;
	v18 =	vadd.s32 v6, v18;
	v21 =	vld [tilespmem:s0+$0x0];
	[tilespmem:s23+$0xFFFFFFF0] =	vst v16  }
0x245: {  	vm1 =	vgt.s32 v27, v18;
	v23 =	vmul.u32 v12, v12;
	v16 =	vld [tilespmem:s0+$0x10];
	v18 =	vsel vm0, $0xFFFFFFFF, v5;
	[tilespmem:s24+$0xFFFFFFE0] =	vst v29  }
0x246: {  	vm0 =	vgt.s32 v22, v19;
	v24 =	vsel vm1, $0xFFFFFFFF, v5;
	[tilespmem:s31+$0x20] =	vst v14;
	v20 =	vadd.s32 v18, v20;
	v19 =	vld.idx.msk [tilespmem:v28+s9+$0x0], $0xffff  }
0x247: {  	s0 =	sadd.s32 $0x80, s0;
	v22 =	vsel vm0, $0xFFFFFFFF, v5;
	s31 =	sadd.s32 $0x80, s31;
	v25 =	vadd.s32 v6, v26;
	v26 =	vmul.u32 v13, v13;
	v18 =	vld [tilespmem:s22+$0x10];
	[tilespmem:s23+$0x10] =	vst v29  }
0x248: {  	[tilespmem:s23+$0x0] =	vst v11  }
0x249: {  	[tilespmem:s22+$0x30] =	vst v20  }
0x24a: {  	[tilespmem:s24+$0xFFFFFF90] =	vst v7  }
0x24b: {  	v10 =	vadd.s32 v24, v10;
	[tilespmem:s23+$0xFFFFFFE0] =	vst v9  }
0x24c: {  	v8 =	vadd.s32 v22, v8;
	[tilespmem:s22+$0xFFFFFFD0] =	vst v10  }
0x24d: {  	vm1 =	vgt.s32 v23, v17;
	[tilespmem:s22+$0xFFFFFFE0] =	vst v8  }
0x24e: {  	v11 =	vmul.u32 v15, v15;
	vm0 =	vgt.s32 v26, v25;
	v23 =	vsel vm1, $0xFFFFFFFF, v5;
	[tilespmem:s23+$0xFFFFFFC0] =	vst v7  }
0x24f: {  	v14 =	vld.idx.msk [tilespmem:v14+s9+$0x0], $0xffff;
	v61 =	vadd.s32 v6, v21;
	v62 =	vsel vm0, $0xFFFFFFFF, v5;
	v12 =	vadd.s32 v23, v12;
	[tilespmem:s24+$0xFFFFFFA0] =	vst v19  }
0x250: {  	v63 =	vld.idx.msk [tilespmem:v20+s9+$0x0], $0xffff;
	vm13 =	vgt.s32 v11, v61;
	v11 =	vadd.s32 v62, v13;
	[tilespmem:s22+$0xFFFFFFF0] =	vst v12  }
0x251: {  	v13 =	vsel vm13, $0xFFFFFFFF, v5;
	[tilespmem:s22+$0xFFFFFFC0] =	vst v11  }
0x252: {  	v13 =	vadd.s32 v13, v15;
	[tilespmem:s23+$0xFFFFFFD0] =	vst v19  }
0x253: {  	v15 =	vmul.u32 v18, v18;
	[tilespmem:s22+$0x0] =	vst v13  }
0x254: {  	v16 =	vadd.s32 v6, v16;
	v8 =	vld.idx.msk [tilespmem:v8+s9+$0x0], $0xffff;
	[tilespmem:s26+$0xFFFFFFF0] =	vst v14  }
0x255: {  	v10 =	vld.idx.msk [tilespmem:v10+s9+$0x0], $0xffff;
	vm14 =	vgt.s32 v15, v16;
	[tilespmem:s26+$0x0] =	vst v63  }
0x256: {  	[tilespmem:s25+$0x20] =	vst v14;
	v15 =	vsel vm14, $0xFFFFFFFF, v5  }
0x257: {  	[tilespmem:s25+$0x30] =	vst v63;
	v15 =	vadd.s32 v15, v18  }
0x258: {  	v12 =	vld.idx.msk [tilespmem:v12+s9+$0x0], $0xffff;
	[tilespmem:s22+$0x10] =	vst v15  }
0x259: {  	[tilespmem:s26+$0xFFFFFFB0] =	vst v8  }
0x25a: {  	v11 =	vld.idx.msk [tilespmem:v11+s9+$0x0], $0xffff;
	[tilespmem:s26+$0xFFFFFFA0] =	vst v10  }
0x25b: {  	v7 =	vld.idx.msk [tilespmem:v13+s9+$0x0], $0xffff;
	[tilespmem:s25+$0xFFFFFFD0] =	vst v10  }
0x25c: {  	[tilespmem:s25+$0xFFFFFFE0] =	vst v8  }
0x25d: {  	[tilespmem:s26+$0xFFFFFFC0] =	vst v12  }
0x25e: {  	v9 =	vld.idx.msk [tilespmem:v15+s9+$0x0], $0xffff;
	[tilespmem:s25+$0xFFFFFFF0] =	vst v12  }
0x25f: {  	[tilespmem:s26+$0xFFFFFF90] =	vst v11  }
0x260: {  	[tilespmem:s26+$0xFFFFFFD0] =	vst v7  }
0x261: {  	[tilespmem:s25+$0xFFFFFFC0] =	vst v11  }
0x262: {  	[tilespmem:s25+$0x0] =	vst v7  }
0x263: {  	[tilespmem:s26+$0xFFFFFFE0] =	vst v9  }
0x264: {  	[tilespmem:s25+$0x10] =	vst v9  }
0x265: {  	v7 =	vld [tilespmem:$0x2880]  }
0x266: {  	v8 =	vld [tilespmem:$0x2000];
	_ =	sdelay $0x3  }
0x267: {  	v9 =	vmul.u32 v7, v7  }
0x268: {  	v6 =	vadd.s32 v6, v8  }
0x269: {  	vm15 =	vgt.s32 v9, v6  }
0x26a: {  	v6 =	vsel vm15, $0xFFFFFFFF, v5  }
0x26b: {  	v6 =	vadd.s32 v6, v7;
	_ =	sdelay $0x3  }
0x26c: {  	[tilespmem:$0x2880] =	vst v6  }
0x26d: {  	v6 =	vld.idx.msk [tilespmem:v6+s9+$0x0], $0xffff;
	_ =	sdelay $0x4  }
0x26e: {  	s31 =	simm.s32 $0x30F1;
	[tilespmem:$0x3100] =	vst v6  }
0x26f: {  	v10 =	vld [tilespmem:s31+$0xFFFFFF90]  }
0x270: {  	v11 =	vld [tilespmem:s31+$0xFFFFFFF0]  }
0x271: {  	v6 =	vmul.u32 $0xFFFFFFFF, v1;
	v13 =	vld [tilespmem:s31+$0xFFFFFFE0]  }
0x272: {  	v9 =	vld [tilespmem:s31+$0xFFFFFFD0]  }
0x273: {  	v8 =	vld [tilespmem:s31+$0xFFFFFFC0];
	v6 =	vadd.s32 $0xF, v6  }
0x274: {  	v7 =	vld [tilespmem:s31+$0xFFFFFFB0];
	v14 =	vperm.xlane v10, v6  }
0x275: {  	s0 =	simm.s32 $0x41F0;
	v10 =	vld [tilespmem:s31+$0xFFFFFFA0];
	v12 =	vperm.xlane v11, v6  }
0x276: {  	s23 =	simm.s32 $0x3071;
	s22 =	simm.s32 $0x0;
	v11 =	vld [tilespmem:s31+$0x0];
	v13 =	vperm.xlane v13, v6;
	[tilespmem:s0+$0x0] =	vst v14  }
.LBB2_20:
0x277: {  	v14 =	vld [tilespmem:s23+$0xFFFFFF90];
	s22 =	sadd.s32 $0x80, s22;
	[tilespmem:s0+$0xFFFFFFA0] =	vst v12;
	v9 =	vperm.xlane v9, v6  }
0x278: {  	v12 =	vld [tilespmem:s23+$0xFFFFFFF0];
	p2 =	slt.u32 s22, $0x780;
	[tilespmem:s0+$0xFFFFFFB0] =	vst v13;
	v8 =	vperm.xlane v8, v6  }
0x279: {  	v13 =	vld [tilespmem:s23+$0xFFFFFFE0];
	[tilespmem:s0+$0xFFFFFFC0] =	vst v9;
	v7 =	vperm.xlane v7, v6  }
.Ltmp11:
0x27a: {  	v9 =	vld [tilespmem:s23+$0xFFFFFFD0];
	[tilespmem:s0+$0xFFFFFFD0] =	vst v8;
	v10 =	vperm.xlane v10, v6;
	(pc) =	sbr.rel @p2 .LBB2_20-.Ltmp11, $4  }
0x27b: {  	v8 =	vld [tilespmem:s23+$0xFFFFFFC0];
	v11 =	vperm.xlane v11, v6;
	[tilespmem:s0+$0xFFFFFFE0] =	vst v7  }
0x27c: {  	v7 =	vld [tilespmem:s23+$0xFFFFFFB0];
	v14 =	vperm.xlane v14, v6;
	[tilespmem:s0+$0xFFFFFFF0] =	vst v10  }
0x27d: {  	v12 =	vperm.xlane v12, v6;
	v10 =	vld [tilespmem:s23+$0xFFFFFFA0];
	[tilespmem:s0+$0xFFFFFF90] =	vst v11;
	s0 =	sadd.s32 $0x80, s0  }
0x27e: {  	v11 =	vld [tilespmem:s23+$0x0];
	v13 =	vperm.xlane v13, v6;
	[tilespmem:s0+$0x0] =	vst v14;
	s23 =	sadd.s32 $0xFFFFFF80, s23  }
0x27f: {  	[tilespmem:s0+$0xFFFFFFA0] =	vst v12;
	v9 =	vperm.xlane v9, v6  }
0x280: {  	[tilespmem:s0+$0xFFFFFFB0] =	vst v13;
	v8 =	vperm.xlane v8, v6  }
0x281: {  	[tilespmem:s0+$0xFFFFFFC0] =	vst v9;
	v7 =	vperm.xlane v7, v6  }
0x282: {  	s21 =	sshll.u32 s21, $0x4;
	[tilespmem:s0+$0xFFFFFFD0] =	vst v8;
	v8 =	vperm.xlane v10, v6  }
0x283: {  	s22 =	sshll.u32 s20, $0x9;
	s23 =	ssub.s32 $0x1000, s20;
	s21 =	sand.u32 $0x50, s21;
	v9 =	vperm.xlane v11, v6;
	[tilespmem:s0+$0xFFFFFFE0] =	vst v7  }
0x284: {  	s22 =	sand.u32 $0xFFFF000, s22;
	s20 =	sshll.u32 s23, $0x4;
	s21 =	sadd.s32 s5, s21;
	[tilespmem:s0+$0xFFFFFFF0] =	vst v8  }
0x285: {  	s20 =	sand.u32 $0x70, s20;
	s22 =	sadd.s32 s22, s21;
	[tilespmem:s0+$0xFFFFFF90] =	vst v9;
	s0 =	sshll.u32 s23, $0x9  }
0x286: {  	[hbm4b:s22+s10] =	stream.strided.scatter [tilespmem:s13], [sflag:$0x1], $0x1000, s11, s10, $0x38;
	[tilespmem:$0x7180] =	vst v63  }
0x287: {  	s20 =	sadd.s32 s5, s20;
	s0 =	sand.u32 $0x1FF000, s0  }
0x288: {  	s21 =	sor.u32 $0x2, s19;
	s0 =	sadd.s32 s0, s20  }
0x289: {  	[hbm4b:s0+s10] =	stream.strided.scatter [tilespmem:s13], [sflag:$0x1], $0x1000, s11, s10, $0x38;
	[tilespmem:$0x7180] =	vst v63  }
0x28a: {  	s20 =	sor.u32 s4, s21;
	s0 =	simm.s32 @!p1 $0x1  }
0x28b: {  	p2 =	slt.u32 @!p1 s20, $0x5;
	_ =	swait.ge @!p1 [sflag:s0], $0x1000  }
0x28c: {  	p2 =	por p2, p1;
	[sflag:s0] =	ssyncset.done @!p1 $0x0  }
0x28d: {  	[sflag:s0] =	ssyncadd.s32 @!p1 $0xFFFFF000;
	s0 =	simm.s32 @!p2 $0x1  }
0x28e: {  	_ =	swait.ge @!p2 [sflag:s0], $0x1000  }
0x28f: {  	[sflag:s0] =	ssyncset.done @!p2 $0x0  }
0x290: {  	s24 =	simm.s32 $0x1840;
	[sflag:s0] =	ssyncadd.s32 @!p2 $0xFFFFF000  }
0x291: {  	v8 =	vld [tilespmem:s24+$0xFFFFFFF0]  }
0x292: {  	v9 =	vld [tilespmem:s24+$0x20]  }
0x293: {  	s23 =	simm.s32 $0x20C0;
	v10 =	vld [tilespmem:s24+$0x30]  }
0x294: {  	v11 =	vld [tilespmem:s23+$0x20]  }
0x295: {  	v12 =	vld [tilespmem:s23+$0x30]  }
0x296: {  	v13 =	vld [tilespmem:s23+$0xFFFFFFD0]  }
0x297: {  	v14 =	vld [tilespmem:s23+$0xFFFFFFE0]  }
0x298: {  	v15 =	vld [tilespmem:s24+$0xFFFFFFE0]  }
0x299: {  	v16 =	vld [tilespmem:s24+$0xFFFFFFD0]  }
0x29a: {  	s25 =	sor.u32 $0xFFFFF800, s20;
	v17 =	vld [tilespmem:s23+$0xFFFFFFF0]  }
0x29b: {  	s22 =	smul.u32 s25, s25;
	v18 =	vld [tilespmem:s23+$0xFFFFFFC0]  }
0x29c: {  	v21 =	vld [tilespmem:s24+$0xFFFFFFC0]  }
0x29d: {  	v7 =	vmov s22;
	s22 =	simm.s32 $0x2140;
	v22 =	vld [tilespmem:s23+$0x0]  }
0x29e: {  	v26 =	vld [tilespmem:s22+$0x20];
	v19 =	vmul.u32 v11, v11;
	v20 =	vmul.u32 v12, v12;
	v10 =	vadd.s32 v7, v10  }
0x29f: {  	s26 =	simm.s32 $0x18C0;
	v28 =	vld [tilespmem:s22+$0x30];
	v8 =	vadd.s32 v7, v8;
	v9 =	vadd.s32 v7, v9;
	v23 =	vmul.u32 v13, v13  }
0x2a0: {  	v30 =	vld [tilespmem:s26+$0xFFFFFFC0];
	v16 =	vadd.s32 v7, v16;
	v25 =	vmul.u32 v17, v17;
	vm1 =	vgt.s32 v20, v10  }
0x2a1: {  	v24 =	vmul.u32 v14, v14;
	vm0 =	vgt.s32 v19, v9;
	v9 =	vld [tilespmem:s24+$0x0];
	v20 =	vsel vm1, $0xFFFFFFFF, v5  }
0x2a2: {  	v19 =	vld [tilespmem:s24+$0x10];
	vm8 =	vgt.s32 v25, v8;
	v10 =	vsel vm0, $0xFFFFFFFF, v5;
	v12 =	vadd.s32 v20, v12  }
0x2a3: {  	vm6 =	vgt.s32 v23, v16;
	v23 =	vsel vm8, $0xFFFFFFFF, v5;
	v20 =	vld [tilespmem:s23+$0x10];
	v10 =	vadd.s32 v10, v11  }
0x2a4: {  	v15 =	vadd.s32 v7, v15;
	v16 =	vld [tilespmem:s26+$0xFFFFFFF0];
	v17 =	vadd.s32 v23, v17  }
0x2a5: {  	vm7 =	vgt.s32 v24, v15;
	v15 =	vld [tilespmem:s26+$0x20];
	v8 =	vadd.s32 v7, v21;
	v21 =	vmul.u32 v22, v22  }
0x2a6: {  	v24 =	vld [tilespmem:s26+$0x30];
	v25 =	vmul.u32 v18, v18;
	v11 =	vsel vm6, $0xFFFFFFFF, v5;
	[tilespmem:s23+$0x30] =	vst v12;
	v9 =	vadd.s32 v7, v9  }
0x2a7: {  	[tilespmem:s23+$0x20] =	vst v10;
	v27 =	vadd.s32 v11, v13;
	vm9 =	vgt.s32 v21, v9;
	v21 =	vld.idx.msk [tilespmem:v12+s9+$0x0], $0xffff  }
0x2a8: {  	v23 =	vsel vm7, $0xFFFFFFFF, v5;
	[tilespmem:s23+$0xFFFFFFF0] =	vst v17;
	v9 =	vmul.u32 v20, v20;
	v12 =	vadd.s32 v7, v19;
	v19 =	vld.idx.msk [tilespmem:v10+s9+$0x0], $0xffff  }
0x2a9: {  	vm10 =	vgt.s32 v25, v8;
	[tilespmem:s23+$0xFFFFFFD0] =	vst v27;
	v11 =	vsel vm9, $0xFFFFFFFF, v5;
	v10 =	vadd.s32 v23, v14;
	v17 =	vld.idx.msk [tilespmem:v17+s9+$0x0], $0xffff  }
0x2aa: {  	v8 =	vadd.s32 v11, v22;
	v11 =	vld [tilespmem:s22+$0xFFFFFFD0];
	[tilespmem:s23+$0xFFFFFFE0] =	vst v10;
	vm11 =	vgt.s32 v9, v12;
	v9 =	vsel vm10, $0xFFFFFFFF, v5  }
0x2ab: {  	v22 =	vld [tilespmem:s26+$0xFFFFFFD0];
	[tilespmem:s23+$0x0] =	vst v8;
	v12 =	vsel vm11, $0xFFFFFFFF, v5;
	v13 =	vadd.s32 v9, v18  }
0x2ac: {  	v23 =	vmul.u32 v26, v26;
	v9 =	vld [tilespmem:s22+$0xFFFFFFE0];
	v14 =	vadd.s32 v12, v20;
	[tilespmem:s23+$0xFFFFFFC0] =	vst v13  }
0x2ad: {  	s24 =	simm.s32 $0x59F0;
	v15 =	vadd.s32 v7, v15;
	v20 =	vld [tilespmem:s26+$0xFFFFFFE0];
	[tilespmem:s23+$0x10] =	vst v14  }
0x2ae: {  	vm12 =	vgt.s32 v23, v15;
	v10 =	vld.idx.msk [tilespmem:v10+s9+$0x0], $0xffff;
	[tilespmem:s24+$0x0] =	vst v21  }
0x2af: {  	v15 =	vsel vm12, $0xFFFFFFFF, v5;
	[tilespmem:s24+$0xFFFFFFF0] =	vst v19;
	v12 =	vld.idx.msk [tilespmem:v8+s9+$0x0], $0xffff  }
0x2b0: {  	v15 =	vadd.s32 v15, v26;
	[tilespmem:s24+$0xFFFFFFC0] =	vst v17;
	v8 =	vld.idx.msk [tilespmem:v13+s9+$0x0], $0xffff  }
0x2b1: {  	s23 =	simm.s32 $0x2940;
	[tilespmem:s22+$0x20] =	vst v15;
	v13 =	vld [tilespmem:s22+$0xFFFFFFF0]  }
0x2b2: {  	[tilespmem:s23+$0x30] =	vst v21;
	v29 =	vld.idx.msk [tilespmem:v14+s9+$0x0], $0xffff  }
0x2b3: {  	v21 =	vadd.s32 v7, v24;
	v24 =	vmul.u32 v28, v28;
	[tilespmem:s23+$0x20] =	vst v19;
	v14 =	vld [tilespmem:s22+$0xFFFFFFC0]  }
0x2b4: {  	v18 =	vadd.s32 v7, v16;
	v16 =	vld [tilespmem:s22+$0x0];
	v26 =	vadd.s32 v7, v30;
	v25 =	vmul.u32 v11, v11;
	[tilespmem:s23+$0xFFFFFFF0] =	vst v17  }
0x2b5: {  	v19 =	vadd.s32 v7, v22;
	v22 =	vld [tilespmem:s26+$0x0];
	vm13 =	vgt.s32 v24, v21;
	v21 =	vmul.u32 v9, v9;
	[tilespmem:s24+$0xFFFFFFB0] =	vst v10  }
0x2b6: {  	s28 =	simm.s32 $0x80;
	v17 =	vld [tilespmem:s26+$0x10];
	vm14 =	vgt.s32 v25, v19;
	v20 =	vadd.s32 v7, v20;
	v19 =	vsel vm13, $0xFFFFFFFF, v5;
	[tilespmem:s24+$0xFFFFFFD0] =	vst v12  }
0x2b7: {  	s29 =	simm.s32 $0x5A70;
	s30 =	simm.s32 $0x29C0;
	s31 =	simm.s32 $0x21C0;
	v25 =	vsel vm14, $0xFFFFFFFF, v5;
	vm15 =	vgt.s32 v21, v20;
	v20 =	vld.idx.msk [tilespmem:v27+s9+$0x0], $0xffff;
	v24 =	vmul.u32 v13, v13;
	[tilespmem:s24+$0xFFFFFFE0] =	vst v29  }
0x2b8: {  	s25 =	simm.s32 $0x29C0;
	s0 =	simm.s32 $0x1940;
	s26 =	simm.s32 $0x5A70;
	v21 =	vadd.s32 v19, v28;
	v19 =	vld [tilespmem:s22+$0x10];
	v23 =	vsel vm15, $0xFFFFFFFF, v5;
	v27 =	vmul.u32 v14, v14;
	[tilespmem:s23+$0x10] =	vst v29  }
.LBB2_22:
0x2b9: {  	v28 =	vld [tilespmem:s0+$0xFFFFFFF0];
	s28 =	sadd.s32 $0x80, s28;
	v29 =	vadd.s32 v25, v11;
	vm0 =	vgt.s32 v24, v18;
	v11 =	vmul.u32 v16, v16;
	s29 =	sadd.s32 $0x80, s29;
	s30 =	sadd.s32 $0x80, s30;
	[tilespmem:s23+$0x0] =	vst v12  }
0x2ba: {  	v24 =	vld [tilespmem:s0+$0x20];
	p2 =	slt.u32 s28, $0x780;
	vm1 =	vgt.s32 v27, v26;
	v12 =	vsel vm0, $0xFFFFFFFF, v5;
	v18 =	vadd.s32 v7, v22;
	[tilespmem:s22+$0x30] =	vst v21  }
0x2bb: {  	v22 =	vld [tilespmem:s0+$0x30];
	v25 =	vsel vm1, $0xFFFFFFFF, v5;
	[tilespmem:s22+$0xFFFFFFD0] =	vst v29;
	vm0 =	vgt.s32 v11, v18  }
0x2bc: {  	v12 =	vadd.s32 v12, v13;
	v26 =	vld [tilespmem:s31+$0x20];
	v14 =	vadd.s32 v25, v14;
	v11 =	vsel vm0, $0xFFFFFFFF, v5;
	[tilespmem:s24+$0xFFFFFF90] =	vst v8  }
0x2bd: {  	v13 =	vadd.s32 v11, v16;
	v11 =	vmul.u32 v19, v19;
	v16 =	vld.idx.msk [tilespmem:v21+s9+$0x0], $0xffff;
	[tilespmem:s24+$0xFFFFFFA0] =	vst v20;
	s24 =	smov.u32 s26;
	s26 =	smov.u32 s29  }
0x2be: {  	v18 =	vadd.s32 v23, v9;
	v9 =	vadd.s32 v7, v17;
	[tilespmem:s22+$0xFFFFFFC0] =	vst v14;
	v15 =	vld.idx.msk [tilespmem:v15+s9+$0x0], $0xffff  }
0x2bf: {  	v21 =	vld [tilespmem:s31+$0x30];
	vm0 =	vgt.s32 v11, v9;
	[tilespmem:s23+$0xFFFFFFD0] =	vst v20  }
0x2c0: {  	v11 =	vld [tilespmem:s31+$0xFFFFFFD0];
	[tilespmem:s22+$0xFFFFFFF0] =	vst v12;
	v9 =	vsel vm0, $0xFFFFFFFF, v5  }
0x2c1: {  	[tilespmem:s22+$0xFFFFFFE0] =	vst v18;
	v17 =	vld.idx.msk [tilespmem:v12+s9+$0x0], $0xffff;
	v19 =	vadd.s32 v9, v19  }
0x2c2: {  	v9 =	vld [tilespmem:s31+$0xFFFFFFE0];
	[tilespmem:s22+$0x0] =	vst v13  }
0x2c3: {  	v20 =	vld [tilespmem:s0+$0xFFFFFFE0];
	[tilespmem:s23+$0xFFFFFFC0] =	vst v8  }
0x2c4: {  	v12 =	vld.idx.msk [tilespmem:v13+s9+$0x0], $0xffff;
	[tilespmem:s22+$0x10] =	vst v19;
	s22 =	smov.u32 s31  }
0x2c5: {  	v23 =	vld.idx.msk [tilespmem:v18+s9+$0x0], $0xffff;
	[tilespmem:s24+$0x0] =	vst v16  }
0x2c6: {  	v30 =	vld.idx.msk [tilespmem:v19+s9+$0x0], $0xffff;
	[tilespmem:s23+$0xFFFFFFE0] =	vst v10;
	s23 =	smov.u32 s25;
	s25 =	smov.u32 s30  }
0x2c7: {  	v8 =	vld.idx.msk [tilespmem:v14+s9+$0x0], $0xffff;
	[tilespmem:s24+$0xFFFFFFF0] =	vst v15  }
0x2c8: {  	v10 =	vadd.s32 v7, v22;
	v19 =	vld [tilespmem:s0+$0xFFFFFFD0];
	[tilespmem:s24+$0xFFFFFFC0] =	vst v17  }
0x2c9: {  	v18 =	vadd.s32 v7, v28;
	v22 =	vadd.s32 v7, v24;
	v24 =	vmul.u32 v26, v26;
	v13 =	vld [tilespmem:s31+$0xFFFFFFF0];
	[tilespmem:s23+$0x30] =	vst v16  }
0x2ca: {  	v25 =	vmul.u32 v21, v21;
	v14 =	vld [tilespmem:s31+$0xFFFFFFC0];
	[tilespmem:s24+$0xFFFFFFD0] =	vst v12  }
0x2cb: {  	v28 =	vmul.u32 v11, v11;
	v20 =	vadd.s32 v7, v20;
	vm0 =	vgt.s32 v24, v22;
	v27 =	vld [tilespmem:s0+$0xFFFFFFC0];
	[tilespmem:s24+$0xFFFFFFB0] =	vst v23  }
.Ltmp12:
0x2cc: {  	v24 =	vsel vm0, $0xFFFFFFFF, v5;
	vm0 =	vgt.s32 v25, v10;
	v10 =	vmov v23;
	v16 =	vld [tilespmem:s31+$0x0];
	[tilespmem:s23+$0x20] =	vst v15;
	(pc) =	sbr.rel @p2 .LBB2_22-.Ltmp12, $4  }
0x2cd: {  	v23 =	vmul.u32 v9, v9;
	v15 =	vadd.s32 v24, v26;
	v19 =	vadd.s32 v7, v19;
	v22 =	vld [tilespmem:s0+$0x0];
	[tilespmem:s23+$0xFFFFFFF0] =	vst v17  }
0x2ce: {  	vm1 =	vgt.s32 v28, v19;
	v24 =	vmul.u32 v13, v13;
	v17 =	vld [tilespmem:s0+$0x10];
	v19 =	vsel vm0, $0xFFFFFFFF, v5;
	[tilespmem:s24+$0xFFFFFFE0] =	vst v30  }
0x2cf: {  	vm0 =	vgt.s32 v23, v20;
	v25 =	vsel vm1, $0xFFFFFFFF, v5;
	[tilespmem:s31+$0x20] =	vst v15;
	v21 =	vadd.s32 v19, v21;
	v20 =	vld.idx.msk [tilespmem:v29+s9+$0x0], $0xffff  }
0x2d0: {  	s0 =	sadd.s32 $0x80, s0;
	v23 =	vsel vm0, $0xFFFFFFFF, v5;
	s31 =	sadd.s32 $0x80, s31;
	v26 =	vadd.s32 v7, v27;
	v27 =	vmul.u32 v14, v14;
	v19 =	vld [tilespmem:s22+$0x10];
	[tilespmem:s23+$0x10] =	vst v30  }
0x2d1: {  	[tilespmem:s23+$0x0] =	vst v12  }
0x2d2: {  	[tilespmem:s22+$0x30] =	vst v21  }
0x2d3: {  	[tilespmem:s24+$0xFFFFFF90] =	vst v8  }
0x2d4: {  	v11 =	vadd.s32 v25, v11;
	[tilespmem:s23+$0xFFFFFFE0] =	vst v10  }
0x2d5: {  	v9 =	vadd.s32 v23, v9;
	[tilespmem:s22+$0xFFFFFFD0] =	vst v11  }
0x2d6: {  	vm1 =	vgt.s32 v24, v18;
	[tilespmem:s22+$0xFFFFFFE0] =	vst v9  }
0x2d7: {  	v12 =	vmul.u32 v16, v16;
	vm0 =	vgt.s32 v27, v26;
	v24 =	vsel vm1, $0xFFFFFFFF, v5;
	[tilespmem:s23+$0xFFFFFFC0] =	vst v8  }
0x2d8: {  	v15 =	vld.idx.msk [tilespmem:v15+s9+$0x0], $0xffff;
	v60 =	vadd.s32 v7, v22;
	v61 =	vsel vm0, $0xFFFFFFFF, v5;
	v13 =	vadd.s32 v24, v13;
	[tilespmem:s24+$0xFFFFFFA0] =	vst v20  }
0x2d9: {  	v63 =	vld.idx.msk [tilespmem:v21+s9+$0x0], $0xffff;
	vm13 =	vgt.s32 v12, v60;
	v12 =	vadd.s32 v61, v14;
	[tilespmem:s22+$0xFFFFFFF0] =	vst v13  }
0x2da: {  	v14 =	vsel vm13, $0xFFFFFFFF, v5;
	[tilespmem:s22+$0xFFFFFFC0] =	vst v12  }
0x2db: {  	v14 =	vadd.s32 v14, v16;
	[tilespmem:s23+$0xFFFFFFD0] =	vst v20  }
0x2dc: {  	v62 =	vmul.u32 v19, v19;
	[tilespmem:s22+$0x0] =	vst v14  }
0x2dd: {  	v17 =	vadd.s32 v7, v17;
	v9 =	vld.idx.msk [tilespmem:v9+s9+$0x0], $0xffff;
	[tilespmem:s26+$0xFFFFFFF0] =	vst v15  }
0x2de: {  	v11 =	vld.idx.msk [tilespmem:v11+s9+$0x0], $0xffff;
	vm14 =	vgt.s32 v62, v17;
	[tilespmem:s26+$0x0] =	vst v63  }
0x2df: {  	[tilespmem:s25+$0x20] =	vst v15;
	v16 =	vsel vm14, $0xFFFFFFFF, v5  }
0x2e0: {  	[tilespmem:s25+$0x30] =	vst v63;
	v16 =	vadd.s32 v16, v19  }
0x2e1: {  	v13 =	vld.idx.msk [tilespmem:v13+s9+$0x0], $0xffff;
	[tilespmem:s22+$0x10] =	vst v16  }
0x2e2: {  	[tilespmem:s26+$0xFFFFFFB0] =	vst v9  }
0x2e3: {  	v12 =	vld.idx.msk [tilespmem:v12+s9+$0x0], $0xffff;
	[tilespmem:s26+$0xFFFFFFA0] =	vst v11  }
0x2e4: {  	v8 =	vld.idx.msk [tilespmem:v14+s9+$0x0], $0xffff;
	[tilespmem:s25+$0xFFFFFFD0] =	vst v11  }
0x2e5: {  	[tilespmem:s25+$0xFFFFFFE0] =	vst v9  }
0x2e6: {  	[tilespmem:s26+$0xFFFFFFC0] =	vst v13  }
0x2e7: {  	v10 =	vld.idx.msk [tilespmem:v16+s9+$0x0], $0xffff;
	[tilespmem:s25+$0xFFFFFFF0] =	vst v13  }
0x2e8: {  	[tilespmem:s26+$0xFFFFFF90] =	vst v12  }
0x2e9: {  	[tilespmem:s26+$0xFFFFFFD0] =	vst v8  }
0x2ea: {  	[tilespmem:s25+$0xFFFFFFC0] =	vst v12  }
0x2eb: {  	[tilespmem:s25+$0x0] =	vst v8  }
0x2ec: {  	[tilespmem:s26+$0xFFFFFFE0] =	vst v10  }
0x2ed: {  	[tilespmem:s25+$0x10] =	vst v10  }
0x2ee: {  	v8 =	vld [tilespmem:$0x2880]  }
0x2ef: {  	v9 =	vld [tilespmem:$0x2000];
	_ =	sdelay $0x3  }
0x2f0: {  	v10 =	vmul.u32 v8, v8  }
0x2f1: {  	v7 =	vadd.s32 v7, v9  }
0x2f2: {  	vm15 =	vgt.s32 v10, v7  }
0x2f3: {  	v7 =	vsel vm15, $0xFFFFFFFF, v5  }
0x2f4: {  	v7 =	vadd.s32 v7, v8;
	_ =	sdelay $0x3  }
0x2f5: {  	[tilespmem:$0x2880] =	vst v7  }
0x2f6: {  	v7 =	vld.idx.msk [tilespmem:v7+s9+$0x0], $0xffff;
	_ =	sdelay $0x4  }
0x2f7: {  	s31 =	simm.s32 $0x30F1;
	[tilespmem:$0x3100] =	vst v7  }
0x2f8: {  	v9 =	vld [tilespmem:s31+$0xFFFFFF90]  }
0x2f9: {  	v11 =	vld [tilespmem:s31+$0xFFFFFFF0]  }
0x2fa: {  	v13 =	vld [tilespmem:s31+$0xFFFFFFE0]  }
0x2fb: {  	v10 =	vld [tilespmem:s31+$0xFFFFFFD0]  }
0x2fc: {  	v8 =	vld [tilespmem:s31+$0xFFFFFFC0]  }
0x2fd: {  	v7 =	vld [tilespmem:s31+$0xFFFFFFB0];
	v14 =	vperm.xlane v9, v6  }
0x2fe: {  	s0 =	simm.s32 $0x51F0;
	v9 =	vld [tilespmem:s31+$0xFFFFFFA0];
	v12 =	vperm.xlane v11, v6  }
0x2ff: {  	s23 =	simm.s32 $0x3071;
	s22 =	simm.s32 $0x0;
	v11 =	vld [tilespmem:s31+$0x0];
	v13 =	vperm.xlane v13, v6;
	[tilespmem:s0+$0x0] =	vst v14  }
.LBB2_24:
0x300: {  	v14 =	vld [tilespmem:s23+$0xFFFFFF90];
	s22 =	sadd.s32 $0x80, s22;
	[tilespmem:s0+$0xFFFFFFA0] =	vst v12;
	v10 =	vperm.xlane v10, v6  }
0x301: {  	v12 =	vld [tilespmem:s23+$0xFFFFFFF0];
	p2 =	slt.u32 s22, $0x780;
	[tilespmem:s0+$0xFFFFFFB0] =	vst v13;
	v8 =	vperm.xlane v8, v6  }
0x302: {  	v13 =	vld [tilespmem:s23+$0xFFFFFFE0];
	[tilespmem:s0+$0xFFFFFFC0] =	vst v10;
	v7 =	vperm.xlane v7, v6  }
.Ltmp13:
0x303: {  	v10 =	vld [tilespmem:s23+$0xFFFFFFD0];
	[tilespmem:s0+$0xFFFFFFD0] =	vst v8;
	v9 =	vperm.xlane v9, v6;
	(pc) =	sbr.rel @p2 .LBB2_24-.Ltmp13, $4  }
0x304: {  	v8 =	vld [tilespmem:s23+$0xFFFFFFC0];
	v11 =	vperm.xlane v11, v6;
	[tilespmem:s0+$0xFFFFFFE0] =	vst v7  }
0x305: {  	v7 =	vld [tilespmem:s23+$0xFFFFFFB0];
	v14 =	vperm.xlane v14, v6;
	[tilespmem:s0+$0xFFFFFFF0] =	vst v9  }
0x306: {  	v12 =	vperm.xlane v12, v6;
	v9 =	vld [tilespmem:s23+$0xFFFFFFA0];
	[tilespmem:s0+$0xFFFFFF90] =	vst v11;
	s0 =	sadd.s32 $0x80, s0  }
0x307: {  	v11 =	vld [tilespmem:s23+$0x0];
	v13 =	vperm.xlane v13, v6;
	[tilespmem:s0+$0x0] =	vst v14;
	s23 =	sadd.s32 $0xFFFFFF80, s23  }
0x308: {  	[tilespmem:s0+$0xFFFFFFA0] =	vst v12;
	v10 =	vperm.xlane v10, v6  }
0x309: {  	[tilespmem:s0+$0xFFFFFFB0] =	vst v13;
	v8 =	vperm.xlane v8, v6  }
0x30a: {  	[tilespmem:s0+$0xFFFFFFC0] =	vst v10;
	v7 =	vperm.xlane v7, v6  }
0x30b: {  	s21 =	sshll.u32 s21, $0x4;
	[tilespmem:s0+$0xFFFFFFD0] =	vst v8;
	v8 =	vperm.xlane v9, v6  }
0x30c: {  	s22 =	sshll.u32 s20, $0x9;
	s23 =	ssub.s32 $0x1000, s20;
	s21 =	sand.u32 $0x60, s21;
	v9 =	vperm.xlane v11, v6;
	[tilespmem:s0+$0xFFFFFFE0] =	vst v7  }
0x30d: {  	s22 =	sand.u32 $0xFFFF000, s22;
	s20 =	sshll.u32 s23, $0x4;
	s21 =	sadd.s32 s5, s21;
	[tilespmem:s0+$0xFFFFFFF0] =	vst v8  }
0x30e: {  	s20 =	sand.u32 $0x60, s20;
	s22 =	sadd.s32 s22, s21;
	[tilespmem:s0+$0xFFFFFF90] =	vst v9;
	s0 =	sshll.u32 s23, $0x9  }
0x30f: {  	[hbm4b:s22+s10] =	stream.strided.scatter [tilespmem:s14], [sflag:$0x1], $0x1000, s11, s10, $0x38;
	[tilespmem:$0x7180] =	vst v63  }
0x310: {  	s20 =	sadd.s32 s5, s20;
	s0 =	sand.u32 $0x1FF000, s0  }
0x311: {  	s0 =	sadd.s32 s0, s20;
	s20 =	sor.u32 $0x3, s19  }
0x312: {  	[hbm4b:s0+s10] =	stream.strided.scatter [tilespmem:s14], [sflag:$0x1], $0x1000, s11, s10, $0x38;
	[tilespmem:$0x7180] =	vst v63  }
0x313: {  	s19 =	sor.u32 s4, s20;
	s0 =	simm.s32 @!p1 $0x1  }
0x314: {  	_ =	swait.ge @!p1 [sflag:s0], $0x1000;
	p2 =	slt.u32 @!p1 s19, $0x5  }
0x315: {  	[sflag:s0] =	ssyncset.done @!p1 $0x0;
	p2 =	por p2, p1  }
0x316: {  	[sflag:s0] =	ssyncadd.s32 @!p1 $0xFFFFF000;
	s0 =	simm.s32 @!p2 $0x1  }
0x317: {  	_ =	swait.ge @!p2 [sflag:s0], $0x1000  }
0x318: {  	[sflag:s0] =	ssyncset.done @!p2 $0x0  }
0x319: {  	s24 =	simm.s32 $0x1840;
	[sflag:s0] =	ssyncadd.s32 @!p2 $0xFFFFF000  }
0x31a: {  	v8 =	vld [tilespmem:s24+$0xFFFFFFF0]  }
0x31b: {  	v9 =	vld [tilespmem:s24+$0x20]  }
0x31c: {  	s25 =	simm.s32 $0x20C0;
	v10 =	vld [tilespmem:s24+$0x30]  }
0x31d: {  	v11 =	vld [tilespmem:s25+$0x20]  }
0x31e: {  	v12 =	vld [tilespmem:s25+$0x30]  }
0x31f: {  	v13 =	vld [tilespmem:s25+$0xFFFFFFD0]  }
0x320: {  	v14 =	vld [tilespmem:s25+$0xFFFFFFE0]  }
0x321: {  	v15 =	vld [tilespmem:s24+$0xFFFFFFE0]  }
0x322: {  	v16 =	vld [tilespmem:s24+$0xFFFFFFD0]  }
0x323: {  	s26 =	sor.u32 $0xFFFFF800, s19;
	v17 =	vld [tilespmem:s25+$0xFFFFFFF0]  }
0x324: {  	s21 =	smul.u32 s26, s26;
	v18 =	vld [tilespmem:s25+$0xFFFFFFC0]  }
0x325: {  	v21 =	vld [tilespmem:s24+$0xFFFFFFC0]  }
0x326: {  	v7 =	vmov s21;
	s21 =	simm.s32 $0x2140;
	v22 =	vld [tilespmem:s25+$0x0]  }
0x327: {  	v26 =	vld [tilespmem:s21+$0x20];
	v19 =	vmul.u32 v11, v11;
	v20 =	vmul.u32 v12, v12;
	v10 =	vadd.s32 v7, v10  }
0x328: {  	s31 =	simm.s32 $0x18C0;
	v28 =	vld [tilespmem:s21+$0x30];
	v8 =	vadd.s32 v7, v8;
	v9 =	vadd.s32 v7, v9;
	v23 =	vmul.u32 v13, v13  }
0x329: {  	v30 =	vld [tilespmem:s31+$0xFFFFFFC0];
	v16 =	vadd.s32 v7, v16;
	v25 =	vmul.u32 v17, v17;
	vm1 =	vgt.s32 v20, v10  }
0x32a: {  	v24 =	vmul.u32 v14, v14;
	vm0 =	vgt.s32 v19, v9;
	v9 =	vld [tilespmem:s24+$0x0];
	v20 =	vsel vm1, $0xFFFFFFFF, v5  }
0x32b: {  	v19 =	vld [tilespmem:s24+$0x10];
	vm8 =	vgt.s32 v25, v8;
	v10 =	vsel vm0, $0xFFFFFFFF, v5;
	v12 =	vadd.s32 v20, v12  }
0x32c: {  	vm6 =	vgt.s32 v23, v16;
	v23 =	vsel vm8, $0xFFFFFFFF, v5;
	v20 =	vld [tilespmem:s25+$0x10];
	v10 =	vadd.s32 v10, v11  }
0x32d: {  	v15 =	vadd.s32 v7, v15;
	v16 =	vld [tilespmem:s31+$0xFFFFFFF0];
	v17 =	vadd.s32 v23, v17  }
0x32e: {  	vm7 =	vgt.s32 v24, v15;
	v15 =	vld [tilespmem:s31+$0x20];
	v8 =	vadd.s32 v7, v21;
	v21 =	vmul.u32 v22, v22  }
0x32f: {  	v24 =	vld [tilespmem:s31+$0x30];
	v25 =	vmul.u32 v18, v18;
	v11 =	vsel vm6, $0xFFFFFFFF, v5;
	[tilespmem:s25+$0x30] =	vst v12;
	v9 =	vadd.s32 v7, v9  }
0x330: {  	[tilespmem:s25+$0x20] =	vst v10;
	v27 =	vadd.s32 v11, v13;
	vm9 =	vgt.s32 v21, v9;
	v21 =	vld.idx.msk [tilespmem:v12+s9+$0x0], $0xffff  }
0x331: {  	v23 =	vsel vm7, $0xFFFFFFFF, v5;
	[tilespmem:s25+$0xFFFFFFF0] =	vst v17;
	v9 =	vmul.u32 v20, v20;
	v12 =	vadd.s32 v7, v19;
	v19 =	vld.idx.msk [tilespmem:v10+s9+$0x0], $0xffff  }
0x332: {  	vm10 =	vgt.s32 v25, v8;
	[tilespmem:s25+$0xFFFFFFD0] =	vst v27;
	v11 =	vsel vm9, $0xFFFFFFFF, v5;
	v10 =	vadd.s32 v23, v14;
	v17 =	vld.idx.msk [tilespmem:v17+s9+$0x0], $0xffff  }
0x333: {  	v8 =	vadd.s32 v11, v22;
	v11 =	vld [tilespmem:s21+$0xFFFFFFD0];
	[tilespmem:s25+$0xFFFFFFE0] =	vst v10;
	vm11 =	vgt.s32 v9, v12;
	v9 =	vsel vm10, $0xFFFFFFFF, v5  }
0x334: {  	v22 =	vld [tilespmem:s31+$0xFFFFFFD0];
	[tilespmem:s25+$0x0] =	vst v8;
	v12 =	vsel vm11, $0xFFFFFFFF, v5;
	v13 =	vadd.s32 v9, v18  }
0x335: {  	v23 =	vmul.u32 v26, v26;
	v9 =	vld [tilespmem:s21+$0xFFFFFFE0];
	v14 =	vadd.s32 v12, v20;
	[tilespmem:s25+$0xFFFFFFC0] =	vst v13  }
0x336: {  	s23 =	simm.s32 $0x69F0;
	v15 =	vadd.s32 v7, v15;
	v20 =	vld [tilespmem:s31+$0xFFFFFFE0];
	[tilespmem:s25+$0x10] =	vst v14  }
0x337: {  	vm12 =	vgt.s32 v23, v15;
	v10 =	vld.idx.msk [tilespmem:v10+s9+$0x0], $0xffff;
	[tilespmem:s23+$0x0] =	vst v21  }
0x338: {  	v15 =	vsel vm12, $0xFFFFFFFF, v5;
	[tilespmem:s23+$0xFFFFFFF0] =	vst v19;
	v12 =	vld.idx.msk [tilespmem:v8+s9+$0x0], $0xffff  }
0x339: {  	v15 =	vadd.s32 v15, v26;
	[tilespmem:s23+$0xFFFFFFC0] =	vst v17;
	v8 =	vld.idx.msk [tilespmem:v13+s9+$0x0], $0xffff  }
0x33a: {  	s22 =	simm.s32 $0x2940;
	[tilespmem:s21+$0x20] =	vst v15;
	v13 =	vld [tilespmem:s21+$0xFFFFFFF0]  }
0x33b: {  	[tilespmem:s22+$0x30] =	vst v21;
	v29 =	vld.idx.msk [tilespmem:v14+s9+$0x0], $0xffff  }
0x33c: {  	v21 =	vadd.s32 v7, v24;
	v24 =	vmul.u32 v28, v28;
	[tilespmem:s22+$0x20] =	vst v19;
	v14 =	vld [tilespmem:s21+$0xFFFFFFC0]  }
0x33d: {  	v18 =	vadd.s32 v7, v16;
	v16 =	vld [tilespmem:s21+$0x0];
	v26 =	vadd.s32 v7, v30;
	v25 =	vmul.u32 v11, v11;
	[tilespmem:s22+$0xFFFFFFF0] =	vst v17  }
0x33e: {  	v19 =	vadd.s32 v7, v22;
	v22 =	vld [tilespmem:s31+$0x0];
	vm13 =	vgt.s32 v24, v21;
	v21 =	vmul.u32 v9, v9;
	[tilespmem:s23+$0xFFFFFFB0] =	vst v10  }
0x33f: {  	s28 =	simm.s32 $0x6A70;
	v17 =	vld [tilespmem:s31+$0x10];
	vm14 =	vgt.s32 v25, v19;
	v20 =	vadd.s32 v7, v20;
	v19 =	vsel vm13, $0xFFFFFFFF, v5;
	[tilespmem:s23+$0xFFFFFFD0] =	vst v12  }
0x340: {  	s29 =	simm.s32 $0x29C0;
	s30 =	simm.s32 $0x21C0;
	s26 =	simm.s32 $0x80;
	v25 =	vsel vm14, $0xFFFFFFFF, v5;
	vm15 =	vgt.s32 v21, v20;
	v20 =	vld.idx.msk [tilespmem:v27+s9+$0x0], $0xffff;
	v24 =	vmul.u32 v13, v13;
	[tilespmem:s23+$0xFFFFFFE0] =	vst v29  }
0x341: {  	s0 =	simm.s32 $0x1940;
	s24 =	simm.s32 $0x29C0;
	s25 =	simm.s32 $0x6A70;
	v21 =	vadd.s32 v19, v28;
	v19 =	vld [tilespmem:s21+$0x10];
	v23 =	vsel vm15, $0xFFFFFFFF, v5;
	v27 =	vmul.u32 v14, v14;
	[tilespmem:s22+$0x10] =	vst v29  }
.LBB2_26:
0x342: {  	v28 =	vld [tilespmem:s0+$0xFFFFFFF0];
	s26 =	sadd.s32 $0x80, s26;
	v29 =	vadd.s32 v25, v11;
	vm0 =	vgt.s32 v24, v18;
	v11 =	vmul.u32 v16, v16;
	s28 =	sadd.s32 $0x80, s28;
	s29 =	sadd.s32 $0x80, s29;
	[tilespmem:s22+$0x0] =	vst v12  }
0x343: {  	v24 =	vld [tilespmem:s0+$0x20];
	p1 =	slt.u32 s26, $0x780;
	vm1 =	vgt.s32 v27, v26;
	v12 =	vsel vm0, $0xFFFFFFFF, v5;
	v18 =	vadd.s32 v7, v22;
	[tilespmem:s21+$0x30] =	vst v21  }
0x344: {  	v22 =	vld [tilespmem:s0+$0x30];
	v25 =	vsel vm1, $0xFFFFFFFF, v5;
	[tilespmem:s21+$0xFFFFFFD0] =	vst v29;
	vm0 =	vgt.s32 v11, v18  }
0x345: {  	v12 =	vadd.s32 v12, v13;
	v26 =	vld [tilespmem:s30+$0x20];
	v14 =	vadd.s32 v25, v14;
	v11 =	vsel vm0, $0xFFFFFFFF, v5;
	[tilespmem:s23+$0xFFFFFF90] =	vst v8  }
0x346: {  	v13 =	vadd.s32 v11, v16;
	v11 =	vmul.u32 v19, v19;
	v16 =	vld.idx.msk [tilespmem:v21+s9+$0x0], $0xffff;
	[tilespmem:s23+$0xFFFFFFA0] =	vst v20;
	s23 =	smov.u32 s25;
	s25 =	smov.u32 s28  }
0x347: {  	v18 =	vadd.s32 v23, v9;
	v9 =	vadd.s32 v7, v17;
	[tilespmem:s21+$0xFFFFFFC0] =	vst v14;
	v15 =	vld.idx.msk [tilespmem:v15+s9+$0x0], $0xffff  }
0x348: {  	v21 =	vld [tilespmem:s30+$0x30];
	vm0 =	vgt.s32 v11, v9;
	[tilespmem:s22+$0xFFFFFFD0] =	vst v20  }
0x349: {  	v11 =	vld [tilespmem:s30+$0xFFFFFFD0];
	[tilespmem:s21+$0xFFFFFFF0] =	vst v12;
	v9 =	vsel vm0, $0xFFFFFFFF, v5  }
0x34a: {  	[tilespmem:s21+$0xFFFFFFE0] =	vst v18;
	v17 =	vld.idx.msk [tilespmem:v12+s9+$0x0], $0xffff;
	v19 =	vadd.s32 v9, v19  }
0x34b: {  	v9 =	vld [tilespmem:s30+$0xFFFFFFE0];
	[tilespmem:s21+$0x0] =	vst v13  }
0x34c: {  	v20 =	vld [tilespmem:s0+$0xFFFFFFE0];
	[tilespmem:s22+$0xFFFFFFC0] =	vst v8  }
0x34d: {  	v12 =	vld.idx.msk [tilespmem:v13+s9+$0x0], $0xffff;
	[tilespmem:s21+$0x10] =	vst v19;
	s21 =	smov.u32 s30  }
0x34e: {  	v23 =	vld.idx.msk [tilespmem:v18+s9+$0x0], $0xffff;
	[tilespmem:s23+$0x0] =	vst v16  }
0x34f: {  	v30 =	vld.idx.msk [tilespmem:v19+s9+$0x0], $0xffff;
	[tilespmem:s22+$0xFFFFFFE0] =	vst v10;
	s22 =	smov.u32 s24;
	s24 =	smov.u32 s29  }
0x350: {  	v8 =	vld.idx.msk [tilespmem:v14+s9+$0x0], $0xffff;
	[tilespmem:s23+$0xFFFFFFF0] =	vst v15  }
0x351: {  	v10 =	vadd.s32 v7, v22;
	v19 =	vld [tilespmem:s0+$0xFFFFFFD0];
	[tilespmem:s23+$0xFFFFFFC0] =	vst v17  }
0x352: {  	v18 =	vadd.s32 v7, v28;
	v22 =	vadd.s32 v7, v24;
	v24 =	vmul.u32 v26, v26;
	v13 =	vld [tilespmem:s30+$0xFFFFFFF0];
	[tilespmem:s22+$0x30] =	vst v16  }
0x353: {  	v25 =	vmul.u32 v21, v21;
	v14 =	vld [tilespmem:s30+$0xFFFFFFC0];
	[tilespmem:s23+$0xFFFFFFD0] =	vst v12  }
0x354: {  	v28 =	vmul.u32 v11, v11;
	v20 =	vadd.s32 v7, v20;
	vm0 =	vgt.s32 v24, v22;
	v27 =	vld [tilespmem:s0+$0xFFFFFFC0];
	[tilespmem:s23+$0xFFFFFFB0] =	vst v23  }
.Ltmp14:
0x355: {  	v24 =	vsel vm0, $0xFFFFFFFF, v5;
	vm0 =	vgt.s32 v25, v10;
	v10 =	vmov v23;
	v16 =	vld [tilespmem:s30+$0x0];
	[tilespmem:s22+$0x20] =	vst v15;
	(pc) =	sbr.rel @p1 .LBB2_26-.Ltmp14, $4  }
0x356: {  	v23 =	vmul.u32 v9, v9;
	v15 =	vadd.s32 v24, v26;
	v19 =	vadd.s32 v7, v19;
	v22 =	vld [tilespmem:s0+$0x0];
	[tilespmem:s22+$0xFFFFFFF0] =	vst v17  }
0x357: {  	vm1 =	vgt.s32 v28, v19;
	v24 =	vmul.u32 v13, v13;
	v17 =	vld [tilespmem:s0+$0x10];
	v19 =	vsel vm0, $0xFFFFFFFF, v5;
	[tilespmem:s23+$0xFFFFFFE0] =	vst v30  }
0x358: {  	vm0 =	vgt.s32 v23, v20;
	v25 =	vsel vm1, $0xFFFFFFFF, v5;
	[tilespmem:s30+$0x20] =	vst v15;
	v21 =	vadd.s32 v19, v21;
	v20 =	vld.idx.msk [tilespmem:v29+s9+$0x0], $0xffff  }
0x359: {  	s0 =	sadd.s32 $0x80, s0;
	v23 =	vsel vm0, $0xFFFFFFFF, v5;
	s30 =	sadd.s32 $0x80, s30;
	v26 =	vadd.s32 v7, v27;
	v27 =	vmul.u32 v14, v14;
	v19 =	vld [tilespmem:s21+$0x10];
	[tilespmem:s22+$0x10] =	vst v30  }
0x35a: {  	[tilespmem:s22+$0x0] =	vst v12  }
0x35b: {  	[tilespmem:s21+$0x30] =	vst v21  }
0x35c: {  	[tilespmem:s23+$0xFFFFFF90] =	vst v8  }
0x35d: {  	v11 =	vadd.s32 v25, v11;
	[tilespmem:s22+$0xFFFFFFE0] =	vst v10  }
0x35e: {  	v9 =	vadd.s32 v23, v9;
	[tilespmem:s21+$0xFFFFFFD0] =	vst v11  }
0x35f: {  	vm1 =	vgt.s32 v24, v18;
	[tilespmem:s21+$0xFFFFFFE0] =	vst v9  }
0x360: {  	v12 =	vmul.u32 v16, v16;
	vm0 =	vgt.s32 v27, v26;
	v24 =	vsel vm1, $0xFFFFFFFF, v5;
	[tilespmem:s22+$0xFFFFFFC0] =	vst v8  }
0x361: {  	v15 =	vld.idx.msk [tilespmem:v15+s9+$0x0], $0xffff;
	v60 =	vadd.s32 v7, v22;
	v61 =	vsel vm0, $0xFFFFFFFF, v5;
	v13 =	vadd.s32 v24, v13;
	[tilespmem:s23+$0xFFFFFFA0] =	vst v20  }
0x362: {  	v63 =	vld.idx.msk [tilespmem:v21+s9+$0x0], $0xffff;
	vm13 =	vgt.s32 v12, v60;
	v12 =	vadd.s32 v61, v14;
	[tilespmem:s21+$0xFFFFFFF0] =	vst v13  }
0x363: {  	v14 =	vsel vm13, $0xFFFFFFFF, v5;
	[tilespmem:s21+$0xFFFFFFC0] =	vst v12  }
0x364: {  	v14 =	vadd.s32 v14, v16;
	[tilespmem:s22+$0xFFFFFFD0] =	vst v20  }
0x365: {  	v62 =	vmul.u32 v19, v19;
	[tilespmem:s21+$0x0] =	vst v14  }
0x366: {  	v17 =	vadd.s32 v7, v17;
	v9 =	vld.idx.msk [tilespmem:v9+s9+$0x0], $0xffff;
	[tilespmem:s25+$0xFFFFFFF0] =	vst v15  }
0x367: {  	v11 =	vld.idx.msk [tilespmem:v11+s9+$0x0], $0xffff;
	vm14 =	vgt.s32 v62, v17;
	[tilespmem:s25+$0x0] =	vst v63  }
0x368: {  	[tilespmem:s24+$0x20] =	vst v15;
	v16 =	vsel vm14, $0xFFFFFFFF, v5  }
0x369: {  	[tilespmem:s24+$0x30] =	vst v63;
	v16 =	vadd.s32 v16, v19  }
0x36a: {  	v13 =	vld.idx.msk [tilespmem:v13+s9+$0x0], $0xffff;
	[tilespmem:s21+$0x10] =	vst v16  }
0x36b: {  	[tilespmem:s25+$0xFFFFFFB0] =	vst v9  }
0x36c: {  	v12 =	vld.idx.msk [tilespmem:v12+s9+$0x0], $0xffff;
	[tilespmem:s25+$0xFFFFFFA0] =	vst v11  }
0x36d: {  	v8 =	vld.idx.msk [tilespmem:v14+s9+$0x0], $0xffff;
	[tilespmem:s24+$0xFFFFFFD0] =	vst v11  }
0x36e: {  	[tilespmem:s24+$0xFFFFFFE0] =	vst v9  }
0x36f: {  	[tilespmem:s25+$0xFFFFFFC0] =	vst v13  }
0x370: {  	v10 =	vld.idx.msk [tilespmem:v16+s9+$0x0], $0xffff;
	[tilespmem:s24+$0xFFFFFFF0] =	vst v13  }
0x371: {  	[tilespmem:s25+$0xFFFFFF90] =	vst v12  }
0x372: {  	[tilespmem:s25+$0xFFFFFFD0] =	vst v8  }
0x373: {  	[tilespmem:s24+$0xFFFFFFC0] =	vst v12  }
0x374: {  	[tilespmem:s24+$0x0] =	vst v8  }
0x375: {  	[tilespmem:s25+$0xFFFFFFE0] =	vst v10  }
0x376: {  	[tilespmem:s24+$0x10] =	vst v10  }
0x377: {  	v8 =	vld [tilespmem:$0x2880]  }
0x378: {  	v9 =	vld [tilespmem:$0x2000];
	_ =	sdelay $0x3  }
0x379: {  	v10 =	vmul.u32 v8, v8  }
0x37a: {  	v7 =	vadd.s32 v7, v9  }
0x37b: {  	vm15 =	vgt.s32 v10, v7  }
0x37c: {  	v7 =	vsel vm15, $0xFFFFFFFF, v5  }
0x37d: {  	v7 =	vadd.s32 v7, v8;
	_ =	sdelay $0x3  }
0x37e: {  	[tilespmem:$0x2880] =	vst v7  }
0x37f: {  	v7 =	vld.idx.msk [tilespmem:v7+s9+$0x0], $0xffff;
	_ =	sdelay $0x4  }
0x380: {  	s31 =	simm.s32 $0x30F1;
	[tilespmem:$0x3100] =	vst v7  }
0x381: {  	v9 =	vld [tilespmem:s31+$0xFFFFFF90]  }
0x382: {  	v11 =	vld [tilespmem:s31+$0xFFFFFFF0]  }
0x383: {  	v13 =	vld [tilespmem:s31+$0xFFFFFFE0]  }
0x384: {  	v10 =	vld [tilespmem:s31+$0xFFFFFFD0]  }
0x385: {  	v8 =	vld [tilespmem:s31+$0xFFFFFFC0]  }
0x386: {  	v7 =	vld [tilespmem:s31+$0xFFFFFFB0];
	v14 =	vperm.xlane v9, v6  }
0x387: {  	s0 =	simm.s32 $0x61F0;
	v9 =	vld [tilespmem:s31+$0xFFFFFFA0];
	v12 =	vperm.xlane v11, v6  }
0x388: {  	s22 =	simm.s32 $0x3071;
	s21 =	simm.s32 $0x0;
	v11 =	vld [tilespmem:s31+$0x0];
	v13 =	vperm.xlane v13, v6;
	[tilespmem:s0+$0x0] =	vst v14  }
.LBB2_28:
0x389: {  	v14 =	vld [tilespmem:s22+$0xFFFFFF90];
	s21 =	sadd.s32 $0x80, s21;
	[tilespmem:s0+$0xFFFFFFA0] =	vst v12;
	v10 =	vperm.xlane v10, v6  }
0x38a: {  	v12 =	vld [tilespmem:s22+$0xFFFFFFF0];
	p1 =	slt.u32 s21, $0x780;
	[tilespmem:s0+$0xFFFFFFB0] =	vst v13;
	v8 =	vperm.xlane v8, v6  }
0x38b: {  	v13 =	vld [tilespmem:s22+$0xFFFFFFE0];
	[tilespmem:s0+$0xFFFFFFC0] =	vst v10;
	v7 =	vperm.xlane v7, v6  }
.Ltmp15:
0x38c: {  	v10 =	vld [tilespmem:s22+$0xFFFFFFD0];
	[tilespmem:s0+$0xFFFFFFD0] =	vst v8;
	v9 =	vperm.xlane v9, v6;
	(pc) =	sbr.rel @p1 .LBB2_28-.Ltmp15, $4  }
0x38d: {  	v8 =	vld [tilespmem:s22+$0xFFFFFFC0];
	v11 =	vperm.xlane v11, v6;
	[tilespmem:s0+$0xFFFFFFE0] =	vst v7  }
0x38e: {  	v7 =	vld [tilespmem:s22+$0xFFFFFFB0];
	v14 =	vperm.xlane v14, v6;
	[tilespmem:s0+$0xFFFFFFF0] =	vst v9  }
0x38f: {  	v12 =	vperm.xlane v12, v6;
	v9 =	vld [tilespmem:s22+$0xFFFFFFA0];
	[tilespmem:s0+$0xFFFFFF90] =	vst v11;
	s0 =	sadd.s32 $0x80, s0  }
0x390: {  	v11 =	vld [tilespmem:s22+$0x0];
	v13 =	vperm.xlane v13, v6;
	[tilespmem:s0+$0x0] =	vst v14;
	s22 =	sadd.s32 $0xFFFFFF80, s22  }
0x391: {  	[tilespmem:s0+$0xFFFFFFA0] =	vst v12;
	v10 =	vperm.xlane v10, v6  }
0x392: {  	[tilespmem:s0+$0xFFFFFFB0] =	vst v13;
	v8 =	vperm.xlane v8, v6  }
0x393: {  	s20 =	sshll.u32 s20, $0x4;
	[tilespmem:s0+$0xFFFFFFC0] =	vst v10;
	v7 =	vperm.xlane v7, v6  }
0x394: {  	s21 =	sshll.u32 s19, $0x9;
	s31 =	ssub.s32 $0x1000, s19;
	s18 =	sadd.s32 $0x1, s18;
	[tilespmem:s0+$0xFFFFFFD0] =	vst v8;
	v8 =	vperm.xlane v9, v6  }
0x395: {  	s20 =	sand.u32 $0x70, s20;
	s21 =	sand.u32 $0xFFFF000, s21;
	s19 =	sshll.u32 s31, $0x4;
	v63 =	vperm.xlane v11, v6;
	[tilespmem:s0+$0xFFFFFFE0] =	vst v7  }
0x396: {  	p1 =	sne.s32 s18, $0x10;
	s20 =	sadd.s32 s5, s20;
	s19 =	sand.u32 $0x50, s19;
	[tilespmem:s0+$0xFFFFFFF0] =	vst v8  }
.Ltmp16:
0x397: {  	s30 =	sadd.s32 s21, s20;
	[tilespmem:s0+$0xFFFFFF90] =	vst v63;
	s0 =	sshll.u32 s31, $0x9;
	(pc) =	sbr.rel @p1 .LBB2_6-.Ltmp16, $4  }
0x398: {  	[hbm4b:s30+s10] =	stream.strided.scatter [tilespmem:s15], [sflag:$0x1], $0x1000, s11, s10, $0x38;
	[tilespmem:$0x7180] =	vst v63  }
0x399: {  	s19 =	sadd.s32 s5, s19;
	s0 =	sand.u32 $0x1FF000, s0  }
0x39a: {  	s0 =	sadd.s32 s0, s19  }
0x39b: {  	[hbm4b:s0+s10] =	stream.strided.scatter [tilespmem:s15], [sflag:$0x1], $0x1000, s11, s10, $0x38;
	[tilespmem:$0x7180] =	vst v63  }
0x39c: {  	_ =	swait.ge [sflag:s16], $0x1000  }
0x39d: {  	[sflag:s16] =	ssyncset.done $0x0  }
0x39e: {  	[sflag:s16] =	ssyncadd.s32 $0xFFFFF000  }
0x39f: {  	_ =	swait.ge [sflag:s16], $0x1000  }
0x3a0: {  	[sflag:s16] =	ssyncset.done $0x0  }
0x3a1: {  	[sflag:s16] =	ssyncadd.s32 $0xFFFFF000  }
0x3a2: {  	_ =	swait.ge [sflag:s16], $0x1000  }
0x3a3: {  	[sflag:s16] =	ssyncset.done $0x0  }
0x3a4: {  	[sflag:s16] =	ssyncadd.s32 $0xFFFFF000  }
0x3a5: {  	_ =	swait.ge [sflag:s16], $0x1000  }
0x3a6: {  	[sflag:s16] =	ssyncset.done $0x0  }
0x3a7: {  	[sflag:s16] =	ssyncadd.s32 $0xFFFFF000  }
0x3a8: {  	_ =	swait.ge [sflag:s16], $0x1000  }
0x3a9: {  	[sflag:s16] =	ssyncset.done $0x0  }
0x3aa: {  	[sflag:s16] =	ssyncadd.s32 $0xFFFFF000  }
0x3ab: {  	_ =	swait.ge [sflag:s16], $0x1000  }
0x3ac: {  	[sflag:s16] =	ssyncset.done $0x0  }
0x3ad: {  	[sflag:s16] =	ssyncadd.s32 $0xFFFFF000  }
0x3ae: {  	_ =	swait.ge [sflag:s16], $0x1000  }
.Ltmp17:
0x3af: {  	[sflag:s16] =	ssyncset.done $0x0;
	(pc) =	sbr.rel @p0 .LBB2_36-.Ltmp17, $4  }
0x3b0: {  	[sflag:s16] =	ssyncadd.s32 $0xFFFFF000  }
0x3b1: {  	_ =	swait.ge [sflag:s16], $0x1000  }
0x3b2: {  	[sflag:s16] =	ssyncset.done $0x0  }
0x3b3: {  	[sflag:s16] =	ssyncadd.s32 $0xFFFFF000  }
0x3b4: {  	s0 =	simm.s32 $0x1840  }
0x3b5: {  	v8 =	vld [tilespmem:s0+$0x30]  }
0x3b6: {  	v7 =	vld [tilespmem:s0+$0xFFFFFFD0]  }
0x3b7: {  	v13 =	vld [tilespmem:s0+$0xFFFFFFE0]  }
0x3b8: {  	v17 =	vld [tilespmem:s0+$0xFFFFFFF0]  }
0x3b9: {  	v16 =	vld [tilespmem:s0+$0x0]  }
0x3ba: {  	v15 =	vld [tilespmem:s0+$0x10]  }
0x3bb: {  	v14 =	vld [tilespmem:s0+$0x20]  }
0x3bc: {  	v20 =	vld [tilespmem:s0+$0xFFFFFFC0];
	_ =	sdelay $0x1  }
0x3bd: {  	v9 =	vcvt.s32.f32 v8;
	v12 =	vcvt.s32.f32 v7  }
0x3be: {  	v18 =	vcvt.s32.f32 v13;
	v22 =	vcvt.s32.f32 v17  }
0x3bf: {  	v24 =	vcvt.s32.f32 v16;
	v27 =	vcvt.s32.f32 v15  }
0x3c0: {  	v28 =	vcvt.s32.f32 v14;
	v29 =	vcvt.s32.f32 v20;
	v10 =	vshra.s32 v9, $0x1  }
0x3c1: {  	v11 =	vmul.f32 $5.000000000e-01, v9;
	v21 =	vshra.s32 v12, $0x1;
	v25 =	vmul.f32 $5.000000000e-01, v12  }
0x3c2: {  	v23 =	vshra.s32 v18, $0x1;
	v31 =	vmul.f32 $5.000000000e-01, v18;
	v32 =	vmul.f32 $5.000000000e-01, v22  }
0x3c3: {  	v26 =	vshra.s32 v22, $0x1;
	v34 =	vmul.f32 $5.000000000e-01, v24;
	v35 =	vmul.f32 $5.000000000e-01, v29  }
0x3c4: {  	v30 =	vshra.s32 v24, $0x1;
	v36 =	vmul.f32 $5.000000000e-01, v27;
	v37 =	vmul.f32 $5.000000000e-01, v28  }
0x3c5: {  	v10 =	vsub.s32 $0x5F3759DF, v10;
	v21 =	vsub.s32 $0x5F3759DF, v21;
	v23 =	vsub.s32 $0x5F3759DF, v23  }
0x3c6: {  	v26 =	vsub.s32 $0x5F3759DF, v26;
	v19 =	vmul.f32 v10, v11;
	v39 =	vmul.f32 v21, v25  }
0x3c7: {  	v33 =	vshra.s32 v27, $0x1;
	v40 =	vmul.f32 v23, v31;
	v41 =	vmul.f32 v26, v32  }
0x3c8: {  	v30 =	vsub.s32 $0x5F3759DF, v30;
	v19 =	vmul.f32 v10, v19;
	v39 =	vmul.f32 v21, v39  }
0x3c9: {  	v33 =	vsub.s32 $0x5F3759DF, v33;
	v40 =	vmul.f32 v23, v40;
	v41 =	vmul.f32 v26, v41  }
0x3ca: {  	v42 =	vmul.f32 v30, v34;
	v19 =	vsub.f32 $1.500000000e+00, v19;
	v39 =	vsub.f32 $1.500000000e+00, v39  }
0x3cb: {  	v44 =	vmul.f32 v33, v36;
	v40 =	vsub.f32 $1.500000000e+00, v40;
	v41 =	vsub.f32 $1.500000000e+00, v41  }
0x3cc: {  	v10 =	vmul.f32 v10, v19;
	v19 =	vshra.s32 v29, $0x1;
	v21 =	vmul.f32 v21, v39  }
0x3cd: {  	v23 =	vmul.f32 v23, v40;
	v26 =	vmul.f32 v26, v41;
	v19 =	vsub.s32 $0x5F3759DF, v19  }
0x3ce: {  	v11 =	vmul.f32 v10, v11;
	v38 =	vmul.f32 v19, v35  }
0x3cf: {  	v25 =	vmul.f32 v21, v25;
	v31 =	vmul.f32 v23, v31  }
0x3d0: {  	v43 =	vshra.s32 v28, $0x1;
	v32 =	vmul.f32 v26, v32;
	v11 =	vmul.f32 v11, v10  }
0x3d1: {  	v43 =	vsub.s32 $0x5F3759DF, v43;
	v38 =	vmul.f32 v19, v38;
	v25 =	vmul.f32 v25, v21  }
0x3d2: {  	v50 =	vmul.f32 v33, v44;
	v31 =	vmul.f32 v31, v23;
	v11 =	vsub.f32 $1.500000000e+00, v11  }
0x3d3: {  	v32 =	vmul.f32 v32, v26;
	v38 =	vsub.f32 $1.500000000e+00, v38;
	v25 =	vsub.f32 $1.500000000e+00, v25  }
0x3d4: {  	v10 =	vmul.f32 v11, v10;
	v11 =	vmul.f32 v43, v37  }
0x3d5: {  	v31 =	vsub.f32 $1.500000000e+00, v31;
	v19 =	vmul.f32 v19, v38;
	v21 =	vmul.f32 v25, v21  }
0x3d6: {  	v32 =	vsub.f32 $1.500000000e+00, v32;
	v9 =	vmul.f32 v9, v10;
	v10 =	vmul.f32 v30, v42  }
0x3d7: {  	v51 =	vsub.f32 $1.500000000e+00, v50;
	v23 =	vmul.f32 v31, v23;
	v11 =	vmul.f32 v43, v11  }
0x3d8: {  	v26 =	vmul.f32 v32, v26;
	v52 =	vmul.f32 v19, v35;
	v10 =	vsub.f32 $1.500000000e+00, v10  }
0x3d9: {  	v12 =	vmul.f32 v12, v21;
	v18 =	vmul.f32 v18, v23;
	v11 =	vsub.f32 $1.500000000e+00, v11  }
0x3da: {  	v10 =	vmul.f32 v30, v10;
	v30 =	vmul.f32 v33, v51  }
0x3db: {  	v21 =	vmul.f32 v22, v26;
	v11 =	vmul.f32 v43, v11  }
0x3dc: {  	v33 =	vmul.f32 v52, v19;
	v53 =	vmul.f32 v30, v36  }
0x3dd: {  	v9 =	vtrunc.f32 v9;
	v34 =	vmul.f32 v10, v34  }
0x3de: {  	v54 =	vmul.f32 v11, v37;
	v33 =	vsub.f32 $1.500000000e+00, v33;
	v35 =	vmul.f32 v53, v30  }
0x3df: {  	s30 =	simm.s32 $0x18C0;
	v9 =	vcvt.f32.s32 v9;
	v34 =	vmul.f32 v34, v10  }
0x3e0: {  	v36 =	vmul.f32 v54, v11;
	v19 =	vmul.f32 v33, v19;
	v33 =	vld [tilespmem:s30+$0x30];
	v25 =	vsub.f32 $1.500000000e+00, v35  }
0x3e1: {  	v12 =	vtrunc.f32 v12;
	v18 =	vtrunc.f32 v18;
	v55 =	vsub.f32 $1.500000000e+00, v34  }
0x3e2: {  	v56 =	vsub.f32 $1.500000000e+00, v36;
	v25 =	vmul.f32 v25, v30;
	v30 =	vadd.s32 $0x1, v9  }
0x3e3: {  	v19 =	vmul.f32 v29, v19;
	v10 =	vmul.f32 v55, v10;
	v29 =	vmul.u32 v30, v30  }
0x3e4: {  	v21 =	vtrunc.f32 v21;
	v11 =	vmul.f32 v56, v11  }
0x3e5: {  	v36 =	vcvt.s32.f32 v33;
	v10 =	vmul.f32 v24, v10;
	vm0 =	vgt.s32 v29, v8  }
0x3e6: {  	v22 =	vmul.f32 v27, v25;
	v11 =	vmul.f32 v28, v11;
	v26 =	vsel vm0, v9, v30  }
0x3e7: {  	v9 =	vtrunc.f32 v19;
	v10 =	vtrunc.f32 v10;
	v19 =	vmul.u32 v26, v26  }
0x3e8: {  	v22 =	vtrunc.f32 v22;
	v10 =	vcvt.f32.s32 v10  }
0x3e9: {  	v28 =	vcvt.f32.s32 v22;
	vm0 =	vgt.s32 v19, v8;
	v8 =	vcvt.f32.s32 v9  }
0x3ea: {  	v9 =	vtrunc.f32 v11;
	v11 =	vcvt.f32.s32 v12  }
0x3eb: {  	v12 =	vcvt.f32.s32 v18;
	v19 =	vcvt.f32.s32 v21  }
0x3ec: {  	v30 =	vadd.s32 $0x1, v10;
	v31 =	vadd.s32 $0x1, v28;
	v27 =	vsel vm0, $0xFFFFFFFF, v5  }
0x3ed: {  	v9 =	vcvt.f32.s32 v9;
	v59 =	vmul.u32 v30, v30;
	v60 =	vmul.u32 v31, v31  }
0x3ee: {  	v18 =	vadd.s32 $0x1, v8;
	v21 =	vadd.s32 $0x1, v11;
	v22 =	vadd.s32 $0x1, v12  }
0x3ef: {  	v29 =	vadd.s32 $0x1, v19;
	v26 =	vadd.s32 v27, v26;
	v23 =	vmul.u32 v18, v18  }
0x3f0: {  	v57 =	vadd.s32 $0x1, v9;
	v24 =	vmul.u32 v21, v21;
	v25 =	vmul.u32 v22, v22  }
0x3f1: {  	v58 =	vmul.u32 v29, v29;
	vm4 =	vgt.s32 v59, v16;
	vm5 =	vgt.s32 v60, v15  }
0x3f2: {  	v61 =	vmul.u32 v57, v57;
	vm0 =	vgt.s32 v23, v20;
	vm1 =	vgt.s32 v24, v7  }
0x3f3: {  	vm2 =	vgt.s32 v25, v13;
	vm3 =	vgt.s32 v58, v17;
	v25 =	vsel vm0, v8, v18  }
0x3f4: {  	v24 =	vsel vm1, v11, v21;
	vm0 =	vgt.s32 v61, v14;
	v11 =	vld [tilespmem:s30+$0xFFFFFFD0];
	v23 =	vsel vm2, v12, v22  }
0x3f5: {  	v22 =	vsel vm3, v19, v29;
	v21 =	vsel vm4, v10, v30;
	v10 =	vld [tilespmem:s30+$0xFFFFFFE0];
	v19 =	vsel vm5, v28, v31  }
0x3f6: {  	v12 =	vld [tilespmem:s30+$0xFFFFFFF0];
	v29 =	vmul.u32 v25, v25;
	v18 =	vsel vm0, v9, v57;
	v28 =	vmul.u32 v24, v24  }
0x3f7: {  	v8 =	vld [tilespmem:s30+$0x0];
	v30 =	vmul.u32 v23, v23;
	v31 =	vmul.u32 v22, v22;
	v62 =	vmul.u32 v21, v21  }
0x3f8: {  	s31 =	simm.s32 $0x20C0;
	v34 =	vmul.u32 v19, v19;
	v9 =	vld [tilespmem:s30+$0x10];
	v35 =	vmul.u32 v18, v18;
	vm6 =	vgt.s32 v29, v20  }
0x3f9: {  	[tilespmem:s31+$0x30] =	vst v26;
	vm4 =	vgt.s32 v28, v7;
	vm1 =	vgt.s32 v30, v13;
	vm0 =	vgt.s32 v31, v17  }
0x3fa: {  	v26 =	vld.idx.msk [tilespmem:v26+s9+$0x0], $0xffff;
	v28 =	vshra.s32 v36, $0x1;
	v29 =	vmul.f32 $5.000000000e-01, v36;
	vm5 =	vgt.s32 v62, v16  }
0x3fb: {  	v7 =	vld [tilespmem:s30+$0x20];
	vm2 =	vgt.s32 v34, v15;
	v20 =	vcvt.s32.f32 v11;
	v17 =	vcvt.s32.f32 v10  }
0x3fc: {  	v13 =	vld [tilespmem:s30+$0xFFFFFFC0];
	v28 =	vsub.s32 $0x5F3759DF, v28;
	v31 =	vcvt.s32.f32 v12;
	v38 =	vcvt.s32.f32 v8  }
0x3fd: {  	vm3 =	vgt.s32 v35, v14;
	v57 =	vmul.f32 v28, v29;
	v42 =	vcvt.s32.f32 v9  }
0x3fe: {  	v30 =	vshra.s32 v20, $0x1;
	v63 =	vshra.s32 v17, $0x1;
	v58 =	vmul.f32 $5.000000000e-01, v20  }
0x3ff: {  	s20 =	simm.s32 $0x39F0;
	v59 =	vshra.s32 v31, $0x1;
	v39 =	vmul.f32 v28, v57;
	v46 =	vmul.f32 $5.000000000e-01, v17  }
0x400: {  	s21 =	simm.s32 $0x2940;
	[tilespmem:s20+$0x0] =	vst v26;
	v60 =	vshra.s32 v38, $0x1;
	v48 =	vmul.f32 $5.000000000e-01, v31;
	v49 =	vmul.f32 $5.000000000e-01, v38  }
0x401: {  	[tilespmem:s21+$0x30] =	vst v26;
	v26 =	vsel vm2, $0xFFFFFFFF, v5;
	v44 =	vcvt.s32.f32 v7;
	v45 =	vcvt.s32.f32 v13  }
0x402: {  	v52 =	vmul.f32 $5.000000000e-01, v42;
	v30 =	vsub.s32 $0x5F3759DF, v30;
	v37 =	vsub.s32 $0x5F3759DF, v63  }
0x403: {  	v41 =	vsub.s32 $0x5F3759DF, v59;
	v39 =	vsub.f32 $1.500000000e+00, v39;
	v55 =	vmul.f32 v30, v58  }
0x404: {  	v43 =	vsub.s32 $0x5F3759DF, v60;
	v16 =	vmul.f32 v37, v46;
	v62 =	vmul.f32 v41, v48  }
0x405: {  	v47 =	vshra.s32 v42, $0x1;
	v15 =	vmul.f32 v43, v49;
	v28 =	vmul.f32 v28, v39  }
0x406: {  	v47 =	vsub.s32 $0x5F3759DF, v47;
	v51 =	vmul.f32 $5.000000000e-01, v45;
	v54 =	vmul.f32 $5.000000000e-01, v44  }
0x407: {  	v50 =	vshra.s32 v45, $0x1;
	v63 =	vmul.f32 v47, v52;
	v29 =	vmul.f32 v28, v29  }
0x408: {  	v53 =	vshra.s32 v44, $0x1;
	v27 =	vmul.f32 v30, v55;
	v16 =	vmul.f32 v37, v16  }
0x409: {  	v61 =	vsub.s32 $0x5F3759DF, v50;
	v32 =	vmul.f32 v41, v62;
	v29 =	vmul.f32 v29, v28  }
0x40a: {  	v53 =	vsub.s32 $0x5F3759DF, v53;
	v15 =	vmul.f32 v43, v15;
	v50 =	vmul.f32 v61, v51  }
0x40b: {  	v34 =	vmul.f32 v47, v63;
	v27 =	vsub.f32 $1.500000000e+00, v27;
	v29 =	vsub.f32 $1.500000000e+00, v29  }
0x40c: {  	v63 =	vsel vm0, $0xFFFFFFFF, v5;
	v16 =	vsub.f32 $1.500000000e+00, v16;
	v32 =	vsub.f32 $1.500000000e+00, v32  }
0x40d: {  	v15 =	vsub.f32 $1.500000000e+00, v15;
	v14 =	vmul.f32 v61, v50;
	v28 =	vmul.f32 v29, v28  }
0x40e: {  	v22 =	vadd.s32 v63, v22;
	v50 =	vmul.f32 v53, v54;
	v27 =	vmul.f32 v30, v27  }
0x40f: {  	v34 =	vsub.f32 $1.500000000e+00, v34;
	v16 =	vmul.f32 v37, v16;
	v28 =	vmul.f32 v36, v28  }
0x410: {  	v30 =	vsel vm4, $0xFFFFFFFF, v5;
	v32 =	vmul.f32 v41, v32;
	v15 =	vmul.f32 v43, v15  }
0x411: {  	v41 =	vsel vm1, $0xFFFFFFFF, v5;
	v35 =	vmul.f32 v53, v50;
	v28 =	vtrunc.f32 v28  }
0x412: {  	v14 =	vsub.f32 $1.500000000e+00, v14;
	v34 =	vmul.f32 v47, v34;
	v28 =	vcvt.f32.s32 v28  }
0x413: {  	v23 =	vadd.s32 v41, v23;
	v40 =	vmul.f32 v27, v58;
	v57 =	vmul.f32 v16, v46  }
0x414: {  	v58 =	vmul.f32 v32, v48;
	v59 =	vmul.f32 v15, v49;
	v55 =	vadd.s32 $0x1, v28  }
0x415: {  	v35 =	vsub.f32 $1.500000000e+00, v35;
	v14 =	vmul.f32 v61, v14;
	v56 =	vmul.u32 v55, v55  }
0x416: {  	v60 =	vmul.f32 v34, v52;
	v29 =	vsel vm6, $0xFFFFFFFF, v5;
	v40 =	vmul.f32 v40, v27  }
0x417: {  	v43 =	vmul.f32 v57, v16;
	v37 =	vmul.f32 v58, v32;
	vm1 =	vgt.s32 v56, v33  }
0x418: {  	v39 =	vmul.f32 v14, v51;
	v35 =	vmul.f32 v53, v35;
	v28 =	vsel vm1, v28, v55  }
0x419: {  	v51 =	vmul.f32 v59, v15;
	v53 =	vsel vm5, $0xFFFFFFFF, v5;
	v62 =	vmul.u32 v28, v28  }
0x41a: {  	v25 =	vadd.s32 v29, v25;
	v36 =	vmul.f32 v60, v34;
	v40 =	vsub.f32 $1.500000000e+00, v40  }
0x41b: {  	v43 =	vsub.f32 $1.500000000e+00, v43;
	v37 =	vsub.f32 $1.500000000e+00, v37;
	vm0 =	vgt.s32 v62, v33  }
0x41c: {  	v61 =	vmul.f32 v35, v54;
	v39 =	vmul.f32 v39, v14;
	v52 =	vsel vm0, $0xFFFFFFFF, v5  }
0x41d: {  	v27 =	vmul.f32 v40, v27;
	v16 =	vmul.f32 v43, v16;
	v28 =	vadd.s32 v52, v28  }
0x41e: {  	v32 =	vmul.f32 v37, v32;
	v39 =	vsub.f32 $1.500000000e+00, v39;
	v47 =	vmul.f32 v61, v35  }
0x41f: {  	v20 =	vmul.f32 v20, v27;
	v16 =	vmul.f32 v17, v16;
	v17 =	vadd.s32 v30, v24  }
0x420: {  	s22 =	simm.s32 $0x2140;
	v36 =	vsub.f32 $1.500000000e+00, v36;
	v24 =	vmul.f32 v31, v32;
	v14 =	vmul.f32 v39, v14  }
0x421: {  	v54 =	vsub.f32 $1.500000000e+00, v47;
	v20 =	vtrunc.f32 v20;
	v16 =	vtrunc.f32 v16;
	[tilespmem:s22+$0x30] =	vst v28  }
0x422: {  	[tilespmem:s31+$0xFFFFFFF0] =	vst v22;
	v24 =	vtrunc.f32 v24;
	v14 =	vmul.f32 v45, v14;
	v33 =	vsub.f32 $1.500000000e+00, v51;
	v28 =	vld.idx.msk [tilespmem:v28+s9+$0x0], $0xffff  }
0x423: {  	v21 =	vadd.s32 v53, v21;
	[tilespmem:s31+$0xFFFFFFD0] =	vst v17;
	v35 =	vmul.f32 v54, v35;
	v55 =	vmul.f32 v36, v34  }
0x424: {  	[tilespmem:s31+$0xFFFFFFE0] =	vst v23;
	v30 =	vadd.s32 v26, v19;
	v58 =	vld.idx.msk [tilespmem:v17+s9+$0x0], $0xffff;
	v17 =	vcvt.f32.s32 v24;
	v15 =	vmul.f32 v33, v15  }
0x425: {  	[tilespmem:s31+$0xFFFFFFC0] =	vst v25;
	v59 =	vld.idx.msk [tilespmem:v23+s9+$0x0], $0xffff;
	v56 =	vsel vm3, $0xFFFFFFFF, v5;
	v29 =	vmul.f32 v44, v35;
	v27 =	vmul.f32 v42, v55  }
0x426: {  	s18 =	simm.s32 $0x3A70;
	[tilespmem:s31+$0x0] =	vst v21;
	v14 =	vtrunc.f32 v14;
	v32 =	vadd.s32 $0x1, v17;
	v15 =	vmul.f32 v38, v15  }
0x427: {  	s19 =	simm.s32 $0x29C0;
	v29 =	vtrunc.f32 v29;
	v61 =	vmul.u32 v32, v32;
	v27 =	vtrunc.f32 v27;
	[tilespmem:s18+$0x0] =	vst v28  }
0x428: {  	v57 =	vld.idx.msk [tilespmem:v25+s9+$0x0], $0xffff;
	v26 =	vtrunc.f32 v15;
	v15 =	vcvt.f32.s32 v14;
	[tilespmem:s19+$0x30] =	vst v28;
	v28 =	vadd.s32 v56, v18  }
0x429: {  	[tilespmem:s31+$0x10] =	vst v30;
	v14 =	vcvt.f32.s32 v16;
	v16 =	vcvt.f32.s32 v26  }
0x42a: {  	v25 =	vld.idx.msk [tilespmem:v22+s9+$0x0], $0xffff;
	[tilespmem:s20+$0xFFFFFFB0] =	vst v59;
	vm3 =	vgt.s32 v61, v12;
	v26 =	vcvt.f32.s32 v27;
	v27 =	vcvt.f32.s32 v29  }
0x42b: {  	v23 =	vld.idx.msk [tilespmem:v21+s9+$0x0], $0xffff;
	[tilespmem:s21+$0xFFFFFFE0] =	vst v59;
	v19 =	vadd.s32 $0x1, v15;
	v31 =	vadd.s32 $0x1, v14;
	v18 =	vcvt.f32.s32 v20  }
0x42c: {  	v22 =	vld.idx.msk [tilespmem:v30+s9+$0x0], $0xffff;
	v30 =	vadd.s32 $0x1, v16;
	v29 =	vadd.s32 $0x1, v27;
	v60 =	vmul.u32 v31, v31;
	[tilespmem:s31+$0x20] =	vst v28  }
0x42d: {  	[tilespmem:s20+$0xFFFFFF90] =	vst v57;
	v62 =	vmul.u32 v30, v30;
	v33 =	vadd.s32 $0x1, v18;
	v24 =	vld.idx.msk [tilespmem:v28+s9+$0x0], $0xffff;
	v28 =	vadd.s32 $0x1, v26  }
0x42e: {  	[tilespmem:s21+$0xFFFFFFC0] =	vst v57;
	v20 =	vmul.u32 v19, v19;
	v21 =	vmul.u32 v33, v33;
	v63 =	vmul.u32 v28, v28  }
0x42f: {  	[tilespmem:s20+$0xFFFFFFA0] =	vst v58;
	v34 =	vmul.u32 v29, v29;
	vm1 =	vgt.s32 v60, v10;
	vm2 =	vgt.s32 v62, v8  }
0x430: {  	s24 =	simm.s32 $0x80;
	s25 =	simm.s32 $0x1940;
	s23 =	simm.s32 $0x2140;
	[tilespmem:s21+$0xFFFFFFD0] =	vst v58;
	vm5 =	vgt.s32 v20, v13;
	vm4 =	vgt.s32 v21, v11;
	vm0 =	vgt.s32 v63, v9  }
.LBB2_32:
0x431: {  	v21 =	vld [tilespmem:s25+$0x30];
	v20 =	vsel vm5, v15, v19;
	v18 =	vsel vm4, v18, v33;
	vm4 =	vgt.s32 v34, v7;
	[tilespmem:s20+$0xFFFFFFC0] =	vst v25  }
0x432: {  	s24 =	sadd.s32 $0x80, s24;
	v19 =	vsel vm1, v14, v31;
	v17 =	vsel vm3, v17, v32;
	v16 =	vsel vm2, v16, v30;
	v33 =	vld [tilespmem:s25+$0xFFFFFFD0];
	[tilespmem:s21+$0xFFFFFFF0] =	vst v25  }
0x433: {  	v15 =	vsel vm0, v26, v28;
	p1 =	slt.u32 s24, $0x780;
	v30 =	vmul.u32 v20, v20;
	v14 =	vsel vm4, v27, v29;
	v25 =	vld [tilespmem:s25+$0xFFFFFFE0];
	[tilespmem:s20+$0xFFFFFFD0] =	vst v23  }
0x434: {  	v27 =	vmul.u32 v18, v18;
	v28 =	vmul.u32 v19, v19;
	v29 =	vmul.u32 v17, v17;
	v26 =	vld [tilespmem:s25+$0xFFFFFFF0];
	[tilespmem:s21+$0x0] =	vst v23  }
0x435: {  	v32 =	vmul.u32 v16, v16;
	v34 =	vmul.u32 v15, v15;
	v35 =	vmul.u32 v14, v14;
	v31 =	vld [tilespmem:s25+$0x0];
	[tilespmem:s20+$0xFFFFFFE0] =	vst v22  }
0x436: {  	vm6 =	vgt.s32 v30, v13;
	vm2 =	vgt.s32 v27, v11;
	v36 =	vld [tilespmem:s25+$0x10];
	v37 =	vcvt.s32.f32 v21;
	[tilespmem:s21+$0x10] =	vst v22  }
0x437: {  	vm1 =	vgt.s32 v28, v10;
	vm0 =	vgt.s32 v29, v12;
	v22 =	vcvt.s32.f32 v33;
	v30 =	vld [tilespmem:s25+$0x20];
	[tilespmem:s20+$0xFFFFFFF0] =	vst v24;
	v11 =	vmovc v33;
	s20 =	smov.u32 s18  }
0x438: {  	v13 =	vld [tilespmem:s25+$0xFFFFFFC0];
	v23 =	vcvt.s32.f32 v25;
	v27 =	vshra.s32 v37, $0x1;
	v29 =	vmul.f32 $5.000000000e-01, v37;
	[tilespmem:s21+$0x20] =	vst v24;
	v10 =	vmovc v25;
	s21 =	smov.u32 s19  }
0x439: {  	v33 =	vshra.s32 v22, $0x1;
	v24 =	vcvt.s32.f32 v26;
	v38 =	vsub.s32 $0x5F3759DF, v27;
	v12 =	vmovc v26  }
0x43a: {  	v39 =	vshra.s32 v23, $0x1;
	v25 =	vcvt.s32.f32 v31;
	v28 =	vmul.f32 v38, v29  }
0x43b: {  	v40 =	vmul.f32 $5.000000000e-01, v22;
	v41 =	vshra.s32 v24, $0x1;
	v26 =	vcvt.s32.f32 v36  }
0x43c: {  	v42 =	vshra.s32 v25, $0x1;
	v27 =	vcvt.s32.f32 v30;
	v43 =	vmul.f32 v38, v28  }
0x43d: {  	v44 =	vmul.f32 $5.000000000e-01, v23;
	v28 =	vcvt.s32.f32 v13;
	v45 =	vshra.s32 v26, $0x1  }
0x43e: {  	v46 =	vmul.f32 $5.000000000e-01, v24;
	v47 =	vmul.f32 $5.000000000e-01, v25;
	v43 =	vsub.f32 $1.500000000e+00, v43  }
0x43f: {  	v50 =	vmul.f32 $5.000000000e-01, v26;
	v48 =	vshra.s32 v28, $0x1;
	v49 =	vmul.f32 $5.000000000e-01, v28  }
0x440: {  	v51 =	vshra.s32 v27, $0x1;
	v52 =	vmul.f32 $5.000000000e-01, v27;
	v38 =	vmul.f32 v38, v43  }
0x441: {  	v33 =	vsub.s32 $0x5F3759DF, v33;
	v39 =	vsub.s32 $0x5F3759DF, v39;
	v43 =	vsub.s32 $0x5F3759DF, v48  }
0x442: {  	v41 =	vsub.s32 $0x5F3759DF, v41;
	v42 =	vsub.s32 $0x5F3759DF, v42;
	v29 =	vmul.f32 v38, v29  }
0x443: {  	v45 =	vsub.s32 $0x5F3759DF, v45;
	v51 =	vsub.s32 $0x5F3759DF, v51;
	v48 =	vmul.f32 v43, v49  }
0x444: {  	vm5 =	vgt.s32 v32, v8;
	v8 =	vmovc v31;
	v53 =	vmul.f32 v33, v40;
	v29 =	vmul.f32 v29, v38  }
0x445: {  	vm3 =	vgt.s32 v34, v9;
	v9 =	vmovc v36;
	v31 =	vmul.f32 v39, v44;
	v32 =	vmul.f32 v41, v46  }
0x446: {  	v34 =	vmul.f32 v42, v47;
	v36 =	vmul.f32 v45, v50;
	v29 =	vsub.f32 $1.500000000e+00, v29  }
0x447: {  	vm4 =	vgt.s32 v35, v7;
	v7 =	vmovc v30;
	v54 =	vmul.f32 v51, v52;
	v48 =	vmul.f32 v43, v48  }
0x448: {  	v35 =	vsel vm6, $0xFFFFFFFF, v5;
	v30 =	vmul.f32 v33, v53;
	v29 =	vmul.f32 v29, v38  }
0x449: {  	v31 =	vmul.f32 v39, v31;
	v32 =	vmul.f32 v41, v32;
	v38 =	vsub.f32 $1.500000000e+00, v48  }
0x44a: {  	v30 =	vsub.f32 $1.500000000e+00, v30;
	v34 =	vmul.f32 v42, v34;
	v29 =	vmul.f32 v37, v29  }
0x44b: {  	v31 =	vsub.f32 $1.500000000e+00, v31;
	v36 =	vmul.f32 v45, v36;
	v37 =	vmul.f32 v51, v54  }
0x44c: {  	v32 =	vsub.f32 $1.500000000e+00, v32;
	v34 =	vsub.f32 $1.500000000e+00, v34;
	v29 =	vtrunc.f32 v29  }
0x44d: {  	v36 =	vsub.f32 $1.500000000e+00, v36;
	v37 =	vsub.f32 $1.500000000e+00, v37;
	v29 =	vcvt.f32.s32 v29  }
0x44e: {  	v30 =	vmul.f32 v33, v30;
	v33 =	vsel vm2, $0xFFFFFFFF, v5;
	v38 =	vmul.f32 v43, v38  }
0x44f: {  	v31 =	vmul.f32 v39, v31;
	v32 =	vmul.f32 v41, v32;
	v39 =	vadd.s32 $0x1, v29  }
0x450: {  	v34 =	vmul.f32 v42, v34;
	v36 =	vmul.f32 v45, v36;
	v41 =	vmul.u32 v39, v39  }
0x451: {  	v43 =	vsel vm1, $0xFFFFFFFF, v5;
	v42 =	vmul.f32 v38, v49;
	v37 =	vmul.f32 v51, v37  }
0x452: {  	v40 =	vmul.f32 v30, v40;
	v44 =	vmul.f32 v31, v44;
	vm1 =	vgt.s32 v41, v21  }
0x453: {  	v45 =	vmul.f32 v34, v47;
	v41 =	vmul.f32 v32, v46;
	v29 =	vsel vm1, v29, v39  }
0x454: {  	v46 =	vmul.f32 v37, v52;
	v39 =	vmul.f32 v36, v50;
	v47 =	vmul.u32 v29, v29  }
0x455: {  	v40 =	vmul.f32 v40, v30;
	v48 =	vsel vm0, $0xFFFFFFFF, v5;
	v42 =	vmul.f32 v42, v38  }
0x456: {  	v44 =	vmul.f32 v44, v31;
	v41 =	vmul.f32 v41, v32;
	vm0 =	vgt.s32 v47, v21  }
0x457: {  	v39 =	vmul.f32 v39, v36;
	v21 =	vmul.f32 v45, v34;
	v45 =	vsel vm0, $0xFFFFFFFF, v5  }
0x458: {  	v42 =	vsub.f32 $1.500000000e+00, v42;
	v46 =	vmul.f32 v46, v37;
	v29 =	vadd.s32 v45, v29  }
0x459: {  	v40 =	vsub.f32 $1.500000000e+00, v40;
	v44 =	vsub.f32 $1.500000000e+00, v44;
	v45 =	vsel vm5, $0xFFFFFFFF, v5  }
0x45a: {  	v38 =	vmul.f32 v42, v38;
	v41 =	vsub.f32 $1.500000000e+00, v41;
	v21 =	vsub.f32 $1.500000000e+00, v21  }
0x45b: {  	s22 =	sadd.s32 $0x80, s22;
	v30 =	vmul.f32 v40, v30;
	v40 =	vsub.f32 $1.500000000e+00, v46;
	v39 =	vsub.f32 $1.500000000e+00, v39  }
0x45c: {  	v31 =	vmul.f32 v44, v31;
	v32 =	vmul.f32 v41, v32;
	v41 =	vsel vm3, $0xFFFFFFFF, v5;
	[tilespmem:s22+$0x30] =	vst v29  }
0x45d: {  	v21 =	vmul.f32 v21, v34;
	v34 =	vmul.f32 v39, v36;
	v36 =	vsel vm4, $0xFFFFFFFF, v5;
	v29 =	vld.idx.msk [tilespmem:v29+s9+$0x0], $0xffff  }
0x45e: {  	v20 =	vadd.s32 v35, v20;
	v28 =	vmul.f32 v28, v38;
	v37 =	vmul.f32 v40, v37  }
0x45f: {  	v18 =	vadd.s32 v33, v18;
	v22 =	vmul.f32 v22, v30;
	v23 =	vmul.f32 v23, v31;
	[tilespmem:s23+$0xFFFFFFC0] =	vst v20  }
0x460: {  	v19 =	vadd.s32 v43, v19;
	v24 =	vmul.f32 v24, v32;
	v21 =	vmul.f32 v25, v21;
	[tilespmem:s23+$0xFFFFFFD0] =	vst v18  }
0x461: {  	v17 =	vadd.s32 v48, v17;
	v25 =	vmul.f32 v26, v34;
	v26 =	vmul.f32 v27, v37;
	[tilespmem:s23+$0xFFFFFFE0] =	vst v19  }
0x462: {  	s18 =	sadd.s32 $0x80, s18;
	v22 =	vtrunc.f32 v22;
	v27 =	vtrunc.f32 v28;
	v28 =	vadd.s32 v45, v16;
	[tilespmem:s23+$0xFFFFFFF0] =	vst v17  }
0x463: {  	s19 =	sadd.s32 $0x80, s19;
	v16 =	vtrunc.f32 v23;
	v23 =	vtrunc.f32 v24;
	v24 =	vadd.s32 v41, v15;
	[tilespmem:s18+$0x0] =	vst v29;
	v20 =	vld.idx.msk [tilespmem:v20+s9+$0x0], $0xffff  }
0x464: {  	v21 =	vtrunc.f32 v21;
	v30 =	vtrunc.f32 v25;
	[tilespmem:s19+$0x30] =	vst v29;
	v35 =	vld.idx.msk [tilespmem:v18+s9+$0x0], $0xffff;
	v29 =	vadd.s32 v36, v14  }
0x465: {  	v15 =	vcvt.f32.s32 v27;
	v27 =	vtrunc.f32 v26;
	v36 =	vld.idx.msk [tilespmem:v19+s9+$0x0], $0xffff;
	[tilespmem:s23+$0x0] =	vst v28  }
0x466: {  	v18 =	vcvt.f32.s32 v22;
	v14 =	vcvt.f32.s32 v16;
	v25 =	vld.idx.msk [tilespmem:v17+s9+$0x0], $0xffff;
	[tilespmem:s23+$0x10] =	vst v24  }
0x467: {  	v16 =	vcvt.f32.s32 v21;
	v19 =	vadd.s32 $0x1, v15;
	v17 =	vcvt.f32.s32 v23;
	v23 =	vld.idx.msk [tilespmem:v28+s9+$0x0], $0xffff;
	[tilespmem:s23+$0x20] =	vst v29;
	s23 =	smov.u32 s22  }
0x468: {  	v26 =	vcvt.f32.s32 v30;
	v27 =	vcvt.f32.s32 v27;
	v33 =	vadd.s32 $0x1, v18;
	v22 =	vld.idx.msk [tilespmem:v24+s9+$0x0], $0xffff  }
0x469: {  	v31 =	vadd.s32 $0x1, v14;
	v30 =	vadd.s32 $0x1, v16;
	v32 =	vadd.s32 $0x1, v17;
	[tilespmem:s20+$0xFFFFFF90] =	vst v20;
	v24 =	vld.idx.msk [tilespmem:v29+s9+$0x0], $0xffff  }
.Ltmp18:
0x46a: {  	v21 =	vmul.u32 v19, v19;
	v28 =	vadd.s32 $0x1, v26;
	v29 =	vadd.s32 $0x1, v27;
	[tilespmem:s21+$0xFFFFFFC0] =	vst v20;
	(pc) =	sbr.rel @p1 .LBB2_32-.Ltmp18, $4  }
0x46b: {  	v37 =	vmul.u32 v31, v31;
	v38 =	vmul.u32 v32, v32;
	v20 =	vmul.u32 v33, v33;
	[tilespmem:s20+$0xFFFFFFA0] =	vst v35  }
0x46c: {  	v39 =	vmul.u32 v30, v30;
	v40 =	vmul.u32 v28, v28;
	v34 =	vmul.u32 v29, v29;
	[tilespmem:s21+$0xFFFFFFD0] =	vst v35  }
0x46d: {  	vm5 =	vgt.s32 v21, v13;
	vm1 =	vgt.s32 v37, v10;
	vm4 =	vgt.s32 v20, v11;
	[tilespmem:s20+$0xFFFFFFB0] =	vst v36  }
0x46e: {  	s25 =	sadd.s32 $0x80, s25;
	vm2 =	vgt.s32 v39, v8;
	vm0 =	vgt.s32 v40, v9;
	vm3 =	vgt.s32 v38, v12;
	[tilespmem:s21+$0xFFFFFFE0] =	vst v36  }
0x46f: {  	v15 =	vsel vm5, v15, v19;
	[tilespmem:s20+$0xFFFFFFC0] =	vst v25  }
0x470: {  	v18 =	vsel vm4, v18, v33;
	vm15 =	vgt.s32 v34, v7;
	[tilespmem:s20+$0xFFFFFFD0] =	vst v23;
	v19 =	vmul.u32 v15, v15  }
0x471: {  	v14 =	vsel vm1, v14, v31;
	v17 =	vsel vm3, v17, v32;
	[tilespmem:s20+$0xFFFFFFE0] =	vst v22;
	v20 =	vmul.u32 v18, v18  }
0x472: {  	v16 =	vsel vm2, v16, v30;
	[tilespmem:s20+$0xFFFFFFF0] =	vst v24;
	v59 =	vmul.u32 v14, v14;
	vm7 =	vgt.s32 v19, v13  }
0x473: {  	[tilespmem:s21+$0xFFFFFFF0] =	vst v25;
	v60 =	vmul.u32 v16, v16;
	vm8 =	vgt.s32 v20, v11;
	v21 =	vsel vm7, $0xFFFFFFFF, v5  }
0x474: {  	[tilespmem:s21+$0x0] =	vst v23;
	v13 =	vsel vm0, v26, v28;
	v61 =	vsel vm8, $0xFFFFFFFF, v5;
	v11 =	vadd.s32 v21, v15  }
0x475: {  	[tilespmem:s21+$0x10] =	vst v22;
	vm9 =	vgt.s32 v59, v10;
	v62 =	vmul.u32 v13, v13;
	v10 =	vadd.s32 v61, v18  }
0x476: {  	v58 =	vsel vm15, v27, v29;
	[tilespmem:s21+$0x20] =	vst v24;
	vm11 =	vgt.s32 v60, v8;
	v15 =	vmul.u32 v17, v17  }
0x477: {  	v63 =	vmul.u32 v58, v58;
	[tilespmem:s23+$0xFFFFFFC0] =	vst v11;
	vm12 =	vgt.s32 v62, v9;
	v9 =	vsel vm11, $0xFFFFFFFF, v5  }
0x478: {  	[tilespmem:s23+$0xFFFFFFD0] =	vst v10;
	vm10 =	vgt.s32 v15, v12;
	v12 =	vsel vm9, $0xFFFFFFFF, v5;
	v9 =	vadd.s32 v9, v16  }
0x479: {  	vm13 =	vgt.s32 v63, v7;
	v7 =	vsel vm12, $0xFFFFFFFF, v5;
	v12 =	vadd.s32 v12, v14;
	[tilespmem:s23+$0x0] =	vst v9;
	v11 =	vld.idx.msk [tilespmem:v11+s9+$0x0], $0xffff  }
0x47a: {  	v8 =	vsel vm10, $0xFFFFFFFF, v5;
	v7 =	vadd.s32 v7, v13;
	[tilespmem:s23+$0xFFFFFFE0] =	vst v12;
	v10 =	vld.idx.msk [tilespmem:v10+s9+$0x0], $0xffff  }
0x47b: {  	v14 =	vsel vm13, $0xFFFFFFFF, v5;
	v8 =	vadd.s32 v8, v17;
	[tilespmem:s23+$0x10] =	vst v7  }
0x47c: {  	v13 =	vadd.s32 v14, v58;
	[tilespmem:s23+$0xFFFFFFF0] =	vst v8  }
0x47d: {  	[tilespmem:s23+$0x20] =	vst v13;
	v9 =	vld.idx.msk [tilespmem:v9+s9+$0x0], $0xffff  }
0x47e: {  	v12 =	vld.idx.msk [tilespmem:v12+s9+$0x0], $0xffff;
	[tilespmem:s18+$0xFFFFFF90] =	vst v11  }
0x47f: {  	[tilespmem:s18+$0xFFFFFFA0] =	vst v10  }
0x480: {  	v7 =	vld.idx.msk [tilespmem:v7+s9+$0x0], $0xffff;
	[tilespmem:s19+$0xFFFFFFC0] =	vst v11  }
0x481: {  	[tilespmem:s19+$0xFFFFFFD0] =	vst v10  }
0x482: {  	v8 =	vld.idx.msk [tilespmem:v8+s9+$0x0], $0xffff;
	[tilespmem:s18+$0xFFFFFFD0] =	vst v9  }
0x483: {  	[tilespmem:s18+$0xFFFFFFB0] =	vst v12  }
0x484: {  	[tilespmem:s19+$0x0] =	vst v9  }
0x485: {  	v10 =	vld.idx.msk [tilespmem:v13+s9+$0x0], $0xffff;
	[tilespmem:s18+$0xFFFFFFE0] =	vst v7  }
0x486: {  	[tilespmem:s19+$0xFFFFFFE0] =	vst v12  }
0x487: {  	[tilespmem:s18+$0xFFFFFFC0] =	vst v8  }
0x488: {  	[tilespmem:s19+$0x10] =	vst v7  }
0x489: {  	[tilespmem:s19+$0xFFFFFFF0] =	vst v8  }
0x48a: {  	[tilespmem:s18+$0xFFFFFFF0] =	vst v10  }
0x48b: {  	[tilespmem:s19+$0x20] =	vst v10  }
0x48c: {  	v7 =	vld [tilespmem:$0x2000];
	_ =	sdelay $0x4  }
0x48d: {  	v8 =	vcvt.s32.f32 v7;
	_ =	sdelay $0x1  }
0x48e: {  	v9 =	vshra.s32 v8, $0x1;
	v10 =	vmul.f32 $5.000000000e-01, v8  }
0x48f: {  	v9 =	vsub.s32 $0x5F3759DF, v9  }
0x490: {  	v11 =	vmul.f32 v9, v10;
	_ =	sdelay $0x1  }
0x491: {  	v11 =	vmul.f32 v9, v11;
	_ =	sdelay $0x1  }
0x492: {  	v11 =	vsub.f32 $1.500000000e+00, v11;
	_ =	sdelay $0x1  }
0x493: {  	v9 =	vmul.f32 v9, v11;
	_ =	sdelay $0x1  }
0x494: {  	v10 =	vmul.f32 v9, v10;
	_ =	sdelay $0x1  }
0x495: {  	v10 =	vmul.f32 v10, v9;
	_ =	sdelay $0x1  }
0x496: {  	v10 =	vsub.f32 $1.500000000e+00, v10;
	_ =	sdelay $0x1  }
0x497: {  	v9 =	vmul.f32 v10, v9;
	_ =	sdelay $0x1  }
0x498: {  	v8 =	vmul.f32 v8, v9;
	_ =	sdelay $0x1  }
0x499: {  	v8 =	vtrunc.f32 v8  }
0x49a: {  	v8 =	vcvt.f32.s32 v8;
	_ =	sdelay $0x1  }
0x49b: {  	v9 =	vadd.s32 $0x1, v8  }
0x49c: {  	v10 =	vmul.u32 v9, v9;
	_ =	sdelay $0x1  }
0x49d: {  	vm14 =	vgt.s32 v10, v7  }
0x49e: {  	v8 =	vsel vm14, v8, v9  }
0x49f: {  	v9 =	vmul.u32 v8, v8;
	_ =	sdelay $0x1  }
0x4a0: {  	vm15 =	vgt.s32 v9, v7  }
0x4a1: {  	v7 =	vsel vm15, $0xFFFFFFFF, v5  }
0x4a2: {  	v7 =	vadd.s32 v7, v8;
	_ =	sdelay $0x3  }
0x4a3: {  	[tilespmem:$0x2880] =	vst v7  }
0x4a4: {  	v7 =	vld.idx.msk [tilespmem:v7+s9+$0x0], $0xffff;
	_ =	sdelay $0x4  }
0x4a5: {  	s31 =	simm.s32 $0x30F1;
	[tilespmem:$0x3100] =	vst v7  }
0x4a6: {  	v9 =	vld [tilespmem:s31+$0xFFFFFF90]  }
0x4a7: {  	v11 =	vld [tilespmem:s31+$0xFFFFFFF0]  }
0x4a8: {  	v13 =	vld [tilespmem:s31+$0xFFFFFFE0]  }
0x4a9: {  	v10 =	vld [tilespmem:s31+$0xFFFFFFD0]  }
0x4aa: {  	v8 =	vld [tilespmem:s31+$0xFFFFFFC0]  }
0x4ab: {  	v7 =	vld [tilespmem:s31+$0xFFFFFFB0];
	v14 =	vperm.xlane v9, v6  }
0x4ac: {  	s0 =	simm.s32 $0x31C0;
	v9 =	vld [tilespmem:s31+$0xFFFFFFA0];
	v12 =	vperm.xlane v11, v6  }
0x4ad: {  	s18 =	simm.s32 $0x0;
	s19 =	simm.s32 $0x3071;
	v11 =	vld [tilespmem:s31+$0x0];
	v13 =	vperm.xlane v13, v6;
	[tilespmem:s0+$0x30] =	vst v14  }
.LBB2_34:
0x4ae: {  	v14 =	vld [tilespmem:s19+$0xFFFFFF90];
	s18 =	sadd.s32 $0x80, s18;
	[tilespmem:s0+$0xFFFFFFD0] =	vst v12;
	v10 =	vperm.xlane v10, v6  }
0x4af: {  	v12 =	vld [tilespmem:s19+$0xFFFFFFF0];
	p1 =	slt.u32 s18, $0x780;
	[tilespmem:s0+$0xFFFFFFE0] =	vst v13;
	v8 =	vperm.xlane v8, v6  }
0x4b0: {  	v13 =	vld [tilespmem:s19+$0xFFFFFFE0];
	[tilespmem:s0+$0xFFFFFFF0] =	vst v10;
	v7 =	vperm.xlane v7, v6  }
.Ltmp19:
0x4b1: {  	v10 =	vld [tilespmem:s19+$0xFFFFFFD0];
	[tilespmem:s0+$0x0] =	vst v8;
	v9 =	vperm.xlane v9, v6;
	(pc) =	sbr.rel @p1 .LBB2_34-.Ltmp19, $4  }
0x4b2: {  	v8 =	vld [tilespmem:s19+$0xFFFFFFC0];
	v11 =	vperm.xlane v11, v6;
	[tilespmem:s0+$0x10] =	vst v7  }
0x4b3: {  	v7 =	vld [tilespmem:s19+$0xFFFFFFB0];
	v14 =	vperm.xlane v14, v6;
	[tilespmem:s0+$0x20] =	vst v9  }
0x4b4: {  	v12 =	vperm.xlane v12, v6;
	v9 =	vld [tilespmem:s19+$0xFFFFFFA0];
	[tilespmem:s0+$0xFFFFFFC0] =	vst v11;
	s0 =	sadd.s32 $0x80, s0  }
0x4b5: {  	v11 =	vld [tilespmem:s19+$0x0];
	v13 =	vperm.xlane v13, v6;
	[tilespmem:s0+$0x30] =	vst v14;
	s19 =	sadd.s32 $0xFFFFFF80, s19  }
0x4b6: {  	[tilespmem:s0+$0xFFFFFFD0] =	vst v12;
	v10 =	vperm.xlane v10, v6  }
0x4b7: {  	[tilespmem:s0+$0xFFFFFFE0] =	vst v13;
	v8 =	vperm.xlane v8, v6  }
0x4b8: {  	[tilespmem:s0+$0xFFFFFFF0] =	vst v10;
	v7 =	vperm.xlane v7, v6  }
0x4b9: {  	[tilespmem:s0+$0x0] =	vst v8;
	v63 =	vperm.xlane v9, v6  }
0x4ba: {  	v6 =	vperm.xlane v11, v6;
	[tilespmem:s0+$0x10] =	vst v7  }
0x4bb: {  	[tilespmem:s0+$0x20] =	vst v63  }
.Ltmp20:
0x4bc: {  	[tilespmem:s0+$0xFFFFFFC0] =	vst v6;
	(pc) =	sbr.rel .LBB2_36-.Ltmp20, $4  }
0x4bd: {  	[hbm4b:s6+s10] =	stream.strided.scatter [tilespmem:s12], [sflag:$0x1], $0x1000, s11, s10, $0x38;
	[tilespmem:$0x7180] =	vst v63  }
0x4be: {  	_ =	swait.ge [sflag:s16], $0x1000  }
0x4bf: {  	[sflag:s16] =	ssyncset.done $0x0  }
0x4c0: {  	[sflag:s16] =	ssyncadd.s32 $0xFFFFF000  }
.LBB2_37:
0x4c1: {  	_ =	sfence.sel $0x180000  }
0x4c2: {  	[bflag:$0x0] =	sbarrier.arrive $0xFFFF  }
0x4c3: {  	_ =	strace $0x90000047  }
0x4c4: {  	[bflag:$0x2] =	sbarrier.arrive $0xFFFF  }
0x4c5: {  	p0 =	sne.s32 s3, $0x0;
	s0 =	rddreg [dreg:$0x2]  }
0x4c6: {  	s0 =	sadd.s32 @!p0 $0x100000, s0  }
0x4c7: {  	[sflag:s0] =	ssyncadd.tile.s32 @!p0 $0x1;
	_ =	shalt  }
.Lfunc_end2:
_tile_overlayer_lowered:
.L_overlay_start_2:
0x4c8: {  	(tag) =	ssettag $0x2  }
0x4c9: {  	s0 =	rddreg [dreg:$0x0];
	s2 =	stileid.u32  }
0x4ca: {  	s1 =	rddreg [dreg:$0x1];
	p0 =	sne.s32 s2, $0x0  }
0x4cb: {  	s3 =	rddreg [dreg:$0x2];
	[bflag:$0x3] =	sbarrier.arrive $0xFFFF;
	s2 =	simm.s32 @!p0 $0x1C02  }
0x4cc: {  	[timem:s3], [sflag:s2] =	dma.local @!p0 [hbm:s0], s1  }
0x4cd: {  	s0 =	simm.s32 @!p0 $0x2  }
0x4ce: {  	_ =	swait.ge @!p0 [sflag:s0], s1  }
0x4cf: {  	s1 =	ssub.s32 @!p0 $0x0, s1;
	[sflag:s0] =	ssyncset.done @!p0 $0x0  }
0x4d0: {  	[sflag:s0] =	ssyncadd.s32 @!p0 s1  }
0x4d1: {  	[bflag:$0x3] =	sbarrier.arrive $0xFFFF  }
0x4d2: {  	_ =	shalt  }

// kernel: sparse-core-data-format-call.cloned.1.call-start
scs
called_computation_lowered:
.L_overlay_start_0:
0x0: {  	s2 =	sld [smem:$0x3FD9]  }
0x1: {  	s3 =	sld [smem:$0x3FFE];
	_ =	sdelay $0x1  }
0x2: {  	s1 =	srdreg.scid  }
0x3: {  	s0 =	sand.u32 $0x1, s1  }
0x4: {  	s15 =	sshll.u32 s0, $0xA;
	s2 =	sadd.s32 s3, s2  }
0x5: {  	s2 =	sadd.s32 s2, s15  }
0x6: {  	[smem:$0x3FC6] =	sst s2  }
0x7: {  	_ = 	snop  }
0x8: {  	s2 =	sld [smem:$0x3FD0];
	_ =	sdelay $0x2  }
0x9: {  	s16 =	simm.s32 $0xA;
	s4 =	simm.s32 $0x10  }
0xa: {  	[smem:s4], [sflag:s16] =	dma.local [hbm:s2], $0x1  }
0xb: {  	_ =	swait.eq [sflag:s16], $0x1  }
0xc: {  	[sflag:s16] =	ssyncset.done $0x0  }
0xd: {  	[sflag:s16] =	ssyncadd.s32 $0xFFFFFFFF  }
0xe: {  	s17 =	sld [smem:$0x12];
	(tm) =	ssettm $0x1  }
0xf: {  	s18 =	sld [smem:$0x3FFB];
	_ =	sdelay $0x3  }
0x10: {  	_ =	strace s18  }
0x11: {  	s3 =	sld [smem:$0x3FFC];
	_ =	sdelay $0x3  }
0x12: {  	_ =	strace s3  }
0x13: {  	s3 =	sld [smem:$0x3FFD];
	_ =	sdelay $0x3  }
0x14: {  	_ =	strace s3  }
0x15: {  	_ =	strace $0x8FFFFFFF  }
0x16: {  	s19 =	sld [smem:$0x3FDB];
	_ =	sdelay $0x1  }
0x17: {  	s20 =	simm.s32 $_scs_section_size  }
0x18: {  	s5 =	simm.s32 $_size__tile_overlayer_lowered;
	s6 =	simm.s32 $_tile_overlayer_lowered  }
0x19: {  	s23 =	simm.s32 $0x1BFF;
	s22 =	sshll.u32 s6, $0x1;
	s3 =	sadd.s32 s20, s19  }
0x1a: {  	s7 =	simm.s32 $0x0;
	s21 =	sshll.u32 s5, $0x1;
	s5 =	sadd.s32 s22, s3  }
0x1b: {  	[timem:s7], [sflag:s23] =	dma.local [hbm:s5], s21  }
0x1c: {  	_ =	swait.ge [sflag:s23], s21  }
0x1d: {  	s4 =	ssub.s32 $0x0, s21;
	[sflag:s23] =	ssyncset.done $0x0  }
0x1e: {  	[sflag:s23] =	ssyncadd.s32 s4;
	_ =	sdelay $0x1  }
0x1f: {  	s24 =	simm.s32 $0x1B8B  }
0x20: {  	_ =	swait.ge [sflag:s24], $0x1  }
0x21: {  	[sflag:s24] =	ssyncset.done $0x0  }
0x22: {  	s26 =	simm.s32 $0x1B8E;
	s25 =	sld [smem:$0x3FFE];
	[sflag:s24] =	ssyncadd.s32 $0xFFFFFFFF  }
0x23: {  	s27 =	simm.s32 $execute0_lowered;
	[smem:$0x3FD2] =	sst s26  }
0x24: {  	s5 =	sshll.u32 s27, $0x1;
	_ =	strace $0x80000049;
	[dreg:$0x1] =	wrdreg $0xFFFFFFFF  }
0x25: {  	s28 =	simm.s32 $_size_execute0_lowered;
	s3 =	sadd.s32 s3, s5;
	[dreg:$0x0] =	wrdreg $0x0  }
0x26: {  	s5 =	sshll.u32 s28, $0x1;
	[dreg:$0x2] =	wrdreg s3  }
0x27: {  	[dreg:$0x3] =	wrdreg s5  }
0x28: {  	[dreg:$0x4] =	wrdreg $0xC0  }
0x29: {  	_ =	task [dreg:s7], $0x5FFFF  }
0x2a: {  	[dreg:$0x1] =	wrdreg $0xFFFFFFFF  }
0x2b: {  	[dreg:$0x0] =	wrdreg $0x60  }
0x2c: {  	[dreg:$0x2] =	wrdreg s25  }
0x2d: {  	[dreg:$0x3] =	wrdreg s17  }
0x2e: {  	[dreg:$0x4] =	wrdreg $0x9  }
0x2f: {  	_ =	task.clear_ibuf [dreg:s7], $0x5FFFF;
	_ =	strace $0x90000049  }
0x30: {  	s29 =	simm.s32 $0x9;
	_ =	strace $0x8000004B  }
0x31: {  	_ =	swait.ge [sflag:s29], $0x1  }
0x32: {  	[sflag:s29] =	ssyncadd.s32 $0xFFFFFFFF  }
0x33: {  	_ =	strace $0x9000004B  }
0x34: {  	_ =	sfence  }
0x35: {  	s30 =	sld [smem:$0x0];
	_ =	sdelay $0x2  }
0x36: {  	s31 =	sshll.u32 s1, $0xD;
	s1 =	sshrl.u32 s1, $0x2  }
0x37: {  	s3 =	sand.u32 $0x4000, s31;
	s1 =	sadd.s32 s1, s30  }
0x38: {  	s0 =	sor.u32 s3, s0;
	s1 =	sshll.u32 s1, $0x11  }
0x39: {  	s0 =	sor.u32 s1, s0  }
0x3a: {  	s0 =	sadd.s32 $0x8F2B, s0  }
0x3b: {  	[sflag:s0] =	ssyncadd.remote.s32 $0x1  }
0x3c: {  	_ =	sfence.sel $0xFFFF  }
0x3d: {  	[dreg:$0x0] =	wrdreg $0xFFFFFFFF;
	(pc) =	sbr.abs _section_cstart, $3  }
0x3e: {  	[dreg:$0x1] =	wrdreg $0xFFFFFFFF  }
0x3f: {  	_ =	task.clear_ibuf [dreg:s7], $0x2FFFF;
	_ =	strace $0x9FFFFFFF  }
0x40: {  	(tm) =	ssettm $0x7FFFFFFF  }
0x41: {  	_ =	shalt  }
tec
execute0_lowered:
.L_overlay_start_1:
0x0: {  	(tag) =	ssettag $0x1  }
0x1: {  	s0 =	srdreg.scid;
	s4 =	rddreg [dreg:$0x0]  }
0x2: {  	s2 =	rddreg [dreg:$0x1];
	s7 =	simm.s32 $0x1;
	s1 =	sshll.u32 s0, $0x4  }
0x3: {  	s8 =	simm.s32 $0x2;
	s0 =	stileid.u32;
	s1 =	sand.u32 $0x10, s1  }
0x4: {  	s13 =	simm.s32 $0x0;
	s9 =	simm.s32 $0x0;
	s1 =	sor.u32 s0, s1  }
0x5: {  	s14 =	simm.s32 $0x0;
	s10 =	simm.s32 $0x0;
	s3 =	sshll.u32 s1, $0x3  }
0x6: {  	s12 =	simm.s32 $0x0;
	s4 =	sadd.s32 $0xE00, s4;
	s6 =	ssub.s32 $0x1000, s3  }
.Ltmp0:
0x7: {  	s1 =	rddreg [dreg:$0x2];
	s5 =	sand.u32 $0xF8, s6;
	(pc) =	sbr.rel .LBB1_1-.Ltmp0, $4  }
0x8: {  	_ =	strace $0x8000004A;
	p0 =	sne.s32 s5, $0x0;
	s5 =	simm.s32 $0x1  }
0x9: {  	s6 =	sshrl.u32 s6, $0x8;
	s7 =	simm.s32 @!p0 $0x0;
	[sflag:s5] =	ssyncpa.u1 $0x0  }
0xa: {  	s11 =	smov.u32 s3;
	s7 =	sadd.s32 s7, s6;
	[sflag:s8] =	ssyncpa.u1 $0x0  }
0xb: {  	s8 =	simm.s32 $0x1000;
	s6 =	sshll.u32 s7, $0x1;
	s7 =	sshllo.u32 s7, $0x1  }
.LBB1_7:
0xc: {  	s15 =	sadd.s32 $0x800, s10  }
0xd: {  	s13 =	sadd.s32 $0x100, s11;
	s17 =	smov.u32 s11;
	p1 =	sgt.s32 s15, $0xFFF  }
0xe: {  	s17 =	smov.u32 @p1 s13  }
0xf: {  	s15 =	simm.s32 @p1 $0x0;
	p1 =	sgt.s32 s17, $0xFFF  }
0x10: {  	s17 =	smov.u32 @p1 s3;
	p1 =	sne.s32 s12, s7  }
.Ltmp1:
0x11: {  	p0 =	slt.u32 s12, $0x2;
	(pc) =	sbr.rel @!p1 .LBB1_8-.Ltmp1, $4  }
0x12: {  	s16 =	simm.s32 @!p0 $0x2  }
0x13: {  	s14 =	smov.u32 s11;
	s9 =	sadd.s32 $0x4000, s9;
	_ =	swait.ge @!p0 [sflag:s16], $0x4000  }
0x14: {  	s13 =	smov.u32 s10;
	[sflag:s16] =	ssyncset.done @!p0 $0x0;
	s10 =	smov.u32 s15  }
0x15: {  	s12 =	sadd.s32 $0x1, s12;
	[sflag:s16] =	ssyncadd.s32 @!p0 $0xFFFFC000;
	s11 =	smov.u32 s17  }
.LBB1_1:
0x16: {  	p0 =	sge.u32 s12, s6  }
0x17: {  	s15 =	sand.u32 @!p0 $0x78, s10;
	s16 =	sshll.u32 @!p0 s11, $0xC;
	s17 =	sshll.u32 @!p0 s11, $0x7  }
0x18: {  	s18 =	sshll.u32 @!p0 s10, $0x3;
	s16 =	sand.u32 @!p0 $0xFF8000, s16;
	s17 =	sand.u32 @!p0 $0x380, s17  }
0x19: {  	s16 =	sadd.s32 @!p0 s16, s18;
	s18 =	sand.u32 @!p0 $0xC00, s18;
	s15 =	sor.u32 @!p0 s17, s15  }
0x1a: {  	s16 =	sand.u32 @!p0 $0xFFF000, s16;
	s15 =	sor.u32 @!p0 s18, s15  }
0x1b: {  	s17 =	sxor.u32 @!p0 $0xFFFFFFFF, s12;
	s15 =	sor.u32 @!p0 s16, s15  }
0x1c: {  	s31 =	sadd.s32 $0xFFFFFFFF, s12;
	s16 =	sshll.u32 @!p0 s17, $0xE;
	s15 =	sshrl.u32 @!p0 s15, $0x3  }
0x1d: {  	s17 =	sand.u32 @!p0 $0x7, s10;
	s16 =	sand.u32 @!p0 $0x4000, s16;
	s15 =	sadd.s32 @!p0 s4, s15  }
0x1e: {  	[tilespmem:s16], [sflag:$0x1] =	stream.linear.gather @!p0 [hbm4b:s15+s17], $0x4000, $0x38;
	[tilespmem:$0x10000] =	vst v63  }
0x1f: {  	p0 =	sge.u32 s31, s6  }
.Ltmp2:
0x20: {  	_ = 	snop;
	(pc) =	sbr.rel @p0 .LBB1_7-.Ltmp2, $1  }
0x21: {  	_ =	sdelay $0x3  }
0x22: {  	s15 =	sand.u32 $0x4000, s9  }
0x23: {  	_ =	swait.ge [sflag:s5], $0x4000;
	s18 =	sshll.u32 s12, $0xE;
	s16 =	sor.u32 $0x8100, s15  }
0x24: {  	s17 =	sor.u32 $0x800, s15;
	[sflag:s5] =	ssyncset.done $0x0;
	s31 =	sand.u32 $0x4000, s18  }
0x25: {  	s18 =	simm.s32 $0x0;
	[sflag:s5] =	ssyncadd.s32 $0xFFFFC000;
	s15 =	sor.u32 $0x8000, s31  }
.LBB1_3:
0x26: {  	v0 =	vld [tilespmem:s17+$0x470]  }
0x27: {  	v1 =	vld [tilespmem:s17+$0xFFFFF810]  }
0x28: {  	v2 =	vld [tilespmem:s17+$0xFFFFF820]  }
0x29: {  	v3 =	vld [tilespmem:s17+$0xFFFFF830]  }
0x2a: {  	v4 =	vld [tilespmem:s17+$0xFFFFF840]  }
0x2b: {  	v5 =	vld [tilespmem:s17+$0xFFFFF850];
	[tilespmem:s16+$0xF0] =	vst v0  }
0x2c: {  	[tilespmem:s16+$0xFFFFFF10] =	vst v1;
	v0 =	vld [tilespmem:s17+$0xFFFFF860]  }
0x2d: {  	[tilespmem:s16+$0xFFFFFF20] =	vst v2;
	v1 =	vld [tilespmem:s17+$0xFFFFF870]  }
0x2e: {  	[tilespmem:s16+$0xFFFFFF30] =	vst v3;
	v2 =	vld [tilespmem:s17+$0xFFFFFC00]  }
0x2f: {  	[tilespmem:s16+$0xFFFFFF40] =	vst v4;
	v3 =	vld [tilespmem:s17+$0xFFFFFC10]  }
0x30: {  	[tilespmem:s16+$0xFFFFFF50] =	vst v5;
	v4 =	vld [tilespmem:s17+$0xFFFFFC20]  }
0x31: {  	v5 =	vld [tilespmem:s17+$0x420];
	[tilespmem:s16+$0xFFFFFF60] =	vst v0  }
0x32: {  	v0 =	vld [tilespmem:s17+$0xFFFFFC30];
	[tilespmem:s16+$0xFFFFFF70] =	vst v1  }
0x33: {  	v1 =	vld [tilespmem:s17+$0xFFFFFC40];
	[tilespmem:s16+$0xFFFFFF80] =	vst v2  }
0x34: {  	[tilespmem:s16+$0xFFFFFF90] =	vst v3;
	v3 =	vld [tilespmem:s17+$0xFFFFFC60]  }
0x35: {  	[tilespmem:s16+$0xFFFFFFA0] =	vst v4;
	v4 =	vld [tilespmem:s17+$0xFFFFFC70]  }
0x36: {  	v2 =	vld [tilespmem:s17+$0xFFFFFC50];
	[tilespmem:s16+$0xA0] =	vst v5  }
0x37: {  	[tilespmem:s16+$0xFFFFFFB0] =	vst v0;
	v0 =	vld [tilespmem:s17+$0x0]  }
0x38: {  	[tilespmem:s16+$0xFFFFFFC0] =	vst v1;
	v1 =	vld [tilespmem:s17+$0x10]  }
0x39: {  	[tilespmem:s16+$0xFFFFFFE0] =	vst v3;
	v3 =	vld [tilespmem:s17+$0x30]  }
0x3a: {  	[tilespmem:s16+$0xFFFFFFF0] =	vst v4;
	v4 =	vld [tilespmem:s17+$0x40]  }
0x3b: {  	[tilespmem:s16+$0xFFFFFFD0] =	vst v2;
	v2 =	vld [tilespmem:s17+$0x20]  }
0x3c: {  	[tilespmem:s16+$0x0] =	vst v0;
	v0 =	vld [tilespmem:s17+$0x50]  }
0x3d: {  	[tilespmem:s16+$0x10] =	vst v1;
	v1 =	vld [tilespmem:s17+$0x60]  }
0x3e: {  	[tilespmem:s16+$0x30] =	vst v3;
	v3 =	vld [tilespmem:s17+$0x400]  }
0x3f: {  	[tilespmem:s16+$0x40] =	vst v4;
	v4 =	vld [tilespmem:s17+$0x410]  }
0x40: {  	[tilespmem:s16+$0x20] =	vst v2;
	v2 =	vld [tilespmem:s17+$0x70]  }
0x41: {  	[tilespmem:s16+$0x50] =	vst v0;
	v0 =	vld [tilespmem:s17+$0x430]  }
0x42: {  	[tilespmem:s16+$0x60] =	vst v1;
	v1 =	vld [tilespmem:s17+$0x440]  }
0x43: {  	[tilespmem:s16+$0x80] =	vst v3;
	v3 =	vld [tilespmem:s17+$0x450]  }
0x44: {  	[tilespmem:s16+$0x90] =	vst v4;
	v4 =	vld [tilespmem:s17+$0x460]  }
0x45: {  	s20 =	simm.s32 $0x0;
	s21 =	sadd.s32 $0x1000, s17;
	s19 =	smov.u32 s16;
	[tilespmem:s16+$0x70] =	vst v2;
	v2 =	vld [tilespmem:s17+$0xFFFFF800]  }
.LBB1_4:
0x46: {  	v5 =	vld [tilespmem:s21+$0x470];
	s20 =	sadd.s32 $0x200, s20;
	[tilespmem:s19+$0xB0] =	vst v0  }
0x47: {  	v0 =	vld [tilespmem:s21+$0xFFFFF810];
	p0 =	slt.u32 s20, $0x600;
	[tilespmem:s19+$0xC0] =	vst v1  }
0x48: {  	v1 =	vld [tilespmem:s21+$0xFFFFF820];
	[tilespmem:s19+$0xD0] =	vst v3  }
0x49: {  	v3 =	vld [tilespmem:s21+$0xFFFFF830];
	[tilespmem:s19+$0xE0] =	vst v4  }
0x4a: {  	v4 =	vld [tilespmem:s21+$0xFFFFF840];
	[tilespmem:s19+$0xFFFFFF00] =	vst v2;
	s19 =	sadd.s32 $0x200, s19  }
0x4b: {  	v2 =	vld [tilespmem:s21+$0xFFFFF850];
	[tilespmem:s19+$0xF0] =	vst v5  }
0x4c: {  	[tilespmem:s19+$0xFFFFFF10] =	vst v0;
	v0 =	vld [tilespmem:s21+$0xFFFFF860]  }
0x4d: {  	[tilespmem:s19+$0xFFFFFF20] =	vst v1;
	v1 =	vld [tilespmem:s21+$0xFFFFF870]  }
0x4e: {  	[tilespmem:s19+$0xFFFFFF30] =	vst v3;
	v3 =	vld [tilespmem:s21+$0xFFFFFC00]  }
0x4f: {  	[tilespmem:s19+$0xFFFFFF40] =	vst v4;
	v4 =	vld [tilespmem:s21+$0xFFFFFC10]  }
0x50: {  	[tilespmem:s19+$0xFFFFFF50] =	vst v2;
	v2 =	vld [tilespmem:s21+$0xFFFFFC20]  }
0x51: {  	[tilespmem:s19+$0xFFFFFF60] =	vst v0;
	v0 =	vld [tilespmem:s21+$0xFFFFFC30]  }
0x52: {  	[tilespmem:s19+$0xFFFFFF70] =	vst v1;
	v1 =	vld [tilespmem:s21+$0xFFFFFC40]  }
0x53: {  	[tilespmem:s19+$0xFFFFFF80] =	vst v3;
	v3 =	vld [tilespmem:s21+$0xFFFFFC50]  }
0x54: {  	[tilespmem:s19+$0xFFFFFF90] =	vst v4;
	v4 =	vld [tilespmem:s21+$0xFFFFFC60]  }
0x55: {  	[tilespmem:s19+$0xFFFFFFA0] =	vst v2;
	v2 =	vld [tilespmem:s21+$0xFFFFFC70]  }
0x56: {  	[tilespmem:s19+$0xFFFFFFB0] =	vst v0;
	v0 =	vld [tilespmem:s21+$0x0]  }
0x57: {  	[tilespmem:s19+$0xFFFFFFC0] =	vst v1;
	v1 =	vld [tilespmem:s21+$0x10]  }
0x58: {  	[tilespmem:s19+$0xFFFFFFD0] =	vst v3;
	v3 =	vld [tilespmem:s21+$0x20]  }
0x59: {  	[tilespmem:s19+$0xFFFFFFE0] =	vst v4;
	v4 =	vld [tilespmem:s21+$0x30]  }
0x5a: {  	[tilespmem:s19+$0xFFFFFFF0] =	vst v2;
	v2 =	vld [tilespmem:s21+$0x40]  }
0x5b: {  	[tilespmem:s19+$0x0] =	vst v0;
	v0 =	vld [tilespmem:s21+$0x50]  }
0x5c: {  	[tilespmem:s19+$0x10] =	vst v1;
	v1 =	vld [tilespmem:s21+$0x60]  }
0x5d: {  	[tilespmem:s19+$0x20] =	vst v3;
	v3 =	vld [tilespmem:s21+$0x70]  }
0x5e: {  	[tilespmem:s19+$0x30] =	vst v4;
	v4 =	vld [tilespmem:s21+$0x400]  }
0x5f: {  	[tilespmem:s19+$0x40] =	vst v2;
	v2 =	vld [tilespmem:s21+$0x410]  }
0x60: {  	[tilespmem:s19+$0x50] =	vst v0;
	v5 =	vld [tilespmem:s21+$0x420]  }
.Ltmp3:
0x61: {  	[tilespmem:s19+$0x60] =	vst v1;
	v0 =	vld [tilespmem:s21+$0x430];
	(pc) =	sbr.rel @p0 .LBB1_4-.Ltmp3, $4  }
0x62: {  	[tilespmem:s19+$0x70] =	vst v3;
	v1 =	vld [tilespmem:s21+$0x440]  }
0x63: {  	[tilespmem:s19+$0x80] =	vst v4;
	v3 =	vld [tilespmem:s21+$0x450]  }
0x64: {  	[tilespmem:s19+$0x90] =	vst v2;
	v4 =	vld [tilespmem:s21+$0x460]  }
0x65: {  	v2 =	vld [tilespmem:s21+$0xFFFFF800];
	[tilespmem:s19+$0xA0] =	vst v5;
	s21 =	sadd.s32 $0x1000, s21  }
0x66: {  	s18 =	sadd.s32 $0x1, s18  }
0x67: {  	p0 =	sne.s32 s18, $0x8  }
.Ltmp4:
0x68: {  	[tilespmem:s19+$0xB0] =	vst v0;
	(pc) =	sbr.rel @p0 .LBB1_3-.Ltmp4, $4  }
0x69: {  	[tilespmem:s19+$0xC0] =	vst v1  }
0x6a: {  	[tilespmem:s19+$0xD0] =	vst v3  }
0x6b: {  	[tilespmem:s19+$0xE0] =	vst v4  }
0x6c: {  	s16 =	sadd.s32 $0x800, s16;
	s17 =	sadd.s32 $0x80, s17;
	[tilespmem:s19+$0xFFFFFF00] =	vst v2  }
.Ltmp5:
0x6d: {  	(pc) =	sbr.rel .LBB1_7-.Ltmp5, $4  }
0x6e: {  	s14 =	sshll.u32 s14, $0x9;
	s16 =	sshrl.u32 s13, $0x3;
	s31 =	sand.u32 $0x7, s13  }
0x6f: {  	s16 =	sand.u32 $0x1FF, s16;
	s14 =	sadd.s32 s2, s14;
	s13 =	sshll.u32 s31, $0x12  }
0x70: {  	s14 =	sadd.s32 s16, s14;
	s13 =	sor.u32 $0x800, s13  }
0x71: {  	[hbm4b:s14+s13] =	stream.strided.scatter [tilespmem:s15], [sflag:$0x2], $0x4000, s8, s13, $0x38;
	[tilespmem:$0x10000] =	vst v63  }
.LBB1_8:
0x72: {  	_ =	sfence.sel $0x180000  }
0x73: {  	s2 =	simm.s32 $0x1;
	[bflag:$0x0] =	sbarrier.arrive $0xFFFF  }
0x74: {  	s31 =	simm.s32 $0x2;
	[sflag:s2] =	ssyncpa.u1 $0x1  }
0x75: {  	[sflag:s31] =	ssyncpa.u1 $0x1  }
0x76: {  	p0 =	sne.s32 s0, $0x0;
	_ =	strace $0x9000004A  }
0x77: {  	s0 =	sadd.s32 @!p0 $0x100000, s1;
	[bflag:$0x2] =	sbarrier.arrive $0xFFFF  }
0x78: {  	[sflag:s0] =	ssyncadd.tile.s32 @!p0 $0x1;
	_ =	shalt  }
.Lfunc_end1:
_tile_overlayer_lowered:
.L_overlay_start_2:
0x79: {  	(tag) =	ssettag $0x2  }
0x7a: {  	s0 =	rddreg [dreg:$0x0];
	s2 =	stileid.u32  }
0x7b: {  	s1 =	rddreg [dreg:$0x1];
	p0 =	sne.s32 s2, $0x0  }
0x7c: {  	s3 =	rddreg [dreg:$0x2];
	[bflag:$0x3] =	sbarrier.arrive $0xFFFF;
	s2 =	simm.s32 @!p0 $0x1C01  }
0x7d: {  	[timem:s3], [sflag:s2] =	dma.local @!p0 [hbm:s0], s1  }
0x7e: {  	s0 =	simm.s32 @!p0 $0x1  }
0x7f: {  	_ =	swait.ge @!p0 [sflag:s0], s1  }
0x80: {  	s1 =	ssub.s32 @!p0 $0x0, s1;
	[sflag:s0] =	ssyncset.done @!p0 $0x0  }
0x81: {  	[sflag:s0] =	ssyncadd.s32 @!p0 s1  }
0x82: {  	[bflag:$0x3] =	sbarrier.arrive $0xFFFF  }
0x83: {  	_ =	shalt  }

</sc_bundles>
